<compile_context>
chip_gen: v7x
topology: tpu7x:2x2x1
jax: 0.10.2.dev20260603
libtpu: 0.0.44.dev20260713+nightly
codegen_flags: <defaults>
</compile_context>

<pallas_src>
import jax
import jax.numpy as jnp
from jax import lax
from jax.experimental import pallas as pl
from jax.experimental.pallas import tpu as pltpu
from jax.experimental.pallas import tpu_sc as plsc

_D = 64
_W = 128
_L = 16
_EPS = 1e-5
_NC = 2
_NS = 16
_NW = _NC * _NS
_CHUNK = 128
_NG = 4
_NS_BUF = 2

_GDN = lax.GatherDimensionNumbers(
    offset_dims=(), collapsed_slice_dims=(0,), start_index_map=(0,))


def _shuffle(v, p2d):
    return lax.gather(v, p2d, _GDN, slice_sizes=(1,),
                      mode=lax.GatherScatterMode.PROMISE_IN_BOUNDS)


def _ln_body(x_hbm, tpad_hbm, gamma_hbm, beta_hbm, out_hbm,
             idx_all, gbuf, sbuf, gsem, ssem, gam_v, bet_v):
    total = x_hbm.shape[0]
    rpw = total // _NW
    nchunk = rpw // _CHUNK
    wid = lax.axis_index("s") * _NC + lax.axis_index("c")
    base = wid * rpw

    pltpu.sync_copy(x_hbm.at[pl.ds(base, rpw)], idx_all)
    pltpu.sync_copy(gamma_hbm, gam_v)
    pltpu.sync_copy(beta_hbm, bet_v)

    iota = lax.iota(jnp.int32, _L)
    perms = [(iota ^ jnp.int32(1 << k)).reshape(_L, 1) for k in range(4)]
    gs = [gam_v[pl.ds(d * _L, _L)] for d in range(4)]
    bs = [bet_v[pl.ds(d * _L, _L)] for d in range(4)]
    ones_i = jnp.full((_L,), 1, jnp.int32)

    def start_gather(g, b):
        half = _CHUNK // 2
        pltpu.async_copy(
            tpad_hbm.at[idx_all.at[pl.ds(g * _CHUNK, half)]],
            gbuf[b].at[pl.ds(0, half)], gsem[b])
        pltpu.async_copy(
            tpad_hbm.at[idx_all.at[pl.ds(g * _CHUNK + half, half)]],
            gbuf[b].at[pl.ds(half, half)], gsem[b])

    def wait_gather(b):
        pltpu.make_async_copy(
            tpad_hbm.at[pl.ds(0, _CHUNK)], gbuf[b], gsem[b]).wait()

    def start_store(g, s):
        pltpu.async_copy(
            sbuf[s], out_hbm.at[pl.ds(base + g * _CHUNK, _CHUNK)], ssem[s])

    def wait_store(s):
        pltpu.make_async_copy(
            sbuf[s], out_hbm.at[pl.ds(0, _CHUNK)], ssem[s]).wait()

    def compute(b, s):
        gb = gbuf[b]
        sb = sbuf[s]

        @plsc.parallel_loop(0, _CHUNK, unroll=4)
        def _row(r):
            vs = [gb[r, pl.ds(d * _L, _L)] for d in range(4)]
            ssum = (vs[0] + vs[1]) + (vs[2] + vs[3])
            q = (vs[0] * vs[0] + vs[1] * vs[1]) + (
                vs[2] * vs[2] + vs[3] * vs[3])
            for p in perms:
                ssum = ssum + _shuffle(ssum, p)
                q = q + _shuffle(q, p)
            mean = ssum * jnp.float32(1.0 / _D)
            var = q * jnp.float32(1.0 / _D) - mean * mean + jnp.float32(_EPS)
            ibits = lax.bitcast_convert_type(var, jnp.int32)
            ibits = jnp.int32(0x5F3759DF) - lax.shift_right_arithmetic(
                ibits, ones_i)
            y = lax.bitcast_convert_type(ibits, jnp.float32)
            half = var * jnp.float32(0.5)
            y = y * (jnp.float32(1.5) - half * y * y)
            y = y * (jnp.float32(1.5) - half * y * y)
            for d in range(4):
                sb[r, pl.ds(d * _L, _L)] = (vs[d] - mean) * y * gs[d] + bs[d]

    for g in range(_NG):
        start_gather(g, g)

    @pl.loop(0, nchunk, step=_NG)
    def _blk(g0):
        for db in range(_NG):
            g = g0 + db
            s = db % _NS_BUF
            wait_gather(db)

            @pl.when(g >= _NS_BUF)
            def _ws():
                wait_store(s)

            compute(db, s)
            start_store(g, s)

            @pl.when(g + _NG < nchunk)
            def _pf():
                start_gather(g + _NG, db)

    for s in range(_NS_BUF):
        wait_store(s)


def kernel(x, table, gamma, beta):
    b, h = x.shape
    total = b * h
    xf = x.reshape(total)
    tpad = jnp.pad(table, ((0, 0), (0, _W - _D)))
    rpw = total // _NW
    mesh = plsc.VectorSubcoreMesh(core_axis_name="c", subcore_axis_name="s")
    fn = pl.kernel(
        _ln_body,
        out_type=jax.ShapeDtypeStruct((total, _D), jnp.float32),
        mesh=mesh,
        scratch_types=[
            pltpu.VMEM((rpw,), jnp.int32),
            [pltpu.VMEM((_CHUNK, _W), jnp.float32) for _ in range(_NG)],
            [pltpu.VMEM((_CHUNK, _D), jnp.float32) for _ in range(_NS_BUF)],
            [pltpu.SemaphoreType.DMA for _ in range(_NG)],
            [pltpu.SemaphoreType.DMA for _ in range(_NS_BUF)],
            pltpu.VMEM((_D,), jnp.float32),
            pltpu.VMEM((_D,), jnp.float32),
        ],
    )
    out = fn(xf, tpad, gamma, beta)
    return out.reshape(b, h, _D)

# --- scband reference (transcript-rebuilt; emitter-appended) ---
"""Pipeline reference for scband-gene-encoder-19688130085394 (READ-ONLY COPY).

The authoritative reference and input builder live on the scoring server;
editing this copy changes nothing except your own understanding.
"""

import jax, jax.numpy as jnp
import numpy as np

NUM_EMBEDDINGS = 1000000
EMBED_DIM = 64
BATCH = 4096
HIST = 200
EPS = 1e-5


def setup_inputs(seed: int = 0) -> dict:
    key = jax.random.key(seed)
    k1, k2 = jax.random.split(key, 2)
    x = jax.random.randint(k1, (BATCH, HIST), 0, NUM_EMBEDDINGS, dtype=jnp.int32)
    table = jax.random.normal(k2, (NUM_EMBEDDINGS, EMBED_DIM), dtype=jnp.float32)
    gamma = jnp.ones((EMBED_DIM,), dtype=jnp.float32)
    beta = jnp.zeros((EMBED_DIM,), dtype=jnp.float32)
    return {"x": x, "table": table, "gamma": gamma, "beta": beta}


def reference(x, table, gamma, beta):
    # nn.Embedding -> gather rows from the learned table
    emb = jnp.take(table, x, axis=0)  # [B, L, D]
    # nn.LayerNorm over last dim (elementwise affine)
    mean = jnp.mean(emb, axis=-1, keepdims=True)
    var = jnp.var(emb, axis=-1, keepdims=True)
    normed = (emb - mean) / jnp.sqrt(var + EPS)
    return normed * gamma + beta

if __name__ == "__main__":
    import jax
    _d = setup_inputs()
    print(jax.jit(kernel)(*tuple(_d.values())))

</pallas_src>

<mosaic_0001>
#map = affine_map<(d0, d1) -> (0)>
#map1 = affine_map<(d0, d1) -> (0, 0)>
module attributes {stable_mosaic.version = 14 : i64} {
  func.func @_ln_body(%arg0: i32, %arg1: i32, %arg2: memref<819200xi32, #tpu.memory_space<hbm>>, %arg3: memref<1000000x128xf32, #tpu.memory_space<hbm>>, %arg4: memref<64xf32, #tpu.memory_space<hbm>>, %arg5: memref<64xf32, #tpu.memory_space<hbm>>, %arg6: memref<819200x64xf32, #tpu.memory_space<hbm>>, %arg7: memref<25600xi32, #tpu.memory_space<vmem>>, %arg8: memref<128x128xf32, #tpu.memory_space<vmem>>, %arg9: memref<128x128xf32, #tpu.memory_space<vmem>>, %arg10: memref<128x128xf32, #tpu.memory_space<vmem>>, %arg11: memref<128x128xf32, #tpu.memory_space<vmem>>, %arg12: memref<128x64xf32, #tpu.memory_space<vmem>>, %arg13: memref<128x64xf32, #tpu.memory_space<vmem>>, %arg14: memref<!tpu.dma_semaphore, #tpu.memory_space<semaphore_mem>>, %arg15: memref<!tpu.dma_semaphore, #tpu.memory_space<semaphore_mem>>, %arg16: memref<!tpu.dma_semaphore, #tpu.memory_space<semaphore_mem>>, %arg17: memref<!tpu.dma_semaphore, #tpu.memory_space<semaphore_mem>>, %arg18: memref<!tpu.dma_semaphore, #tpu.memory_space<semaphore_mem>>, %arg19: memref<!tpu.dma_semaphore, #tpu.memory_space<semaphore_mem>>, %arg20: memref<64xf32, #tpu.memory_space<vmem>>, %arg21: memref<64xf32, #tpu.memory_space<vmem>>) attributes {dimension_semantics = [#tpu.dimension_semantics<core_parallel>, #tpu.dimension_semantics<subcore_parallel>], iteration_bounds = array<i64: 2, 16>, scalar_prefetch = 0 : i64, scratch_operands = 15 : i64, tpu.core_type = #tpu.core_type<sc_vector_subcore>, window_params = [{transform_indices = #map}, {transform_indices = #map1}, {transform_indices = #map}, {transform_indices = #map}, {transform_indices = #map1}]} {
    %mul3A = arith.constant 2 : i32
    %mul3A_0 = arith.muli %arg1, %mul3A : i32
    %add3A = arith.addi %mul3A_0, %arg0 : i32
    %mul3A_1 = arith.constant 25600 : i32
    %mul3A_2 = arith.muli %add3A, %mul3A_1 : i32
    "tpu.region"() ({
      %run_scoped3A = tpu.sem_alloc : memref<!tpu.dma_semaphore, #tpu.memory_space<semaphore_mem>>
      %dma_start3A_119 = tpu.memref_slice %arg2[%mul3A_2] : memref<819200xi32, #tpu.memory_space<hbm>> -> memref<25600xi32, #tpu.memory_space<hbm>>
      %dma_start3A_120 = tpu.memref_slice %arg2[%mul3A_2] : memref<819200xi32, #tpu.memory_space<hbm>> -> memref<25600xi32, #tpu.memory_space<hbm>>
      tpu.enqueue_dma source(%dma_start3A_120 : memref<25600xi32, #tpu.memory_space<hbm>>) target(%arg7 : memref<25600xi32, #tpu.memory_space<vmem>>) target_semaphore(%run_scoped3A : memref<!tpu.dma_semaphore, #tpu.memory_space<semaphore_mem>>)
      %dma_wait3A_121 = tpu.memref_slice %arg2[%mul3A_2] : memref<819200xi32, #tpu.memory_space<hbm>> -> memref<25600xi32, #tpu.memory_space<hbm>>
      %dma_wait3A_122 = tpu.memref_slice %arg2[%mul3A_2] : memref<819200xi32, #tpu.memory_space<hbm>> -> memref<25600xi32, #tpu.memory_space<hbm>>
      tpu.wait_dma2 semaphore(%run_scoped3A : memref<!tpu.dma_semaphore, #tpu.memory_space<semaphore_mem>>) src(%dma_wait3A_122 : memref<25600xi32, #tpu.memory_space<hbm>>) dst(%arg7 : memref<25600xi32, #tpu.memory_space<vmem>>)
      tpu.yield
    }) : () -> ()
    "tpu.region"() ({
      %run_scoped3A = tpu.sem_alloc : memref<!tpu.dma_semaphore, #tpu.memory_space<semaphore_mem>>
      tpu.enqueue_dma source(%arg4 : memref<64xf32, #tpu.memory_space<hbm>>) target(%arg20 : memref<64xf32, #tpu.memory_space<vmem>>) target_semaphore(%run_scoped3A : memref<!tpu.dma_semaphore, #tpu.memory_space<semaphore_mem>>)
      tpu.wait_dma2 semaphore(%run_scoped3A : memref<!tpu.dma_semaphore, #tpu.memory_space<semaphore_mem>>) src(%arg4 : memref<64xf32, #tpu.memory_space<hbm>>) dst(%arg20 : memref<64xf32, #tpu.memory_space<vmem>>)
      tpu.yield
    }) : () -> ()
    "tpu.region"() ({
      %run_scoped3A = tpu.sem_alloc : memref<!tpu.dma_semaphore, #tpu.memory_space<semaphore_mem>>
      tpu.enqueue_dma source(%arg5 : memref<64xf32, #tpu.memory_space<hbm>>) target(%arg21 : memref<64xf32, #tpu.memory_space<vmem>>) target_semaphore(%run_scoped3A : memref<!tpu.dma_semaphore, #tpu.memory_space<semaphore_mem>>)
      tpu.wait_dma2 semaphore(%run_scoped3A : memref<!tpu.dma_semaphore, #tpu.memory_space<semaphore_mem>>) src(%arg5 : memref<64xf32, #tpu.memory_space<hbm>>) dst(%arg21 : memref<64xf32, #tpu.memory_space<vmem>>)
      tpu.yield
    }) : () -> ()
    %iota3A = tpu.iota {dimensions = array<i32: 0>} : vector<16xi32>
    %xor3A = arith.constant 1 : i32
    %xor3A_3 = vector.broadcast %xor3A : i32 to vector<16xi32>
    %xor3A_4 = arith.xori %iota3A, %xor3A_3 : vector<16xi32>
    %reshape3A = vector.shape_cast %xor3A_4 : vector<16xi32> to vector<16x1xi32>
    %xor3A_5 = arith.constant 2 : i32
    %xor3A_6 = vector.broadcast %xor3A_5 : i32 to vector<16xi32>
    %xor3A_7 = arith.xori %iota3A, %xor3A_6 : vector<16xi32>
    %reshape3A_8 = vector.shape_cast %xor3A_7 : vector<16xi32> to vector<16x1xi32>
    %xor3A_9 = arith.constant 4 : i32
    %xor3A_10 = vector.broadcast %xor3A_9 : i32 to vector<16xi32>
    %xor3A_11 = arith.xori %iota3A, %xor3A_10 : vector<16xi32>
    %reshape3A_12 = vector.shape_cast %xor3A_11 : vector<16xi32> to vector<16x1xi32>
    %xor3A_13 = arith.constant 8 : i32
    %xor3A_14 = vector.broadcast %xor3A_13 : i32 to vector<16xi32>
    %xor3A_15 = arith.xori %iota3A, %xor3A_14 : vector<16xi32>
    %reshape3A_16 = vector.shape_cast %xor3A_15 : vector<16xi32> to vector<16x1xi32>
    %get3A = arith.constant 0 : index
    %get3A_17 = tpu.vector_load %arg20[%get3A] {strides = array<i32>} : memref<64xf32, #tpu.memory_space<vmem>>, vector<16xf32>,
    %get3A_18 = vector.shape_cast %get3A_17 : vector<16xf32> to vector<16xf32>
    %get3A_19 = arith.constant 16 : index
    %get3A_20 = tpu.vector_load %arg20[%get3A_19] {strides = array<i32>} : memref<64xf32, #tpu.memory_space<vmem>>, vector<16xf32>,
    %get3A_21 = vector.shape_cast %get3A_20 : vector<16xf32> to vector<16xf32>
    %get3A_22 = arith.constant 32 : index
    %get3A_23 = tpu.vector_load %arg20[%get3A_22] {strides = array<i32>} : memref<64xf32, #tpu.memory_space<vmem>>, vector<16xf32>,
    %get3A_24 = vector.shape_cast %get3A_23 : vector<16xf32> to vector<16xf32>
    %get3A_25 = arith.constant 48 : index
    %get3A_26 = tpu.vector_load %arg20[%get3A_25] {strides = array<i32>} : memref<64xf32, #tpu.memory_space<vmem>>, vector<16xf32>,
    %get3A_27 = vector.shape_cast %get3A_26 : vector<16xf32> to vector<16xf32>
    %get3A_28 = arith.constant 0 : index
    %get3A_29 = tpu.vector_load %arg21[%get3A_28] {strides = array<i32>} : memref<64xf32, #tpu.memory_space<vmem>>, vector<16xf32>,
    %get3A_30 = vector.shape_cast %get3A_29 : vector<16xf32> to vector<16xf32>
    %get3A_31 = arith.constant 16 : index
    %get3A_32 = tpu.vector_load %arg21[%get3A_31] {strides = array<i32>} : memref<64xf32, #tpu.memory_space<vmem>>, vector<16xf32>,
    %get3A_33 = vector.shape_cast %get3A_32 : vector<16xf32> to vector<16xf32>
    %get3A_34 = arith.constant 32 : index
    %get3A_35 = tpu.vector_load %arg21[%get3A_34] {strides = array<i32>} : memref<64xf32, #tpu.memory_space<vmem>>, vector<16xf32>,
    %get3A_36 = vector.shape_cast %get3A_35 : vector<16xf32> to vector<16xf32>
    %get3A_37 = arith.constant 48 : index
    %get3A_38 = tpu.vector_load %arg21[%get3A_37] {strides = array<i32>} : memref<64xf32, #tpu.memory_space<vmem>>, vector<16xf32>,
    %get3A_39 = vector.shape_cast %get3A_38 : vector<16xf32> to vector<16xf32>
    %broadcast_in_dim3A = arith.constant 1 : i32
    %broadcast_in_dim3A_40 = vector.broadcast %broadcast_in_dim3A : i32 to vector<16xi32>
    %dma_start3A = arith.constant 0 : i32
    %dma_start3A_41 = arith.constant 0 : i32
    %dma_start3A_42 = tpu.memref_slice %arg8[%dma_start3A, %dma_start3A_41] : memref<128x128xf32, #tpu.memory_space<vmem>> -> memref<64x128xf32, #tpu.memory_space<vmem>>
    %dma_start3A_43 = arith.constant 0 : i32
    %dma_start3A_44 = tpu.memref_slice %arg7[%dma_start3A_43] : memref<25600xi32, #tpu.memory_space<vmem>> -> memref<64xi32, #tpu.memory_space<vmem>>
    %dma_start3A_45 = arith.constant 0 : i32
    %dma_start3A_46 = arith.constant 0 : i32
    %dma_start3A_47 = tpu.memref_slice %arg3[%dma_start3A_45, %dma_start3A_46] : memref<1000000x128xf32, #tpu.memory_space<hbm>> -> memref<1000000x128xf32, #tpu.memory_space<hbm>>
    tpu.enqueue_indirect_dma source(%dma_start3A_47 : memref<1000000x128xf32, #tpu.memory_space<hbm>>) target(%dma_start3A_42 : memref<64x128xf32, #tpu.memory_space<vmem>>) offsets(%dma_start3A_44 : memref<64xi32, #tpu.memory_space<vmem>>) semaphore(%arg14 : memref<!tpu.dma_semaphore, #tpu.memory_space<semaphore_mem>>)
    %dma_start3A_48 = arith.constant 64 : i32
    %dma_start3A_49 = arith.constant 0 : i32
    %dma_start3A_50 = tpu.memref_slice %arg8[%dma_start3A_48, %dma_start3A_49] : memref<128x128xf32, #tpu.memory_space<vmem>> -> memref<64x128xf32, #tpu.memory_space<vmem>>
    %dma_start3A_51 = arith.constant 64 : i32
    %dma_start3A_52 = tpu.memref_slice %arg7[%dma_start3A_51] : memref<25600xi32, #tpu.memory_space<vmem>> -> memref<64xi32, #tpu.memory_space<vmem>>
    %dma_start3A_53 = arith.constant 0 : i32
    %dma_start3A_54 = arith.constant 0 : i32
    %dma_start3A_55 = tpu.memref_slice %arg3[%dma_start3A_53, %dma_start3A_54] : memref<1000000x128xf32, #tpu.memory_space<hbm>> -> memref<1000000x128xf32, #tpu.memory_space<hbm>>
    tpu.enqueue_indirect_dma source(%dma_start3A_55 : memref<1000000x128xf32, #tpu.memory_space<hbm>>) target(%dma_start3A_50 : memref<64x128xf32, #tpu.memory_space<vmem>>) offsets(%dma_start3A_52 : memref<64xi32, #tpu.memory_space<vmem>>) semaphore(%arg14 : memref<!tpu.dma_semaphore, #tpu.memory_space<semaphore_mem>>)
    %dma_start3A_56 = arith.constant 0 : i32
    %dma_start3A_57 = arith.constant 0 : i32
    %dma_start3A_58 = tpu.memref_slice %arg9[%dma_start3A_56, %dma_start3A_57] : memref<128x128xf32, #tpu.memory_space<vmem>> -> memref<64x128xf32, #tpu.memory_space<vmem>>
    %dma_start3A_59 = arith.constant 128 : i32
    %dma_start3A_60 = tpu.memref_slice %arg7[%dma_start3A_59] : memref<25600xi32, #tpu.memory_space<vmem>> -> memref<64xi32, #tpu.memory_space<vmem>>
    %dma_start3A_61 = arith.constant 0 : i32
    %dma_start3A_62 = arith.constant 0 : i32
    %dma_start3A_63 = tpu.memref_slice %arg3[%dma_start3A_61, %dma_start3A_62] : memref<1000000x128xf32, #tpu.memory_space<hbm>> -> memref<1000000x128xf32, #tpu.memory_space<hbm>>
    tpu.enqueue_indirect_dma source(%dma_start3A_63 : memref<1000000x128xf32, #tpu.memory_space<hbm>>) target(%dma_start3A_58 : memref<64x128xf32, #tpu.memory_space<vmem>>) offsets(%dma_start3A_60 : memref<64xi32, #tpu.memory_space<vmem>>) semaphore(%arg15 : memref<!tpu.dma_semaphore, #tpu.memory_space<semaphore_mem>>)
    %dma_start3A_64 = arith.constant 64 : i32
    %dma_start3A_65 = arith.constant 0 : i32
    %dma_start3A_66 = tpu.memref_slice %arg9[%dma_start3A_64, %dma_start3A_65] : memref<128x128xf32, #tpu.memory_space<vmem>> -> memref<64x128xf32, #tpu.memory_space<vmem>>
    %dma_start3A_67 = arith.constant 192 : i32
    %dma_start3A_68 = tpu.memref_slice %arg7[%dma_start3A_67] : memref<25600xi32, #tpu.memory_space<vmem>> -> memref<64xi32, #tpu.memory_space<vmem>>
    %dma_start3A_69 = arith.constant 0 : i32
    %dma_start3A_70 = arith.constant 0 : i32
    %dma_start3A_71 = tpu.memref_slice %arg3[%dma_start3A_69, %dma_start3A_70] : memref<1000000x128xf32, #tpu.memory_space<hbm>> -> memref<1000000x128xf32, #tpu.memory_space<hbm>>
    tpu.enqueue_indirect_dma source(%dma_start3A_71 : memref<1000000x128xf32, #tpu.memory_space<hbm>>) target(%dma_start3A_66 : memref<64x128xf32, #tpu.memory_space<vmem>>) offsets(%dma_start3A_68 : memref<64xi32, #tpu.memory_space<vmem>>) semaphore(%arg15 : memref<!tpu.dma_semaphore, #tpu.memory_space<semaphore_mem>>)
    %dma_start3A_72 = arith.constant 0 : i32
    %dma_start3A_73 = arith.constant 0 : i32
    %dma_start3A_74 = tpu.memref_slice %arg10[%dma_start3A_72, %dma_start3A_73] : memref<128x128xf32, #tpu.memory_space<vmem>> -> memref<64x128xf32, #tpu.memory_space<vmem>>
    %dma_start3A_75 = arith.constant 256 : i32
    %dma_start3A_76 = tpu.memref_slice %arg7[%dma_start3A_75] : memref<25600xi32, #tpu.memory_space<vmem>> -> memref<64xi32, #tpu.memory_space<vmem>>
    %dma_start3A_77 = arith.constant 0 : i32
    %dma_start3A_78 = arith.constant 0 : i32
    %dma_start3A_79 = tpu.memref_slice %arg3[%dma_start3A_77, %dma_start3A_78] : memref<1000000x128xf32, #tpu.memory_space<hbm>> -> memref<1000000x128xf32, #tpu.memory_space<hbm>>
    tpu.enqueue_indirect_dma source(%dma_start3A_79 : memref<1000000x128xf32, #tpu.memory_space<hbm>>) target(%dma_start3A_74 : memref<64x128xf32, #tpu.memory_space<vmem>>) offsets(%dma_start3A_76 : memref<64xi32, #tpu.memory_space<vmem>>) semaphore(%arg16 : memref<!tpu.dma_semaphore, #tpu.memory_space<semaphore_mem>>)
    %dma_start3A_80 = arith.constant 64 : i32
    %dma_start3A_81 = arith.constant 0 : i32
    %dma_start3A_82 = tpu.memref_slice %arg10[%dma_start3A_80, %dma_start3A_81] : memref<128x128xf32, #tpu.memory_space<vmem>> -> memref<64x128xf32, #tpu.memory_space<vmem>>
    %dma_start3A_83 = arith.constant 320 : i32
    %dma_start3A_84 = tpu.memref_slice %arg7[%dma_start3A_83] : memref<25600xi32, #tpu.memory_space<vmem>> -> memref<64xi32, #tpu.memory_space<vmem>>
    %dma_start3A_85 = arith.constant 0 : i32
    %dma_start3A_86 = arith.constant 0 : i32
    %dma_start3A_87 = tpu.memref_slice %arg3[%dma_start3A_85, %dma_start3A_86] : memref<1000000x128xf32, #tpu.memory_space<hbm>> -> memref<1000000x128xf32, #tpu.memory_space<hbm>>
    tpu.enqueue_indirect_dma source(%dma_start3A_87 : memref<1000000x128xf32, #tpu.memory_space<hbm>>) target(%dma_start3A_82 : memref<64x128xf32, #tpu.memory_space<vmem>>) offsets(%dma_start3A_84 : memref<64xi32, #tpu.memory_space<vmem>>) semaphore(%arg16 : memref<!tpu.dma_semaphore, #tpu.memory_space<semaphore_mem>>)
    %dma_start3A_88 = arith.constant 0 : i32
    %dma_start3A_89 = arith.constant 0 : i32
    %dma_start3A_90 = tpu.memref_slice %arg11[%dma_start3A_88, %dma_start3A_89] : memref<128x128xf32, #tpu.memory_space<vmem>> -> memref<64x128xf32, #tpu.memory_space<vmem>>
    %dma_start3A_91 = arith.constant 384 : i32
    %dma_start3A_92 = tpu.memref_slice %arg7[%dma_start3A_91] : memref<25600xi32, #tpu.memory_space<vmem>> -> memref<64xi32, #tpu.memory_space<vmem>>
    %dma_start3A_93 = arith.constant 0 : i32
    %dma_start3A_94 = arith.constant 0 : i32
    %dma_start3A_95 = tpu.memref_slice %arg3[%dma_start3A_93, %dma_start3A_94] : memref<1000000x128xf32, #tpu.memory_space<hbm>> -> memref<1000000x128xf32, #tpu.memory_space<hbm>>
    tpu.enqueue_indirect_dma source(%dma_start3A_95 : memref<1000000x128xf32, #tpu.memory_space<hbm>>) target(%dma_start3A_90 : memref<64x128xf32, #tpu.memory_space<vmem>>) offsets(%dma_start3A_92 : memref<64xi32, #tpu.memory_space<vmem>>) semaphore(%arg17 : memref<!tpu.dma_semaphore, #tpu.memory_space<semaphore_mem>>)
    %dma_start3A_96 = arith.constant 64 : i32
    %dma_start3A_97 = arith.constant 0 : i32
    %dma_start3A_98 = tpu.memref_slice %arg11[%dma_start3A_96, %dma_start3A_97] : memref<128x128xf32, #tpu.memory_space<vmem>> -> memref<64x128xf32, #tpu.memory_space<vmem>>
    %dma_start3A_99 = arith.constant 448 : i32
    %dma_start3A_100 = tpu.memref_slice %arg7[%dma_start3A_99] : memref<25600xi32, #tpu.memory_space<vmem>> -> memref<64xi32, #tpu.memory_space<vmem>>
    %dma_start3A_101 = arith.constant 0 : i32
    %dma_start3A_102 = arith.constant 0 : i32
    %dma_start3A_103 = tpu.memref_slice %arg3[%dma_start3A_101, %dma_start3A_102] : memref<1000000x128xf32, #tpu.memory_space<hbm>> -> memref<1000000x128xf32, #tpu.memory_space<hbm>>
    tpu.enqueue_indirect_dma source(%dma_start3A_103 : memref<1000000x128xf32, #tpu.memory_space<hbm>>) target(%dma_start3A_98 : memref<64x128xf32, #tpu.memory_space<vmem>>) offsets(%dma_start3A_100 : memref<64xi32, #tpu.memory_space<vmem>>) semaphore(%arg17 : memref<!tpu.dma_semaphore, #tpu.memory_space<semaphore_mem>>)
    %scan3A = arith.constant 0 : i32
    %scan3A_104 = arith.constant 50 : i32
    %scan3A_105 = arith.addi %scan3A, %scan3A_104 : i32
    %scan3A_106 = arith.constant 1 : i32
    scf.for %scan3A_119 = %scan3A to %scan3A_105 step %scan3A_106  : i32 {
      %mul3A_120 = arith.constant 4 : i32
      %mul3A_121 = arith.muli %scan3A_119, %mul3A_120 : i32
      %add3A_122 = arith.constant 0 : i32
      %add3A_123 = arith.addi %add3A_122, %mul3A_121 : i32
      %add3A_124 = arith.constant 0 : i32
      %add3A_125 = arith.addi %add3A_123, %add3A_124 : i32
      %dma_wait3A_126 = arith.constant 0 : i32
      %dma_wait3A_127 = arith.constant 0 : i32
      %dma_wait3A_128 = tpu.memref_slice %arg3[%dma_wait3A_126, %dma_wait3A_127] : memref<1000000x128xf32, #tpu.memory_space<hbm>> -> memref<128x128xf32, #tpu.memory_space<hbm>>
      %dma_wait3A_129 = arith.constant 0 : i32
      %dma_wait3A_130 = arith.constant 0 : i32
      %dma_wait3A_131 = tpu.memref_slice %arg3[%dma_wait3A_129, %dma_wait3A_130] : memref<1000000x128xf32, #tpu.memory_space<hbm>> -> memref<128x128xf32, #tpu.memory_space<hbm>>
      tpu.wait_dma2 semaphore(%arg14 : memref<!tpu.dma_semaphore, #tpu.memory_space<semaphore_mem>>) src(%dma_wait3A_131 : memref<128x128xf32, #tpu.memory_space<hbm>>) dst(%arg8 : memref<128x128xf32, #tpu.memory_space<vmem>>)
      %ge3A = arith.constant 2 : i32
      %ge3A_132 = arith.cmpi sge, %add3A_125, %ge3A : i32
      %convert_element_type3A = arith.extui %ge3A_132 : i1 to i32
      %cond3A = arith.constant 0 : i32
      %cond3A_133 = arith.cmpi ne, %convert_element_type3A, %cond3A : i32
      scf.if %cond3A_133 {
        %dma_wait3A_239 = arith.constant 0 : i32
        %dma_wait3A_240 = arith.constant 0 : i32
        %dma_wait3A_241 = tpu.memref_slice %arg6[%dma_wait3A_239, %dma_wait3A_240] : memref<819200x64xf32, #tpu.memory_space<hbm>> -> memref<128x64xf32, #tpu.memory_space<hbm>>
        %dma_wait3A_242 = arith.constant 0 : i32
        %dma_wait3A_243 = arith.constant 0 : i32
        %dma_wait3A_244 = tpu.memref_slice %arg6[%dma_wait3A_242, %dma_wait3A_243] : memref<819200x64xf32, #tpu.memory_space<hbm>> -> memref<128x64xf32, #tpu.memory_space<hbm>>
        tpu.wait_dma2 semaphore(%arg18 : memref<!tpu.dma_semaphore, #tpu.memory_space<semaphore_mem>>) src(%arg12 : memref<128x64xf32, #tpu.memory_space<vmem>>) dst(%dma_wait3A_244 : memref<128x64xf32, #tpu.memory_space<hbm>>)
      } else {
      }
      %parallel_loop3A = arith.constant 0 : i32
      %parallel_loop3A_134 = arith.constant 128 : i32
      %parallel_loop3A_135 = arith.constant 1 : i32
      scf.for %parallel_loop3A_239 = %parallel_loop3A to %parallel_loop3A_134 step %parallel_loop3A_135  : i32 {
        %parallel_loop3A_240 = arith.index_cast %parallel_loop3A_239 : i32 to index
        %parallel_loop3A_241 = arith.constant 0 : index
        %parallel_loop3A_242 = tpu.vector_load %arg8[%parallel_loop3A_240, %parallel_loop3A_241] {strides = array<i32>} : memref<128x128xf32, #tpu.memory_space<vmem>>, vector<1x16xf32>,
        %parallel_loop3A_243 = vector.shape_cast %parallel_loop3A_242 : vector<1x16xf32> to vector<16xf32>
        %parallel_loop3A_244 = arith.index_cast %parallel_loop3A_239 : i32 to index
        %parallel_loop3A_245 = arith.constant 16 : index
        %parallel_loop3A_246 = tpu.vector_load %arg8[%parallel_loop3A_244, %parallel_loop3A_245] {strides = array<i32>} : memref<128x128xf32, #tpu.memory_space<vmem>>, vector<1x16xf32>,
        %parallel_loop3A_247 = vector.shape_cast %parallel_loop3A_246 : vector<1x16xf32> to vector<16xf32>
        %parallel_loop3A_248 = arith.index_cast %parallel_loop3A_239 : i32 to index
        %parallel_loop3A_249 = arith.constant 32 : index
        %parallel_loop3A_250 = tpu.vector_load %arg8[%parallel_loop3A_248, %parallel_loop3A_249] {strides = array<i32>} : memref<128x128xf32, #tpu.memory_space<vmem>>, vector<1x16xf32>,
        %parallel_loop3A_251 = vector.shape_cast %parallel_loop3A_250 : vector<1x16xf32> to vector<16xf32>
        %parallel_loop3A_252 = arith.index_cast %parallel_loop3A_239 : i32 to index
        %parallel_loop3A_253 = arith.constant 48 : index
        %parallel_loop3A_254 = tpu.vector_load %arg8[%parallel_loop3A_252, %parallel_loop3A_253] {strides = array<i32>} : memref<128x128xf32, #tpu.memory_space<vmem>>, vector<1x16xf32>,
        %parallel_loop3A_255 = vector.shape_cast %parallel_loop3A_254 : vector<1x16xf32> to vector<16xf32>
        %parallel_loop3A_256 = arith.addf %parallel_loop3A_243, %parallel_loop3A_247 : vector<16xf32>
        %parallel_loop3A_257 = arith.addf %parallel_loop3A_251, %parallel_loop3A_255 : vector<16xf32>
        %parallel_loop3A_258 = arith.addf %parallel_loop3A_256, %parallel_loop3A_257 : vector<16xf32>
        %parallel_loop3A_259 = arith.mulf %parallel_loop3A_243, %parallel_loop3A_243 : vector<16xf32>
        %parallel_loop3A_260 = arith.mulf %parallel_loop3A_247, %parallel_loop3A_247 : vector<16xf32>
        %parallel_loop3A_261 = arith.addf %parallel_loop3A_259, %parallel_loop3A_260 : vector<16xf32>
        %parallel_loop3A_262 = arith.mulf %parallel_loop3A_251, %parallel_loop3A_251 : vector<16xf32>
        %parallel_loop3A_263 = arith.mulf %parallel_loop3A_255, %parallel_loop3A_255 : vector<16xf32>
        %parallel_loop3A_264 = arith.addf %parallel_loop3A_262, %parallel_loop3A_263 : vector<16xf32>
        %parallel_loop3A_265 = arith.addf %parallel_loop3A_261, %parallel_loop3A_264 : vector<16xf32>
        %parallel_loop3A_266 = vector.shape_cast %reshape3A : vector<16x1xi32> to vector<16xi32>
        %parallel_loop3A_267 = tpu.dynamic_gather %parallel_loop3A_258[%parallel_loop3A_266] in [0] : vector<16xf32>, vector<16xi32> -> vector<16xf32>
        %parallel_loop3A_268 = arith.addf %parallel_loop3A_258, %parallel_loop3A_267 : vector<16xf32>
        %parallel_loop3A_269 = vector.shape_cast %reshape3A : vector<16x1xi32> to vector<16xi32>
        %parallel_loop3A_270 = tpu.dynamic_gather %parallel_loop3A_265[%parallel_loop3A_269] in [0] : vector<16xf32>, vector<16xi32> -> vector<16xf32>
        %parallel_loop3A_271 = arith.addf %parallel_loop3A_265, %parallel_loop3A_270 : vector<16xf32>
        %parallel_loop3A_272 = vector.shape_cast %reshape3A_8 : vector<16x1xi32> to vector<16xi32>
        %parallel_loop3A_273 = tpu.dynamic_gather %parallel_loop3A_268[%parallel_loop3A_272] in [0] : vector<16xf32>, vector<16xi32> -> vector<16xf32>
        %parallel_loop3A_274 = arith.addf %parallel_loop3A_268, %parallel_loop3A_273 : vector<16xf32>
        %parallel_loop3A_275 = vector.shape_cast %reshape3A_8 : vector<16x1xi32> to vector<16xi32>
        %parallel_loop3A_276 = tpu.dynamic_gather %parallel_loop3A_271[%parallel_loop3A_275] in [0] : vector<16xf32>, vector<16xi32> -> vector<16xf32>
        %parallel_loop3A_277 = arith.addf %parallel_loop3A_271, %parallel_loop3A_276 : vector<16xf32>
        %parallel_loop3A_278 = vector.shape_cast %reshape3A_12 : vector<16x1xi32> to vector<16xi32>
        %parallel_loop3A_279 = tpu.dynamic_gather %parallel_loop3A_274[%parallel_loop3A_278] in [0] : vector<16xf32>, vector<16xi32> -> vector<16xf32>
        %parallel_loop3A_280 = arith.addf %parallel_loop3A_274, %parallel_loop3A_279 : vector<16xf32>
        %parallel_loop3A_281 = vector.shape_cast %reshape3A_12 : vector<16x1xi32> to vector<16xi32>
        %parallel_loop3A_282 = tpu.dynamic_gather %parallel_loop3A_277[%parallel_loop3A_281] in [0] : vector<16xf32>, vector<16xi32> -> vector<16xf32>
        %parallel_loop3A_283 = arith.addf %parallel_loop3A_277, %parallel_loop3A_282 : vector<16xf32>
        %parallel_loop3A_284 = vector.shape_cast %reshape3A_16 : vector<16x1xi32> to vector<16xi32>
        %parallel_loop3A_285 = tpu.dynamic_gather %parallel_loop3A_280[%parallel_loop3A_284] in [0] : vector<16xf32>, vector<16xi32> -> vector<16xf32>
        %parallel_loop3A_286 = arith.addf %parallel_loop3A_280, %parallel_loop3A_285 : vector<16xf32>
        %parallel_loop3A_287 = vector.shape_cast %reshape3A_16 : vector<16x1xi32> to vector<16xi32>
        %parallel_loop3A_288 = tpu.dynamic_gather %parallel_loop3A_283[%parallel_loop3A_287] in [0] : vector<16xf32>, vector<16xi32> -> vector<16xf32>
        %parallel_loop3A_289 = arith.addf %parallel_loop3A_283, %parallel_loop3A_288 : vector<16xf32>
        %parallel_loop3A_290 = arith.constant 1.562500e-02 : f32
        %parallel_loop3A_291 = vector.broadcast %parallel_loop3A_290 : f32 to vector<16xf32>
        %parallel_loop3A_292 = arith.mulf %parallel_loop3A_286, %parallel_loop3A_291 : vector<16xf32>
        %parallel_loop3A_293 = arith.constant 1.562500e-02 : f32
        %parallel_loop3A_294 = vector.broadcast %parallel_loop3A_293 : f32 to vector<16xf32>
        %parallel_loop3A_295 = arith.mulf %parallel_loop3A_289, %parallel_loop3A_294 : vector<16xf32>
        %parallel_loop3A_296 = arith.mulf %parallel_loop3A_292, %parallel_loop3A_292 : vector<16xf32>
        %parallel_loop3A_297 = arith.subf %parallel_loop3A_295, %parallel_loop3A_296 : vector<16xf32>
        %parallel_loop3A_298 = arith.constant 9.99999974E-6 : f32
        %parallel_loop3A_299 = vector.broadcast %parallel_loop3A_298 : f32 to vector<16xf32>
        %parallel_loop3A_300 = arith.addf %parallel_loop3A_297, %parallel_loop3A_299 : vector<16xf32>
        %parallel_loop3A_301 = tpu.bitcast %parallel_loop3A_300 : vector<16xf32> -> vector<16xi32>
        %parallel_loop3A_302 = arith.shrsi %parallel_loop3A_301, %broadcast_in_dim3A_40 : vector<16xi32>
        %parallel_loop3A_303 = arith.constant 1597463007 : i32
        %parallel_loop3A_304 = vector.broadcast %parallel_loop3A_303 : i32 to vector<16xi32>
        %parallel_loop3A_305 = arith.subi %parallel_loop3A_304, %parallel_loop3A_302 : vector<16xi32>
        %parallel_loop3A_306 = tpu.bitcast %parallel_loop3A_305 : vector<16xi32> -> vector<16xf32>
        %parallel_loop3A_307 = arith.constant 5.000000e-01 : f32
        %parallel_loop3A_308 = vector.broadcast %parallel_loop3A_307 : f32 to vector<16xf32>
        %parallel_loop3A_309 = arith.mulf %parallel_loop3A_300, %parallel_loop3A_308 : vector<16xf32>
        %parallel_loop3A_310 = arith.mulf %parallel_loop3A_309, %parallel_loop3A_306 : vector<16xf32>
        %parallel_loop3A_311 = arith.mulf %parallel_loop3A_310, %parallel_loop3A_306 : vector<16xf32>
        %parallel_loop3A_312 = arith.constant 1.500000e+00 : f32
        %parallel_loop3A_313 = vector.broadcast %parallel_loop3A_312 : f32 to vector<16xf32>
        %parallel_loop3A_314 = arith.subf %parallel_loop3A_313, %parallel_loop3A_311 : vector<16xf32>
        %parallel_loop3A_315 = arith.mulf %parallel_loop3A_306, %parallel_loop3A_314 : vector<16xf32>
        %parallel_loop3A_316 = arith.mulf %parallel_loop3A_309, %parallel_loop3A_315 : vector<16xf32>
        %parallel_loop3A_317 = arith.mulf %parallel_loop3A_316, %parallel_loop3A_315 : vector<16xf32>
        %parallel_loop3A_318 = arith.constant 1.500000e+00 : f32
        %parallel_loop3A_319 = vector.broadcast %parallel_loop3A_318 : f32 to vector<16xf32>
        %parallel_loop3A_320 = arith.subf %parallel_loop3A_319, %parallel_loop3A_317 : vector<16xf32>
        %parallel_loop3A_321 = arith.mulf %parallel_loop3A_315, %parallel_loop3A_320 : vector<16xf32>
        %parallel_loop3A_322 = arith.subf %parallel_loop3A_243, %parallel_loop3A_292 : vector<16xf32>
        %parallel_loop3A_323 = arith.mulf %parallel_loop3A_322, %parallel_loop3A_321 : vector<16xf32>
        %parallel_loop3A_324 = arith.mulf %parallel_loop3A_323, %get3A_18 : vector<16xf32>
        %parallel_loop3A_325 = arith.addf %parallel_loop3A_324, %get3A_30 : vector<16xf32>
        %parallel_loop3A_326 = arith.index_cast %parallel_loop3A_239 : i32 to index
        %parallel_loop3A_327 = arith.constant 0 : index
        %parallel_loop3A_328 = tpu.vector_load %arg12[%parallel_loop3A_326, %parallel_loop3A_327] {strides = array<i32>} : memref<128x64xf32, #tpu.memory_space<vmem>>, vector<1x16xf32>,
        %parallel_loop3A_329 = vector.shape_cast %parallel_loop3A_328 : vector<1x16xf32> to vector<16xf32>
        %parallel_loop3A_330 = vector.shape_cast %parallel_loop3A_325 : vector<16xf32> to vector<1x16xf32>
        tpu.vector_store %arg12[%parallel_loop3A_326, %parallel_loop3A_327], %parallel_loop3A_330 {strides = array<i32>} : memref<128x64xf32, #tpu.memory_space<vmem>>, vector<1x16xf32>,
        %parallel_loop3A_331 = arith.subf %parallel_loop3A_247, %parallel_loop3A_292 : vector<16xf32>
        %parallel_loop3A_332 = arith.mulf %parallel_loop3A_331, %parallel_loop3A_321 : vector<16xf32>
        %parallel_loop3A_333 = arith.mulf %parallel_loop3A_332, %get3A_21 : vector<16xf32>
        %parallel_loop3A_334 = arith.addf %parallel_loop3A_333, %get3A_33 : vector<16xf32>
        %parallel_loop3A_335 = arith.index_cast %parallel_loop3A_239 : i32 to index
        %parallel_loop3A_336 = arith.constant 16 : index
        %parallel_loop3A_337 = tpu.vector_load %arg12[%parallel_loop3A_335, %parallel_loop3A_336] {strides = array<i32>} : memref<128x64xf32, #tpu.memory_space<vmem>>, vector<1x16xf32>,
        %parallel_loop3A_338 = vector.shape_cast %parallel_loop3A_337 : vector<1x16xf32> to vector<16xf32>
        %parallel_loop3A_339 = vector.shape_cast %parallel_loop3A_334 : vector<16xf32> to vector<1x16xf32>
        tpu.vector_store %arg12[%parallel_loop3A_335, %parallel_loop3A_336], %parallel_loop3A_339 {strides = array<i32>} : memref<128x64xf32, #tpu.memory_space<vmem>>, vector<1x16xf32>,
        %parallel_loop3A_340 = arith.subf %parallel_loop3A_251, %parallel_loop3A_292 : vector<16xf32>
        %parallel_loop3A_341 = arith.mulf %parallel_loop3A_340, %parallel_loop3A_321 : vector<16xf32>
        %parallel_loop3A_342 = arith.mulf %parallel_loop3A_341, %get3A_24 : vector<16xf32>
        %parallel_loop3A_343 = arith.addf %parallel_loop3A_342, %get3A_36 : vector<16xf32>
        %parallel_loop3A_344 = arith.index_cast %parallel_loop3A_239 : i32 to index
        %parallel_loop3A_345 = arith.constant 32 : index
        %parallel_loop3A_346 = tpu.vector_load %arg12[%parallel_loop3A_344, %parallel_loop3A_345] {strides = array<i32>} : memref<128x64xf32, #tpu.memory_space<vmem>>, vector<1x16xf32>,
        %parallel_loop3A_347 = vector.shape_cast %parallel_loop3A_346 : vector<1x16xf32> to vector<16xf32>
        %parallel_loop3A_348 = vector.shape_cast %parallel_loop3A_343 : vector<16xf32> to vector<1x16xf32>
        tpu.vector_store %arg12[%parallel_loop3A_344, %parallel_loop3A_345], %parallel_loop3A_348 {strides = array<i32>} : memref<128x64xf32, #tpu.memory_space<vmem>>, vector<1x16xf32>,
        %parallel_loop3A_349 = arith.subf %parallel_loop3A_255, %parallel_loop3A_292 : vector<16xf32>
        %parallel_loop3A_350 = arith.mulf %parallel_loop3A_349, %parallel_loop3A_321 : vector<16xf32>
        %parallel_loop3A_351 = arith.mulf %parallel_loop3A_350, %get3A_27 : vector<16xf32>
        %parallel_loop3A_352 = arith.addf %parallel_loop3A_351, %get3A_39 : vector<16xf32>
        %parallel_loop3A_353 = arith.index_cast %parallel_loop3A_239 : i32 to index
        %parallel_loop3A_354 = arith.constant 48 : index
        %parallel_loop3A_355 = tpu.vector_load %arg12[%parallel_loop3A_353, %parallel_loop3A_354] {strides = array<i32>} : memref<128x64xf32, #tpu.memory_space<vmem>>, vector<1x16xf32>,
        %parallel_loop3A_356 = vector.shape_cast %parallel_loop3A_355 : vector<1x16xf32> to vector<16xf32>
        %parallel_loop3A_357 = vector.shape_cast %parallel_loop3A_352 : vector<16xf32> to vector<1x16xf32>
        tpu.vector_store %arg12[%parallel_loop3A_353, %parallel_loop3A_354], %parallel_loop3A_357 {strides = array<i32>} : memref<128x64xf32, #tpu.memory_space<vmem>>, vector<1x16xf32>,
      } {sc.loop_unroll_factor = 4 : i64, sc.parallel_access}
      %mul3A_136 = arith.constant 128 : i32
      %mul3A_137 = arith.muli %add3A_125, %mul3A_136 : i32
      %add3A_138 = arith.addi %mul3A_2, %mul3A_137 : i32
      %dma_start3A_139 = arith.constant 0 : i32
      %dma_start3A_140 = tpu.memref_slice %arg6[%add3A_138, %dma_start3A_139] : memref<819200x64xf32, #tpu.memory_space<hbm>> -> memref<128x64xf32, #tpu.memory_space<hbm>>
      %dma_start3A_141 = arith.constant 0 : i32
      %dma_start3A_142 = tpu.memref_slice %arg6[%add3A_138, %dma_start3A_141] : memref<819200x64xf32, #tpu.memory_space<hbm>> -> memref<128x64xf32, #tpu.memory_space<hbm>>
      tpu.enqueue_dma source(%arg12 : memref<128x64xf32, #tpu.memory_space<vmem>>) target(%dma_start3A_142 : memref<128x64xf32, #tpu.memory_space<hbm>>) target_semaphore(%arg18 : memref<!tpu.dma_semaphore, #tpu.memory_space<semaphore_mem>>)
      %add3A_143 = arith.constant 4 : i32
      %add3A_144 = arith.addi %add3A_125, %add3A_143 : i32
      %lt3A = arith.constant 200 : i32
      %lt3A_145 = arith.cmpi slt, %add3A_144, %lt3A : i32
      %convert_element_type3A_146 = arith.extui %lt3A_145 : i1 to i32
      %cond3A_147 = arith.constant 0 : i32
      %cond3A_148 = arith.cmpi ne, %convert_element_type3A_146, %cond3A_147 : i32
      scf.if %cond3A_148 {
        %add3A_239 = arith.constant 4 : i32
        %add3A_240 = arith.addi %add3A_125, %add3A_239 : i32
        %mul3A_241 = arith.constant 128 : i32
        %mul3A_242 = arith.muli %add3A_240, %mul3A_241 : i32
        %dma_start3A_243 = arith.constant 0 : i32
        %dma_start3A_244 = arith.constant 0 : i32
        %dma_start3A_245 = tpu.memref_slice %arg8[%dma_start3A_243, %dma_start3A_244] : memref<128x128xf32, #tpu.memory_space<vmem>> -> memref<64x128xf32, #tpu.memory_space<vmem>>
        %dma_start3A_246 = tpu.memref_slice %arg7[%mul3A_242] : memref<25600xi32, #tpu.memory_space<vmem>> -> memref<64xi32, #tpu.memory_space<vmem>>
        %dma_start3A_247 = arith.constant 0 : i32
        %dma_start3A_248 = arith.constant 0 : i32
        %dma_start3A_249 = tpu.memref_slice %arg3[%dma_start3A_247, %dma_start3A_248] : memref<1000000x128xf32, #tpu.memory_space<hbm>> -> memref<1000000x128xf32, #tpu.memory_space<hbm>>
        tpu.enqueue_indirect_dma source(%dma_start3A_249 : memref<1000000x128xf32, #tpu.memory_space<hbm>>) target(%dma_start3A_245 : memref<64x128xf32, #tpu.memory_space<vmem>>) offsets(%dma_start3A_246 : memref<64xi32, #tpu.memory_space<vmem>>) semaphore(%arg14 : memref<!tpu.dma_semaphore, #tpu.memory_space<semaphore_mem>>)
        %mul3A_250 = arith.constant 128 : i32
        %mul3A_251 = arith.muli %add3A_240, %mul3A_250 : i32
        %add3A_252 = arith.constant 64 : i32
        %add3A_253 = arith.addi %mul3A_251, %add3A_252 : i32
        %dma_start3A_254 = arith.constant 64 : i32
        %dma_start3A_255 = arith.constant 0 : i32
        %dma_start3A_256 = tpu.memref_slice %arg8[%dma_start3A_254, %dma_start3A_255] : memref<128x128xf32, #tpu.memory_space<vmem>> -> memref<64x128xf32, #tpu.memory_space<vmem>>
        %dma_start3A_257 = tpu.memref_slice %arg7[%add3A_253] : memref<25600xi32, #tpu.memory_space<vmem>> -> memref<64xi32, #tpu.memory_space<vmem>>
        %dma_start3A_258 = arith.constant 0 : i32
        %dma_start3A_259 = arith.constant 0 : i32
        %dma_start3A_260 = tpu.memref_slice %arg3[%dma_start3A_258, %dma_start3A_259] : memref<1000000x128xf32, #tpu.memory_space<hbm>> -> memref<1000000x128xf32, #tpu.memory_space<hbm>>
        tpu.enqueue_indirect_dma source(%dma_start3A_260 : memref<1000000x128xf32, #tpu.memory_space<hbm>>) target(%dma_start3A_256 : memref<64x128xf32, #tpu.memory_space<vmem>>) offsets(%dma_start3A_257 : memref<64xi32, #tpu.memory_space<vmem>>) semaphore(%arg14 : memref<!tpu.dma_semaphore, #tpu.memory_space<semaphore_mem>>)
      } else {
      }
      %add3A_149 = arith.constant 1 : i32
      %add3A_150 = arith.addi %add3A_123, %add3A_149 : i32
      %dma_wait3A_151 = arith.constant 0 : i32
      %dma_wait3A_152 = arith.constant 0 : i32
      %dma_wait3A_153 = tpu.memref_slice %arg3[%dma_wait3A_151, %dma_wait3A_152] : memref<1000000x128xf32, #tpu.memory_space<hbm>> -> memref<128x128xf32, #tpu.memory_space<hbm>>
      %dma_wait3A_154 = arith.constant 0 : i32
      %dma_wait3A_155 = arith.constant 0 : i32
      %dma_wait3A_156 = tpu.memref_slice %arg3[%dma_wait3A_154, %dma_wait3A_155] : memref<1000000x128xf32, #tpu.memory_space<hbm>> -> memref<128x128xf32, #tpu.memory_space<hbm>>
      tpu.wait_dma2 semaphore(%arg15 : memref<!tpu.dma_semaphore, #tpu.memory_space<semaphore_mem>>) src(%dma_wait3A_156 : memref<128x128xf32, #tpu.memory_space<hbm>>) dst(%arg9 : memref<128x128xf32, #tpu.memory_space<vmem>>)
      %ge3A_157 = arith.constant 2 : i32
      %ge3A_158 = arith.cmpi sge, %add3A_150, %ge3A_157 : i32
      %convert_element_type3A_159 = arith.extui %ge3A_158 : i1 to i32
      %cond3A_160 = arith.constant 0 : i32
      %cond3A_161 = arith.cmpi ne, %convert_element_type3A_159, %cond3A_160 : i32
      scf.if %cond3A_161 {
        %dma_wait3A_239 = arith.constant 0 : i32
        %dma_wait3A_240 = arith.constant 0 : i32
        %dma_wait3A_241 = tpu.memref_slice %arg6[%dma_wait3A_239, %dma_wait3A_240] : memref<819200x64xf32, #tpu.memory_space<hbm>> -> memref<128x64xf32, #tpu.memory_space<hbm>>
        %dma_wait3A_242 = arith.constant 0 : i32
        %dma_wait3A_243 = arith.constant 0 : i32
        %dma_wait3A_244 = tpu.memref_slice %arg6[%dma_wait3A_242, %dma_wait3A_243] : memref<819200x64xf32, #tpu.memory_space<hbm>> -> memref<128x64xf32, #tpu.memory_space<hbm>>
        tpu.wait_dma2 semaphore(%arg19 : memref<!tpu.dma_semaphore, #tpu.memory_space<semaphore_mem>>) src(%arg13 : memref<128x64xf32, #tpu.memory_space<vmem>>) dst(%dma_wait3A_244 : memref<128x64xf32, #tpu.memory_space<hbm>>)
      } else {
      }
      %parallel_loop3A_162 = arith.constant 0 : i32
      %parallel_loop3A_163 = arith.constant 128 : i32
      %parallel_loop3A_164 = arith.constant 1 : i32
      scf.for %parallel_loop3A_239 = %parallel_loop3A_162 to %parallel_loop3A_163 step %parallel_loop3A_164  : i32 {
        %parallel_loop3A_240 = arith.index_cast %parallel_loop3A_239 : i32 to index
        %parallel_loop3A_241 = arith.constant 0 : index
        %parallel_loop3A_242 = tpu.vector_load %arg9[%parallel_loop3A_240, %parallel_loop3A_241] {strides = array<i32>} : memref<128x128xf32, #tpu.memory_space<vmem>>, vector<1x16xf32>,
        %parallel_loop3A_243 = vector.shape_cast %parallel_loop3A_242 : vector<1x16xf32> to vector<16xf32>
        %parallel_loop3A_244 = arith.index_cast %parallel_loop3A_239 : i32 to index
        %parallel_loop3A_245 = arith.constant 16 : index
        %parallel_loop3A_246 = tpu.vector_load %arg9[%parallel_loop3A_244, %parallel_loop3A_245] {strides = array<i32>} : memref<128x128xf32, #tpu.memory_space<vmem>>, vector<1x16xf32>,
        %parallel_loop3A_247 = vector.shape_cast %parallel_loop3A_246 : vector<1x16xf32> to vector<16xf32>
        %parallel_loop3A_248 = arith.index_cast %parallel_loop3A_239 : i32 to index
        %parallel_loop3A_249 = arith.constant 32 : index
        %parallel_loop3A_250 = tpu.vector_load %arg9[%parallel_loop3A_248, %parallel_loop3A_249] {strides = array<i32>} : memref<128x128xf32, #tpu.memory_space<vmem>>, vector<1x16xf32>,
        %parallel_loop3A_251 = vector.shape_cast %parallel_loop3A_250 : vector<1x16xf32> to vector<16xf32>
        %parallel_loop3A_252 = arith.index_cast %parallel_loop3A_239 : i32 to index
        %parallel_loop3A_253 = arith.constant 48 : index
        %parallel_loop3A_254 = tpu.vector_load %arg9[%parallel_loop3A_252, %parallel_loop3A_253] {strides = array<i32>} : memref<128x128xf32, #tpu.memory_space<vmem>>, vector<1x16xf32>,
        %parallel_loop3A_255 = vector.shape_cast %parallel_loop3A_254 : vector<1x16xf32> to vector<16xf32>
        %parallel_loop3A_256 = arith.addf %parallel_loop3A_243, %parallel_loop3A_247 : vector<16xf32>
        %parallel_loop3A_257 = arith.addf %parallel_loop3A_251, %parallel_loop3A_255 : vector<16xf32>
        %parallel_loop3A_258 = arith.addf %parallel_loop3A_256, %parallel_loop3A_257 : vector<16xf32>
        %parallel_loop3A_259 = arith.mulf %parallel_loop3A_243, %parallel_loop3A_243 : vector<16xf32>
        %parallel_loop3A_260 = arith.mulf %parallel_loop3A_247, %parallel_loop3A_247 : vector<16xf32>
        %parallel_loop3A_261 = arith.addf %parallel_loop3A_259, %parallel_loop3A_260 : vector<16xf32>
        %parallel_loop3A_262 = arith.mulf %parallel_loop3A_251, %parallel_loop3A_251 : vector<16xf32>
        %parallel_loop3A_263 = arith.mulf %parallel_loop3A_255, %parallel_loop3A_255 : vector<16xf32>
        %parallel_loop3A_264 = arith.addf %parallel_loop3A_262, %parallel_loop3A_263 : vector<16xf32>
        %parallel_loop3A_265 = arith.addf %parallel_loop3A_261, %parallel_loop3A_264 : vector<16xf32>
        %parallel_loop3A_266 = vector.shape_cast %reshape3A : vector<16x1xi32> to vector<16xi32>
        %parallel_loop3A_267 = tpu.dynamic_gather %parallel_loop3A_258[%parallel_loop3A_266] in [0] : vector<16xf32>, vector<16xi32> -> vector<16xf32>
        %parallel_loop3A_268 = arith.addf %parallel_loop3A_258, %parallel_loop3A_267 : vector<16xf32>
        %parallel_loop3A_269 = vector.shape_cast %reshape3A : vector<16x1xi32> to vector<16xi32>
        %parallel_loop3A_270 = tpu.dynamic_gather %parallel_loop3A_265[%parallel_loop3A_269] in [0] : vector<16xf32>, vector<16xi32> -> vector<16xf32>
        %parallel_loop3A_271 = arith.addf %parallel_loop3A_265, %parallel_loop3A_270 : vector<16xf32>
        %parallel_loop3A_272 = vector.shape_cast %reshape3A_8 : vector<16x1xi32> to vector<16xi32>
        %parallel_loop3A_273 = tpu.dynamic_gather %parallel_loop3A_268[%parallel_loop3A_272] in [0] : vector<16xf32>, vector<16xi32> -> vector<16xf32>
        %parallel_loop3A_274 = arith.addf %parallel_loop3A_268, %parallel_loop3A_273 : vector<16xf32>
        %parallel_loop3A_275 = vector.shape_cast %reshape3A_8 : vector<16x1xi32> to vector<16xi32>
        %parallel_loop3A_276 = tpu.dynamic_gather %parallel_loop3A_271[%parallel_loop3A_275] in [0] : vector<16xf32>, vector<16xi32> -> vector<16xf32>
        %parallel_loop3A_277 = arith.addf %parallel_loop3A_271, %parallel_loop3A_276 : vector<16xf32>
        %parallel_loop3A_278 = vector.shape_cast %reshape3A_12 : vector<16x1xi32> to vector<16xi32>
        %parallel_loop3A_279 = tpu.dynamic_gather %parallel_loop3A_274[%parallel_loop3A_278] in [0] : vector<16xf32>, vector<16xi32> -> vector<16xf32>
        %parallel_loop3A_280 = arith.addf %parallel_loop3A_274, %parallel_loop3A_279 : vector<16xf32>
        %parallel_loop3A_281 = vector.shape_cast %reshape3A_12 : vector<16x1xi32> to vector<16xi32>
        %parallel_loop3A_282 = tpu.dynamic_gather %parallel_loop3A_277[%parallel_loop3A_281] in [0] : vector<16xf32>, vector<16xi32> -> vector<16xf32>
        %parallel_loop3A_283 = arith.addf %parallel_loop3A_277, %parallel_loop3A_282 : vector<16xf32>
        %parallel_loop3A_284 = vector.shape_cast %reshape3A_16 : vector<16x1xi32> to vector<16xi32>
        %parallel_loop3A_285 = tpu.dynamic_gather %parallel_loop3A_280[%parallel_loop3A_284] in [0] : vector<16xf32>, vector<16xi32> -> vector<16xf32>
        %parallel_loop3A_286 = arith.addf %parallel_loop3A_280, %parallel_loop3A_285 : vector<16xf32>
        %parallel_loop3A_287 = vector.shape_cast %reshape3A_16 : vector<16x1xi32> to vector<16xi32>
        %parallel_loop3A_288 = tpu.dynamic_gather %parallel_loop3A_283[%parallel_loop3A_287] in [0] : vector<16xf32>, vector<16xi32> -> vector<16xf32>
        %parallel_loop3A_289 = arith.addf %parallel_loop3A_283, %parallel_loop3A_288 : vector<16xf32>
        %parallel_loop3A_290 = arith.constant 1.562500e-02 : f32
        %parallel_loop3A_291 = vector.broadcast %parallel_loop3A_290 : f32 to vector<16xf32>
        %parallel_loop3A_292 = arith.mulf %parallel_loop3A_286, %parallel_loop3A_291 : vector<16xf32>
        %parallel_loop3A_293 = arith.constant 1.562500e-02 : f32
        %parallel_loop3A_294 = vector.broadcast %parallel_loop3A_293 : f32 to vector<16xf32>
        %parallel_loop3A_295 = arith.mulf %parallel_loop3A_289, %parallel_loop3A_294 : vector<16xf32>
        %parallel_loop3A_296 = arith.mulf %parallel_loop3A_292, %parallel_loop3A_292 : vector<16xf32>
        %parallel_loop3A_297 = arith.subf %parallel_loop3A_295, %parallel_loop3A_296 : vector<16xf32>
        %parallel_loop3A_298 = arith.constant 9.99999974E-6 : f32
        %parallel_loop3A_299 = vector.broadcast %parallel_loop3A_298 : f32 to vector<16xf32>
        %parallel_loop3A_300 = arith.addf %parallel_loop3A_297, %parallel_loop3A_299 : vector<16xf32>
        %parallel_loop3A_301 = tpu.bitcast %parallel_loop3A_300 : vector<16xf32> -> vector<16xi32>
        %parallel_loop3A_302 = arith.shrsi %parallel_loop3A_301, %broadcast_in_dim3A_40 : vector<16xi32>
        %parallel_loop3A_303 = arith.constant 1597463007 : i32
        %parallel_loop3A_304 = vector.broadcast %parallel_loop3A_303 : i32 to vector<16xi32>
        %parallel_loop3A_305 = arith.subi %parallel_loop3A_304, %parallel_loop3A_302 : vector<16xi32>
        %parallel_loop3A_306 = tpu.bitcast %parallel_loop3A_305 : vector<16xi32> -> vector<16xf32>
        %parallel_loop3A_307 = arith.constant 5.000000e-01 : f32
        %parallel_loop3A_308 = vector.broadcast %parallel_loop3A_307 : f32 to vector<16xf32>
        %parallel_loop3A_309 = arith.mulf %parallel_loop3A_300, %parallel_loop3A_308 : vector<16xf32>
        %parallel_loop3A_310 = arith.mulf %parallel_loop3A_309, %parallel_loop3A_306 : vector<16xf32>
        %parallel_loop3A_311 = arith.mulf %parallel_loop3A_310, %parallel_loop3A_306 : vector<16xf32>
        %parallel_loop3A_312 = arith.constant 1.500000e+00 : f32
        %parallel_loop3A_313 = vector.broadcast %parallel_loop3A_312 : f32 to vector<16xf32>
        %parallel_loop3A_314 = arith.subf %parallel_loop3A_313, %parallel_loop3A_311 : vector<16xf32>
        %parallel_loop3A_315 = arith.mulf %parallel_loop3A_306, %parallel_loop3A_314 : vector<16xf32>
        %parallel_loop3A_316 = arith.mulf %parallel_loop3A_309, %parallel_loop3A_315 : vector<16xf32>
        %parallel_loop3A_317 = arith.mulf %parallel_loop3A_316, %parallel_loop3A_315 : vector<16xf32>
        %parallel_loop3A_318 = arith.constant 1.500000e+00 : f32
        %parallel_loop3A_319 = vector.broadcast %parallel_loop3A_318 : f32 to vector<16xf32>
        %parallel_loop3A_320 = arith.subf %parallel_loop3A_319, %parallel_loop3A_317 : vector<16xf32>
        %parallel_loop3A_321 = arith.mulf %parallel_loop3A_315, %parallel_loop3A_320 : vector<16xf32>
        %parallel_loop3A_322 = arith.subf %parallel_loop3A_243, %parallel_loop3A_292 : vector<16xf32>
        %parallel_loop3A_323 = arith.mulf %parallel_loop3A_322, %parallel_loop3A_321 : vector<16xf32>
        %parallel_loop3A_324 = arith.mulf %parallel_loop3A_323, %get3A_18 : vector<16xf32>
        %parallel_loop3A_325 = arith.addf %parallel_loop3A_324, %get3A_30 : vector<16xf32>
        %parallel_loop3A_326 = arith.index_cast %parallel_loop3A_239 : i32 to index
        %parallel_loop3A_327 = arith.constant 0 : index
        %parallel_loop3A_328 = tpu.vector_load %arg13[%parallel_loop3A_326, %parallel_loop3A_327] {strides = array<i32>} : memref<128x64xf32, #tpu.memory_space<vmem>>, vector<1x16xf32>,
        %parallel_loop3A_329 = vector.shape_cast %parallel_loop3A_328 : vector<1x16xf32> to vector<16xf32>
        %parallel_loop3A_330 = vector.shape_cast %parallel_loop3A_325 : vector<16xf32> to vector<1x16xf32>
        tpu.vector_store %arg13[%parallel_loop3A_326, %parallel_loop3A_327], %parallel_loop3A_330 {strides = array<i32>} : memref<128x64xf32, #tpu.memory_space<vmem>>, vector<1x16xf32>,
        %parallel_loop3A_331 = arith.subf %parallel_loop3A_247, %parallel_loop3A_292 : vector<16xf32>
        %parallel_loop3A_332 = arith.mulf %parallel_loop3A_331, %parallel_loop3A_321 : vector<16xf32>
        %parallel_loop3A_333 = arith.mulf %parallel_loop3A_332, %get3A_21 : vector<16xf32>
        %parallel_loop3A_334 = arith.addf %parallel_loop3A_333, %get3A_33 : vector<16xf32>
        %parallel_loop3A_335 = arith.index_cast %parallel_loop3A_239 : i32 to index
        %parallel_loop3A_336 = arith.constant 16 : index
        %parallel_loop3A_337 = tpu.vector_load %arg13[%parallel_loop3A_335, %parallel_loop3A_336] {strides = array<i32>} : memref<128x64xf32, #tpu.memory_space<vmem>>, vector<1x16xf32>,
        %parallel_loop3A_338 = vector.shape_cast %parallel_loop3A_337 : vector<1x16xf32> to vector<16xf32>
        %parallel_loop3A_339 = vector.shape_cast %parallel_loop3A_334 : vector<16xf32> to vector<1x16xf32>
        tpu.vector_store %arg13[%parallel_loop3A_335, %parallel_loop3A_336], %parallel_loop3A_339 {strides = array<i32>} : memref<128x64xf32, #tpu.memory_space<vmem>>, vector<1x16xf32>,
        %parallel_loop3A_340 = arith.subf %parallel_loop3A_251, %parallel_loop3A_292 : vector<16xf32>
        %parallel_loop3A_341 = arith.mulf %parallel_loop3A_340, %parallel_loop3A_321 : vector<16xf32>
        %parallel_loop3A_342 = arith.mulf %parallel_loop3A_341, %get3A_24 : vector<16xf32>
        %parallel_loop3A_343 = arith.addf %parallel_loop3A_342, %get3A_36 : vector<16xf32>
        %parallel_loop3A_344 = arith.index_cast %parallel_loop3A_239 : i32 to index
        %parallel_loop3A_345 = arith.constant 32 : index
        %parallel_loop3A_346 = tpu.vector_load %arg13[%parallel_loop3A_344, %parallel_loop3A_345] {strides = array<i32>} : memref<128x64xf32, #tpu.memory_space<vmem>>, vector<1x16xf32>,
        %parallel_loop3A_347 = vector.shape_cast %parallel_loop3A_346 : vector<1x16xf32> to vector<16xf32>
        %parallel_loop3A_348 = vector.shape_cast %parallel_loop3A_343 : vector<16xf32> to vector<1x16xf32>
        tpu.vector_store %arg13[%parallel_loop3A_344, %parallel_loop3A_345], %parallel_loop3A_348 {strides = array<i32>} : memref<128x64xf32, #tpu.memory_space<vmem>>, vector<1x16xf32>,
        %parallel_loop3A_349 = arith.subf %parallel_loop3A_255, %parallel_loop3A_292 : vector<16xf32>
        %parallel_loop3A_350 = arith.mulf %parallel_loop3A_349, %parallel_loop3A_321 : vector<16xf32>
        %parallel_loop3A_351 = arith.mulf %parallel_loop3A_350, %get3A_27 : vector<16xf32>
        %parallel_loop3A_352 = arith.addf %parallel_loop3A_351, %get3A_39 : vector<16xf32>
        %parallel_loop3A_353 = arith.index_cast %parallel_loop3A_239 : i32 to index
        %parallel_loop3A_354 = arith.constant 48 : index
        %parallel_loop3A_355 = tpu.vector_load %arg13[%parallel_loop3A_353, %parallel_loop3A_354] {strides = array<i32>} : memref<128x64xf32, #tpu.memory_space<vmem>>, vector<1x16xf32>,
        %parallel_loop3A_356 = vector.shape_cast %parallel_loop3A_355 : vector<1x16xf32> to vector<16xf32>
        %parallel_loop3A_357 = vector.shape_cast %parallel_loop3A_352 : vector<16xf32> to vector<1x16xf32>
        tpu.vector_store %arg13[%parallel_loop3A_353, %parallel_loop3A_354], %parallel_loop3A_357 {strides = array<i32>} : memref<128x64xf32, #tpu.memory_space<vmem>>, vector<1x16xf32>,
      } {sc.loop_unroll_factor = 4 : i64, sc.parallel_access}
      %mul3A_165 = arith.constant 128 : i32
      %mul3A_166 = arith.muli %add3A_150, %mul3A_165 : i32
      %add3A_167 = arith.addi %mul3A_2, %mul3A_166 : i32
      %dma_start3A_168 = arith.constant 0 : i32
      %dma_start3A_169 = tpu.memref_slice %arg6[%add3A_167, %dma_start3A_168] : memref<819200x64xf32, #tpu.memory_space<hbm>> -> memref<128x64xf32, #tpu.memory_space<hbm>>
      %dma_start3A_170 = arith.constant 0 : i32
      %dma_start3A_171 = tpu.memref_slice %arg6[%add3A_167, %dma_start3A_170] : memref<819200x64xf32, #tpu.memory_space<hbm>> -> memref<128x64xf32, #tpu.memory_space<hbm>>
      tpu.enqueue_dma source(%arg13 : memref<128x64xf32, #tpu.memory_space<vmem>>) target(%dma_start3A_171 : memref<128x64xf32, #tpu.memory_space<hbm>>) target_semaphore(%arg19 : memref<!tpu.dma_semaphore, #tpu.memory_space<semaphore_mem>>)
      %add3A_172 = arith.constant 4 : i32
      %add3A_173 = arith.addi %add3A_150, %add3A_172 : i32
      %lt3A_174 = arith.constant 200 : i32
      %lt3A_175 = arith.cmpi slt, %add3A_173, %lt3A_174 : i32
      %convert_element_type3A_176 = arith.extui %lt3A_175 : i1 to i32
      %cond3A_177 = arith.constant 0 : i32
      %cond3A_178 = arith.cmpi ne, %convert_element_type3A_176, %cond3A_177 : i32
      scf.if %cond3A_178 {
        %add3A_239 = arith.constant 4 : i32
        %add3A_240 = arith.addi %add3A_150, %add3A_239 : i32
        %mul3A_241 = arith.constant 128 : i32
        %mul3A_242 = arith.muli %add3A_240, %mul3A_241 : i32
        %dma_start3A_243 = arith.constant 0 : i32
        %dma_start3A_244 = arith.constant 0 : i32
        %dma_start3A_245 = tpu.memref_slice %arg9[%dma_start3A_243, %dma_start3A_244] : memref<128x128xf32, #tpu.memory_space<vmem>> -> memref<64x128xf32, #tpu.memory_space<vmem>>
        %dma_start3A_246 = tpu.memref_slice %arg7[%mul3A_242] : memref<25600xi32, #tpu.memory_space<vmem>> -> memref<64xi32, #tpu.memory_space<vmem>>
        %dma_start3A_247 = arith.constant 0 : i32
        %dma_start3A_248 = arith.constant 0 : i32
        %dma_start3A_249 = tpu.memref_slice %arg3[%dma_start3A_247, %dma_start3A_248] : memref<1000000x128xf32, #tpu.memory_space<hbm>> -> memref<1000000x128xf32, #tpu.memory_space<hbm>>
        tpu.enqueue_indirect_dma source(%dma_start3A_249 : memref<1000000x128xf32, #tpu.memory_space<hbm>>) target(%dma_start3A_245 : memref<64x128xf32, #tpu.memory_space<vmem>>) offsets(%dma_start3A_246 : memref<64xi32, #tpu.memory_space<vmem>>) semaphore(%arg15 : memref<!tpu.dma_semaphore, #tpu.memory_space<semaphore_mem>>)
        %mul3A_250 = arith.constant 128 : i32
        %mul3A_251 = arith.muli %add3A_240, %mul3A_250 : i32
        %add3A_252 = arith.constant 64 : i32
        %add3A_253 = arith.addi %mul3A_251, %add3A_252 : i32
        %dma_start3A_254 = arith.constant 64 : i32
        %dma_start3A_255 = arith.constant 0 : i32
        %dma_start3A_256 = tpu.memref_slice %arg9[%dma_start3A_254, %dma_start3A_255] : memref<128x128xf32, #tpu.memory_space<vmem>> -> memref<64x128xf32, #tpu.memory_space<vmem>>
        %dma_start3A_257 = tpu.memref_slice %arg7[%add3A_253] : memref<25600xi32, #tpu.memory_space<vmem>> -> memref<64xi32, #tpu.memory_space<vmem>>
        %dma_start3A_258 = arith.constant 0 : i32
        %dma_start3A_259 = arith.constant 0 : i32
        %dma_start3A_260 = tpu.memref_slice %arg3[%dma_start3A_258, %dma_start3A_259] : memref<1000000x128xf32, #tpu.memory_space<hbm>> -> memref<1000000x128xf32, #tpu.memory_space<hbm>>
        tpu.enqueue_indirect_dma source(%dma_start3A_260 : memref<1000000x128xf32, #tpu.memory_space<hbm>>) target(%dma_start3A_256 : memref<64x128xf32, #tpu.memory_space<vmem>>) offsets(%dma_start3A_257 : memref<64xi32, #tpu.memory_space<vmem>>) semaphore(%arg15 : memref<!tpu.dma_semaphore, #tpu.memory_space<semaphore_mem>>)
      } else {
      }
      %add3A_179 = arith.constant 2 : i32
      %add3A_180 = arith.addi %add3A_123, %add3A_179 : i32
      %dma_wait3A_181 = arith.constant 0 : i32
      %dma_wait3A_182 = arith.constant 0 : i32
      %dma_wait3A_183 = tpu.memref_slice %arg3[%dma_wait3A_181, %dma_wait3A_182] : memref<1000000x128xf32, #tpu.memory_space<hbm>> -> memref<128x128xf32, #tpu.memory_space<hbm>>
      %dma_wait3A_184 = arith.constant 0 : i32
      %dma_wait3A_185 = arith.constant 0 : i32
      %dma_wait3A_186 = tpu.memref_slice %arg3[%dma_wait3A_184, %dma_wait3A_185] : memref<1000000x128xf32, #tpu.memory_space<hbm>> -> memref<128x128xf32, #tpu.memory_space<hbm>>
      tpu.wait_dma2 semaphore(%arg16 : memref<!tpu.dma_semaphore, #tpu.memory_space<semaphore_mem>>) src(%dma_wait3A_186 : memref<128x128xf32, #tpu.memory_space<hbm>>) dst(%arg10 : memref<128x128xf32, #tpu.memory_space<vmem>>)
      %ge3A_187 = arith.constant 2 : i32
      %ge3A_188 = arith.cmpi sge, %add3A_180, %ge3A_187 : i32
      %convert_element_type3A_189 = arith.extui %ge3A_188 : i1 to i32
      %cond3A_190 = arith.constant 0 : i32
      %cond3A_191 = arith.cmpi ne, %convert_element_type3A_189, %cond3A_190 : i32
      scf.if %cond3A_191 {
        %dma_wait3A_239 = arith.constant 0 : i32
        %dma_wait3A_240 = arith.constant 0 : i32
        %dma_wait3A_241 = tpu.memref_slice %arg6[%dma_wait3A_239, %dma_wait3A_240] : memref<819200x64xf32, #tpu.memory_space<hbm>> -> memref<128x64xf32, #tpu.memory_space<hbm>>
        %dma_wait3A_242 = arith.constant 0 : i32
        %dma_wait3A_243 = arith.constant 0 : i32
        %dma_wait3A_244 = tpu.memref_slice %arg6[%dma_wait3A_242, %dma_wait3A_243] : memref<819200x64xf32, #tpu.memory_space<hbm>> -> memref<128x64xf32, #tpu.memory_space<hbm>>
        tpu.wait_dma2 semaphore(%arg18 : memref<!tpu.dma_semaphore, #tpu.memory_space<semaphore_mem>>) src(%arg12 : memref<128x64xf32, #tpu.memory_space<vmem>>) dst(%dma_wait3A_244 : memref<128x64xf32, #tpu.memory_space<hbm>>)
      } else {
      }
      %parallel_loop3A_192 = arith.constant 0 : i32
      %parallel_loop3A_193 = arith.constant 128 : i32
      %parallel_loop3A_194 = arith.constant 1 : i32
      scf.for %parallel_loop3A_239 = %parallel_loop3A_192 to %parallel_loop3A_193 step %parallel_loop3A_194  : i32 {
        %parallel_loop3A_240 = arith.index_cast %parallel_loop3A_239 : i32 to index
        %parallel_loop3A_241 = arith.constant 0 : index
        %parallel_loop3A_242 = tpu.vector_load %arg10[%parallel_loop3A_240, %parallel_loop3A_241] {strides = array<i32>} : memref<128x128xf32, #tpu.memory_space<vmem>>, vector<1x16xf32>,
        %parallel_loop3A_243 = vector.shape_cast %parallel_loop3A_242 : vector<1x16xf32> to vector<16xf32>
        %parallel_loop3A_244 = arith.index_cast %parallel_loop3A_239 : i32 to index
        %parallel_loop3A_245 = arith.constant 16 : index
        %parallel_loop3A_246 = tpu.vector_load %arg10[%parallel_loop3A_244, %parallel_loop3A_245] {strides = array<i32>} : memref<128x128xf32, #tpu.memory_space<vmem>>, vector<1x16xf32>,
        %parallel_loop3A_247 = vector.shape_cast %parallel_loop3A_246 : vector<1x16xf32> to vector<16xf32>
        %parallel_loop3A_248 = arith.index_cast %parallel_loop3A_239 : i32 to index
        %parallel_loop3A_249 = arith.constant 32 : index
        %parallel_loop3A_250 = tpu.vector_load %arg10[%parallel_loop3A_248, %parallel_loop3A_249] {strides = array<i32>} : memref<128x128xf32, #tpu.memory_space<vmem>>, vector<1x16xf32>,
        %parallel_loop3A_251 = vector.shape_cast %parallel_loop3A_250 : vector<1x16xf32> to vector<16xf32>
        %parallel_loop3A_252 = arith.index_cast %parallel_loop3A_239 : i32 to index
        %parallel_loop3A_253 = arith.constant 48 : index
        %parallel_loop3A_254 = tpu.vector_load %arg10[%parallel_loop3A_252, %parallel_loop3A_253] {strides = array<i32>} : memref<128x128xf32, #tpu.memory_space<vmem>>, vector<1x16xf32>,
        %parallel_loop3A_255 = vector.shape_cast %parallel_loop3A_254 : vector<1x16xf32> to vector<16xf32>
        %parallel_loop3A_256 = arith.addf %parallel_loop3A_243, %parallel_loop3A_247 : vector<16xf32>
        %parallel_loop3A_257 = arith.addf %parallel_loop3A_251, %parallel_loop3A_255 : vector<16xf32>
        %parallel_loop3A_258 = arith.addf %parallel_loop3A_256, %parallel_loop3A_257 : vector<16xf32>
        %parallel_loop3A_259 = arith.mulf %parallel_loop3A_243, %parallel_loop3A_243 : vector<16xf32>
        %parallel_loop3A_260 = arith.mulf %parallel_loop3A_247, %parallel_loop3A_247 : vector<16xf32>
        %parallel_loop3A_261 = arith.addf %parallel_loop3A_259, %parallel_loop3A_260 : vector<16xf32>
        %parallel_loop3A_262 = arith.mulf %parallel_loop3A_251, %parallel_loop3A_251 : vector<16xf32>
        %parallel_loop3A_263 = arith.mulf %parallel_loop3A_255, %parallel_loop3A_255 : vector<16xf32>
        %parallel_loop3A_264 = arith.addf %parallel_loop3A_262, %parallel_loop3A_263 : vector<16xf32>
        %parallel_loop3A_265 = arith.addf %parallel_loop3A_261, %parallel_loop3A_264 : vector<16xf32>
        %parallel_loop3A_266 = vector.shape_cast %reshape3A : vector<16x1xi32> to vector<16xi32>
        %parallel_loop3A_267 = tpu.dynamic_gather %parallel_loop3A_258[%parallel_loop3A_266] in [0] : vector<16xf32>, vector<16xi32> -> vector<16xf32>
        %parallel_loop3A_268 = arith.addf %parallel_loop3A_258, %parallel_loop3A_267 : vector<16xf32>
        %parallel_loop3A_269 = vector.shape_cast %reshape3A : vector<16x1xi32> to vector<16xi32>
        %parallel_loop3A_270 = tpu.dynamic_gather %parallel_loop3A_265[%parallel_loop3A_269] in [0] : vector<16xf32>, vector<16xi32> -> vector<16xf32>
        %parallel_loop3A_271 = arith.addf %parallel_loop3A_265, %parallel_loop3A_270 : vector<16xf32>
        %parallel_loop3A_272 = vector.shape_cast %reshape3A_8 : vector<16x1xi32> to vector<16xi32>
        %parallel_loop3A_273 = tpu.dynamic_gather %parallel_loop3A_268[%parallel_loop3A_272] in [0] : vector<16xf32>, vector<16xi32> -> vector<16xf32>
        %parallel_loop3A_274 = arith.addf %parallel_loop3A_268, %parallel_loop3A_273 : vector<16xf32>
        %parallel_loop3A_275 = vector.shape_cast %reshape3A_8 : vector<16x1xi32> to vector<16xi32>
        %parallel_loop3A_276 = tpu.dynamic_gather %parallel_loop3A_271[%parallel_loop3A_275] in [0] : vector<16xf32>, vector<16xi32> -> vector<16xf32>
        %parallel_loop3A_277 = arith.addf %parallel_loop3A_271, %parallel_loop3A_276 : vector<16xf32>
        %parallel_loop3A_278 = vector.shape_cast %reshape3A_12 : vector<16x1xi32> to vector<16xi32>
        %parallel_loop3A_279 = tpu.dynamic_gather %parallel_loop3A_274[%parallel_loop3A_278] in [0] : vector<16xf32>, vector<16xi32> -> vector<16xf32>
        %parallel_loop3A_280 = arith.addf %parallel_loop3A_274, %parallel_loop3A_279 : vector<16xf32>
        %parallel_loop3A_281 = vector.shape_cast %reshape3A_12 : vector<16x1xi32> to vector<16xi32>
        %parallel_loop3A_282 = tpu.dynamic_gather %parallel_loop3A_277[%parallel_loop3A_281] in [0] : vector<16xf32>, vector<16xi32> -> vector<16xf32>
        %parallel_loop3A_283 = arith.addf %parallel_loop3A_277, %parallel_loop3A_282 : vector<16xf32>
        %parallel_loop3A_284 = vector.shape_cast %reshape3A_16 : vector<16x1xi32> to vector<16xi32>
        %parallel_loop3A_285 = tpu.dynamic_gather %parallel_loop3A_280[%parallel_loop3A_284] in [0] : vector<16xf32>, vector<16xi32> -> vector<16xf32>
        %parallel_loop3A_286 = arith.addf %parallel_loop3A_280, %parallel_loop3A_285 : vector<16xf32>
        %parallel_loop3A_287 = vector.shape_cast %reshape3A_16 : vector<16x1xi32> to vector<16xi32>
        %parallel_loop3A_288 = tpu.dynamic_gather %parallel_loop3A_283[%parallel_loop3A_287] in [0] : vector<16xf32>, vector<16xi32> -> vector<16xf32>
        %parallel_loop3A_289 = arith.addf %parallel_loop3A_283, %parallel_loop3A_288 : vector<16xf32>
        %parallel_loop3A_290 = arith.constant 1.562500e-02 : f32
        %parallel_loop3A_291 = vector.broadcast %parallel_loop3A_290 : f32 to vector<16xf32>
        %parallel_loop3A_292 = arith.mulf %parallel_loop3A_286, %parallel_loop3A_291 : vector<16xf32>
        %parallel_loop3A_293 = arith.constant 1.562500e-02 : f32
        %parallel_loop3A_294 = vector.broadcast %parallel_loop3A_293 : f32 to vector<16xf32>
        %parallel_loop3A_295 = arith.mulf %parallel_loop3A_289, %parallel_loop3A_294 : vector<16xf32>
        %parallel_loop3A_296 = arith.mulf %parallel_loop3A_292, %parallel_loop3A_292 : vector<16xf32>
        %parallel_loop3A_297 = arith.subf %parallel_loop3A_295, %parallel_loop3A_296 : vector<16xf32>
        %parallel_loop3A_298 = arith.constant 9.99999974E-6 : f32
        %parallel_loop3A_299 = vector.broadcast %parallel_loop3A_298 : f32 to vector<16xf32>
        %parallel_loop3A_300 = arith.addf %parallel_loop3A_297, %parallel_loop3A_299 : vector<16xf32>
        %parallel_loop3A_301 = tpu.bitcast %parallel_loop3A_300 : vector<16xf32> -> vector<16xi32>
        %parallel_loop3A_302 = arith.shrsi %parallel_loop3A_301, %broadcast_in_dim3A_40 : vector<16xi32>
        %parallel_loop3A_303 = arith.constant 1597463007 : i32
        %parallel_loop3A_304 = vector.broadcast %parallel_loop3A_303 : i32 to vector<16xi32>
        %parallel_loop3A_305 = arith.subi %parallel_loop3A_304, %parallel_loop3A_302 : vector<16xi32>
        %parallel_loop3A_306 = tpu.bitcast %parallel_loop3A_305 : vector<16xi32> -> vector<16xf32>
        %parallel_loop3A_307 = arith.constant 5.000000e-01 : f32
        %parallel_loop3A_308 = vector.broadcast %parallel_loop3A_307 : f32 to vector<16xf32>
        %parallel_loop3A_309 = arith.mulf %parallel_loop3A_300, %parallel_loop3A_308 : vector<16xf32>
        %parallel_loop3A_310 = arith.mulf %parallel_loop3A_309, %parallel_loop3A_306 : vector<16xf32>
        %parallel_loop3A_311 = arith.mulf %parallel_loop3A_310, %parallel_loop3A_306 : vector<16xf32>
        %parallel_loop3A_312 = arith.constant 1.500000e+00 : f32
        %parallel_loop3A_313 = vector.broadcast %parallel_loop3A_312 : f32 to vector<16xf32>
        %parallel_loop3A_314 = arith.subf %parallel_loop3A_313, %parallel_loop3A_311 : vector<16xf32>
        %parallel_loop3A_315 = arith.mulf %parallel_loop3A_306, %parallel_loop3A_314 : vector<16xf32>
        %parallel_loop3A_316 = arith.mulf %parallel_loop3A_309, %parallel_loop3A_315 : vector<16xf32>
        %parallel_loop3A_317 = arith.mulf %parallel_loop3A_316, %parallel_loop3A_315 : vector<16xf32>
        %parallel_loop3A_318 = arith.constant 1.500000e+00 : f32
        %parallel_loop3A_319 = vector.broadcast %parallel_loop3A_318 : f32 to vector<16xf32>
        %parallel_loop3A_320 = arith.subf %parallel_loop3A_319, %parallel_loop3A_317 : vector<16xf32>
        %parallel_loop3A_321 = arith.mulf %parallel_loop3A_315, %parallel_loop3A_320 : vector<16xf32>
        %parallel_loop3A_322 = arith.subf %parallel_loop3A_243, %parallel_loop3A_292 : vector<16xf32>
        %parallel_loop3A_323 = arith.mulf %parallel_loop3A_322, %parallel_loop3A_321 : vector<16xf32>
        %parallel_loop3A_324 = arith.mulf %parallel_loop3A_323, %get3A_18 : vector<16xf32>
        %parallel_loop3A_325 = arith.addf %parallel_loop3A_324, %get3A_30 : vector<16xf32>
        %parallel_loop3A_326 = arith.index_cast %parallel_loop3A_239 : i32 to index
        %parallel_loop3A_327 = arith.constant 0 : index
        %parallel_loop3A_328 = tpu.vector_load %arg12[%parallel_loop3A_326, %parallel_loop3A_327] {strides = array<i32>} : memref<128x64xf32, #tpu.memory_space<vmem>>, vector<1x16xf32>,
        %parallel_loop3A_329 = vector.shape_cast %parallel_loop3A_328 : vector<1x16xf32> to vector<16xf32>
        %parallel_loop3A_330 = vector.shape_cast %parallel_loop3A_325 : vector<16xf32> to vector<1x16xf32>
        tpu.vector_store %arg12[%parallel_loop3A_326, %parallel_loop3A_327], %parallel_loop3A_330 {strides = array<i32>} : memref<128x64xf32, #tpu.memory_space<vmem>>, vector<1x16xf32>,
        %parallel_loop3A_331 = arith.subf %parallel_loop3A_247, %parallel_loop3A_292 : vector<16xf32>
        %parallel_loop3A_332 = arith.mulf %parallel_loop3A_331, %parallel_loop3A_321 : vector<16xf32>
        %parallel_loop3A_333 = arith.mulf %parallel_loop3A_332, %get3A_21 : vector<16xf32>
        %parallel_loop3A_334 = arith.addf %parallel_loop3A_333, %get3A_33 : vector<16xf32>
        %parallel_loop3A_335 = arith.index_cast %parallel_loop3A_239 : i32 to index
        %parallel_loop3A_336 = arith.constant 16 : index
        %parallel_loop3A_337 = tpu.vector_load %arg12[%parallel_loop3A_335, %parallel_loop3A_336] {strides = array<i32>} : memref<128x64xf32, #tpu.memory_space<vmem>>, vector<1x16xf32>,
        %parallel_loop3A_338 = vector.shape_cast %parallel_loop3A_337 : vector<1x16xf32> to vector<16xf32>
        %parallel_loop3A_339 = vector.shape_cast %parallel_loop3A_334 : vector<16xf32> to vector<1x16xf32>
        tpu.vector_store %arg12[%parallel_loop3A_335, %parallel_loop3A_336], %parallel_loop3A_339 {strides = array<i32>} : memref<128x64xf32, #tpu.memory_space<vmem>>, vector<1x16xf32>,
        %parallel_loop3A_340 = arith.subf %parallel_loop3A_251, %parallel_loop3A_292 : vector<16xf32>
        %parallel_loop3A_341 = arith.mulf %parallel_loop3A_340, %parallel_loop3A_321 : vector<16xf32>
        %parallel_loop3A_342 = arith.mulf %parallel_loop3A_341, %get3A_24 : vector<16xf32>
        %parallel_loop3A_343 = arith.addf %parallel_loop3A_342, %get3A_36 : vector<16xf32>
        %parallel_loop3A_344 = arith.index_cast %parallel_loop3A_239 : i32 to index
        %parallel_loop3A_345 = arith.constant 32 : index
        %parallel_loop3A_346 = tpu.vector_load %arg12[%parallel_loop3A_344, %parallel_loop3A_345] {strides = array<i32>} : memref<128x64xf32, #tpu.memory_space<vmem>>, vector<1x16xf32>,
        %parallel_loop3A_347 = vector.shape_cast %parallel_loop3A_346 : vector<1x16xf32> to vector<16xf32>
        %parallel_loop3A_348 = vector.shape_cast %parallel_loop3A_343 : vector<16xf32> to vector<1x16xf32>
        tpu.vector_store %arg12[%parallel_loop3A_344, %parallel_loop3A_345], %parallel_loop3A_348 {strides = array<i32>} : memref<128x64xf32, #tpu.memory_space<vmem>>, vector<1x16xf32>,
        %parallel_loop3A_349 = arith.subf %parallel_loop3A_255, %parallel_loop3A_292 : vector<16xf32>
        %parallel_loop3A_350 = arith.mulf %parallel_loop3A_349, %parallel_loop3A_321 : vector<16xf32>
        %parallel_loop3A_351 = arith.mulf %parallel_loop3A_350, %get3A_27 : vector<16xf32>
        %parallel_loop3A_352 = arith.addf %parallel_loop3A_351, %get3A_39 : vector<16xf32>
        %parallel_loop3A_353 = arith.index_cast %parallel_loop3A_239 : i32 to index
        %parallel_loop3A_354 = arith.constant 48 : index
        %parallel_loop3A_355 = tpu.vector_load %arg12[%parallel_loop3A_353, %parallel_loop3A_354] {strides = array<i32>} : memref<128x64xf32, #tpu.memory_space<vmem>>, vector<1x16xf32>,
        %parallel_loop3A_356 = vector.shape_cast %parallel_loop3A_355 : vector<1x16xf32> to vector<16xf32>
        %parallel_loop3A_357 = vector.shape_cast %parallel_loop3A_352 : vector<16xf32> to vector<1x16xf32>
        tpu.vector_store %arg12[%parallel_loop3A_353, %parallel_loop3A_354], %parallel_loop3A_357 {strides = array<i32>} : memref<128x64xf32, #tpu.memory_space<vmem>>, vector<1x16xf32>,
      } {sc.loop_unroll_factor = 4 : i64, sc.parallel_access}
      %mul3A_195 = arith.constant 128 : i32
      %mul3A_196 = arith.muli %add3A_180, %mul3A_195 : i32
      %add3A_197 = arith.addi %mul3A_2, %mul3A_196 : i32
      %dma_start3A_198 = arith.constant 0 : i32
      %dma_start3A_199 = tpu.memref_slice %arg6[%add3A_197, %dma_start3A_198] : memref<819200x64xf32, #tpu.memory_space<hbm>> -> memref<128x64xf32, #tpu.memory_space<hbm>>
      %dma_start3A_200 = arith.constant 0 : i32
      %dma_start3A_201 = tpu.memref_slice %arg6[%add3A_197, %dma_start3A_200] : memref<819200x64xf32, #tpu.memory_space<hbm>> -> memref<128x64xf32, #tpu.memory_space<hbm>>
      tpu.enqueue_dma source(%arg12 : memref<128x64xf32, #tpu.memory_space<vmem>>) target(%dma_start3A_201 : memref<128x64xf32, #tpu.memory_space<hbm>>) target_semaphore(%arg18 : memref<!tpu.dma_semaphore, #tpu.memory_space<semaphore_mem>>)
      %add3A_202 = arith.constant 4 : i32
      %add3A_203 = arith.addi %add3A_180, %add3A_202 : i32
      %lt3A_204 = arith.constant 200 : i32
      %lt3A_205 = arith.cmpi slt, %add3A_203, %lt3A_204 : i32
      %convert_element_type3A_206 = arith.extui %lt3A_205 : i1 to i32
      %cond3A_207 = arith.constant 0 : i32
      %cond3A_208 = arith.cmpi ne, %convert_element_type3A_206, %cond3A_207 : i32
      scf.if %cond3A_208 {
        %add3A_239 = arith.constant 4 : i32
        %add3A_240 = arith.addi %add3A_180, %add3A_239 : i32
        %mul3A_241 = arith.constant 128 : i32
        %mul3A_242 = arith.muli %add3A_240, %mul3A_241 : i32
        %dma_start3A_243 = arith.constant 0 : i32
        %dma_start3A_244 = arith.constant 0 : i32
        %dma_start3A_245 = tpu.memref_slice %arg10[%dma_start3A_243, %dma_start3A_244] : memref<128x128xf32, #tpu.memory_space<vmem>> -> memref<64x128xf32, #tpu.memory_space<vmem>>
        %dma_start3A_246 = tpu.memref_slice %arg7[%mul3A_242] : memref<25600xi32, #tpu.memory_space<vmem>> -> memref<64xi32, #tpu.memory_space<vmem>>
        %dma_start3A_247 = arith.constant 0 : i32
        %dma_start3A_248 = arith.constant 0 : i32
        %dma_start3A_249 = tpu.memref_slice %arg3[%dma_start3A_247, %dma_start3A_248] : memref<1000000x128xf32, #tpu.memory_space<hbm>> -> memref<1000000x128xf32, #tpu.memory_space<hbm>>
        tpu.enqueue_indirect_dma source(%dma_start3A_249 : memref<1000000x128xf32, #tpu.memory_space<hbm>>) target(%dma_start3A_245 : memref<64x128xf32, #tpu.memory_space<vmem>>) offsets(%dma_start3A_246 : memref<64xi32, #tpu.memory_space<vmem>>) semaphore(%arg16 : memref<!tpu.dma_semaphore, #tpu.memory_space<semaphore_mem>>)
        %mul3A_250 = arith.constant 128 : i32
        %mul3A_251 = arith.muli %add3A_240, %mul3A_250 : i32
        %add3A_252 = arith.constant 64 : i32
        %add3A_253 = arith.addi %mul3A_251, %add3A_252 : i32
        %dma_start3A_254 = arith.constant 64 : i32
        %dma_start3A_255 = arith.constant 0 : i32
        %dma_start3A_256 = tpu.memref_slice %arg10[%dma_start3A_254, %dma_start3A_255] : memref<128x128xf32, #tpu.memory_space<vmem>> -> memref<64x128xf32, #tpu.memory_space<vmem>>
        %dma_start3A_257 = tpu.memref_slice %arg7[%add3A_253] : memref<25600xi32, #tpu.memory_space<vmem>> -> memref<64xi32, #tpu.memory_space<vmem>>
        %dma_start3A_258 = arith.constant 0 : i32
        %dma_start3A_259 = arith.constant 0 : i32
        %dma_start3A_260 = tpu.memref_slice %arg3[%dma_start3A_258, %dma_start3A_259] : memref<1000000x128xf32, #tpu.memory_space<hbm>> -> memref<1000000x128xf32, #tpu.memory_space<hbm>>
        tpu.enqueue_indirect_dma source(%dma_start3A_260 : memref<1000000x128xf32, #tpu.memory_space<hbm>>) target(%dma_start3A_256 : memref<64x128xf32, #tpu.memory_space<vmem>>) offsets(%dma_start3A_257 : memref<64xi32, #tpu.memory_space<vmem>>) semaphore(%arg16 : memref<!tpu.dma_semaphore, #tpu.memory_space<semaphore_mem>>)
      } else {
      }
      %add3A_209 = arith.constant 3 : i32
      %add3A_210 = arith.addi %add3A_123, %add3A_209 : i32
      %dma_wait3A_211 = arith.constant 0 : i32
      %dma_wait3A_212 = arith.constant 0 : i32
      %dma_wait3A_213 = tpu.memref_slice %arg3[%dma_wait3A_211, %dma_wait3A_212] : memref<1000000x128xf32, #tpu.memory_space<hbm>> -> memref<128x128xf32, #tpu.memory_space<hbm>>
      %dma_wait3A_214 = arith.constant 0 : i32
      %dma_wait3A_215 = arith.constant 0 : i32
      %dma_wait3A_216 = tpu.memref_slice %arg3[%dma_wait3A_214, %dma_wait3A_215] : memref<1000000x128xf32, #tpu.memory_space<hbm>> -> memref<128x128xf32, #tpu.memory_space<hbm>>
      tpu.wait_dma2 semaphore(%arg17 : memref<!tpu.dma_semaphore, #tpu.memory_space<semaphore_mem>>) src(%dma_wait3A_216 : memref<128x128xf32, #tpu.memory_space<hbm>>) dst(%arg11 : memref<128x128xf32, #tpu.memory_space<vmem>>)
      %ge3A_217 = arith.constant 2 : i32
      %ge3A_218 = arith.cmpi sge, %add3A_210, %ge3A_217 : i32
      %convert_element_type3A_219 = arith.extui %ge3A_218 : i1 to i32
      %cond3A_220 = arith.constant 0 : i32
      %cond3A_221 = arith.cmpi ne, %convert_element_type3A_219, %cond3A_220 : i32
      scf.if %cond3A_221 {
        %dma_wait3A_239 = arith.constant 0 : i32
        %dma_wait3A_240 = arith.constant 0 : i32
        %dma_wait3A_241 = tpu.memref_slice %arg6[%dma_wait3A_239, %dma_wait3A_240] : memref<819200x64xf32, #tpu.memory_space<hbm>> -> memref<128x64xf32, #tpu.memory_space<hbm>>
        %dma_wait3A_242 = arith.constant 0 : i32
        %dma_wait3A_243 = arith.constant 0 : i32
        %dma_wait3A_244 = tpu.memref_slice %arg6[%dma_wait3A_242, %dma_wait3A_243] : memref<819200x64xf32, #tpu.memory_space<hbm>> -> memref<128x64xf32, #tpu.memory_space<hbm>>
        tpu.wait_dma2 semaphore(%arg19 : memref<!tpu.dma_semaphore, #tpu.memory_space<semaphore_mem>>) src(%arg13 : memref<128x64xf32, #tpu.memory_space<vmem>>) dst(%dma_wait3A_244 : memref<128x64xf32, #tpu.memory_space<hbm>>)
      } else {
      }
      %parallel_loop3A_222 = arith.constant 0 : i32
      %parallel_loop3A_223 = arith.constant 128 : i32
      %parallel_loop3A_224 = arith.constant 1 : i32
      scf.for %parallel_loop3A_239 = %parallel_loop3A_222 to %parallel_loop3A_223 step %parallel_loop3A_224  : i32 {
        %parallel_loop3A_240 = arith.index_cast %parallel_loop3A_239 : i32 to index
        %parallel_loop3A_241 = arith.constant 0 : index
        %parallel_loop3A_242 = tpu.vector_load %arg11[%parallel_loop3A_240, %parallel_loop3A_241] {strides = array<i32>} : memref<128x128xf32, #tpu.memory_space<vmem>>, vector<1x16xf32>,
        %parallel_loop3A_243 = vector.shape_cast %parallel_loop3A_242 : vector<1x16xf32> to vector<16xf32>
        %parallel_loop3A_244 = arith.index_cast %parallel_loop3A_239 : i32 to index
        %parallel_loop3A_245 = arith.constant 16 : index
        %parallel_loop3A_246 = tpu.vector_load %arg11[%parallel_loop3A_244, %parallel_loop3A_245] {strides = array<i32>} : memref<128x128xf32, #tpu.memory_space<vmem>>, vector<1x16xf32>,
        %parallel_loop3A_247 = vector.shape_cast %parallel_loop3A_246 : vector<1x16xf32> to vector<16xf32>
        %parallel_loop3A_248 = arith.index_cast %parallel_loop3A_239 : i32 to index
        %parallel_loop3A_249 = arith.constant 32 : index
        %parallel_loop3A_250 = tpu.vector_load %arg11[%parallel_loop3A_248, %parallel_loop3A_249] {strides = array<i32>} : memref<128x128xf32, #tpu.memory_space<vmem>>, vector<1x16xf32>,
        %parallel_loop3A_251 = vector.shape_cast %parallel_loop3A_250 : vector<1x16xf32> to vector<16xf32>
        %parallel_loop3A_252 = arith.index_cast %parallel_loop3A_239 : i32 to index
        %parallel_loop3A_253 = arith.constant 48 : index
        %parallel_loop3A_254 = tpu.vector_load %arg11[%parallel_loop3A_252, %parallel_loop3A_253] {strides = array<i32>} : memref<128x128xf32, #tpu.memory_space<vmem>>, vector<1x16xf32>,
        %parallel_loop3A_255 = vector.shape_cast %parallel_loop3A_254 : vector<1x16xf32> to vector<16xf32>
        %parallel_loop3A_256 = arith.addf %parallel_loop3A_243, %parallel_loop3A_247 : vector<16xf32>
        %parallel_loop3A_257 = arith.addf %parallel_loop3A_251, %parallel_loop3A_255 : vector<16xf32>
        %parallel_loop3A_258 = arith.addf %parallel_loop3A_256, %parallel_loop3A_257 : vector<16xf32>
        %parallel_loop3A_259 = arith.mulf %parallel_loop3A_243, %parallel_loop3A_243 : vector<16xf32>
        %parallel_loop3A_260 = arith.mulf %parallel_loop3A_247, %parallel_loop3A_247 : vector<16xf32>
        %parallel_loop3A_261 = arith.addf %parallel_loop3A_259, %parallel_loop3A_260 : vector<16xf32>
        %parallel_loop3A_262 = arith.mulf %parallel_loop3A_251, %parallel_loop3A_251 : vector<16xf32>
        %parallel_loop3A_263 = arith.mulf %parallel_loop3A_255, %parallel_loop3A_255 : vector<16xf32>
        %parallel_loop3A_264 = arith.addf %parallel_loop3A_262, %parallel_loop3A_263 : vector<16xf32>
        %parallel_loop3A_265 = arith.addf %parallel_loop3A_261, %parallel_loop3A_264 : vector<16xf32>
        %parallel_loop3A_266 = vector.shape_cast %reshape3A : vector<16x1xi32> to vector<16xi32>
        %parallel_loop3A_267 = tpu.dynamic_gather %parallel_loop3A_258[%parallel_loop3A_266] in [0] : vector<16xf32>, vector<16xi32> -> vector<16xf32>
        %parallel_loop3A_268 = arith.addf %parallel_loop3A_258, %parallel_loop3A_267 : vector<16xf32>
        %parallel_loop3A_269 = vector.shape_cast %reshape3A : vector<16x1xi32> to vector<16xi32>
        %parallel_loop3A_270 = tpu.dynamic_gather %parallel_loop3A_265[%parallel_loop3A_269] in [0] : vector<16xf32>, vector<16xi32> -> vector<16xf32>
        %parallel_loop3A_271 = arith.addf %parallel_loop3A_265, %parallel_loop3A_270 : vector<16xf32>
        %parallel_loop3A_272 = vector.shape_cast %reshape3A_8 : vector<16x1xi32> to vector<16xi32>
        %parallel_loop3A_273 = tpu.dynamic_gather %parallel_loop3A_268[%parallel_loop3A_272] in [0] : vector<16xf32>, vector<16xi32> -> vector<16xf32>
        %parallel_loop3A_274 = arith.addf %parallel_loop3A_268, %parallel_loop3A_273 : vector<16xf32>
        %parallel_loop3A_275 = vector.shape_cast %reshape3A_8 : vector<16x1xi32> to vector<16xi32>
        %parallel_loop3A_276 = tpu.dynamic_gather %parallel_loop3A_271[%parallel_loop3A_275] in [0] : vector<16xf32>, vector<16xi32> -> vector<16xf32>
        %parallel_loop3A_277 = arith.addf %parallel_loop3A_271, %parallel_loop3A_276 : vector<16xf32>
        %parallel_loop3A_278 = vector.shape_cast %reshape3A_12 : vector<16x1xi32> to vector<16xi32>
        %parallel_loop3A_279 = tpu.dynamic_gather %parallel_loop3A_274[%parallel_loop3A_278] in [0] : vector<16xf32>, vector<16xi32> -> vector<16xf32>
        %parallel_loop3A_280 = arith.addf %parallel_loop3A_274, %parallel_loop3A_279 : vector<16xf32>
        %parallel_loop3A_281 = vector.shape_cast %reshape3A_12 : vector<16x1xi32> to vector<16xi32>
        %parallel_loop3A_282 = tpu.dynamic_gather %parallel_loop3A_277[%parallel_loop3A_281] in [0] : vector<16xf32>, vector<16xi32> -> vector<16xf32>
        %parallel_loop3A_283 = arith.addf %parallel_loop3A_277, %parallel_loop3A_282 : vector<16xf32>
        %parallel_loop3A_284 = vector.shape_cast %reshape3A_16 : vector<16x1xi32> to vector<16xi32>
        %parallel_loop3A_285 = tpu.dynamic_gather %parallel_loop3A_280[%parallel_loop3A_284] in [0] : vector<16xf32>, vector<16xi32> -> vector<16xf32>
        %parallel_loop3A_286 = arith.addf %parallel_loop3A_280, %parallel_loop3A_285 : vector<16xf32>
        %parallel_loop3A_287 = vector.shape_cast %reshape3A_16 : vector<16x1xi32> to vector<16xi32>
        %parallel_loop3A_288 = tpu.dynamic_gather %parallel_loop3A_283[%parallel_loop3A_287] in [0] : vector<16xf32>, vector<16xi32> -> vector<16xf32>
        %parallel_loop3A_289 = arith.addf %parallel_loop3A_283, %parallel_loop3A_288 : vector<16xf32>
        %parallel_loop3A_290 = arith.constant 1.562500e-02 : f32
        %parallel_loop3A_291 = vector.broadcast %parallel_loop3A_290 : f32 to vector<16xf32>
        %parallel_loop3A_292 = arith.mulf %parallel_loop3A_286, %parallel_loop3A_291 : vector<16xf32>
        %parallel_loop3A_293 = arith.constant 1.562500e-02 : f32
        %parallel_loop3A_294 = vector.broadcast %parallel_loop3A_293 : f32 to vector<16xf32>
        %parallel_loop3A_295 = arith.mulf %parallel_loop3A_289, %parallel_loop3A_294 : vector<16xf32>
        %parallel_loop3A_296 = arith.mulf %parallel_loop3A_292, %parallel_loop3A_292 : vector<16xf32>
        %parallel_loop3A_297 = arith.subf %parallel_loop3A_295, %parallel_loop3A_296 : vector<16xf32>
        %parallel_loop3A_298 = arith.constant 9.99999974E-6 : f32
        %parallel_loop3A_299 = vector.broadcast %parallel_loop3A_298 : f32 to vector<16xf32>
        %parallel_loop3A_300 = arith.addf %parallel_loop3A_297, %parallel_loop3A_299 : vector<16xf32>
        %parallel_loop3A_301 = tpu.bitcast %parallel_loop3A_300 : vector<16xf32> -> vector<16xi32>
        %parallel_loop3A_302 = arith.shrsi %parallel_loop3A_301, %broadcast_in_dim3A_40 : vector<16xi32>
        %parallel_loop3A_303 = arith.constant 1597463007 : i32
        %parallel_loop3A_304 = vector.broadcast %parallel_loop3A_303 : i32 to vector<16xi32>
        %parallel_loop3A_305 = arith.subi %parallel_loop3A_304, %parallel_loop3A_302 : vector<16xi32>
        %parallel_loop3A_306 = tpu.bitcast %parallel_loop3A_305 : vector<16xi32> -> vector<16xf32>
        %parallel_loop3A_307 = arith.constant 5.000000e-01 : f32
        %parallel_loop3A_308 = vector.broadcast %parallel_loop3A_307 : f32 to vector<16xf32>
        %parallel_loop3A_309 = arith.mulf %parallel_loop3A_300, %parallel_loop3A_308 : vector<16xf32>
        %parallel_loop3A_310 = arith.mulf %parallel_loop3A_309, %parallel_loop3A_306 : vector<16xf32>
        %parallel_loop3A_311 = arith.mulf %parallel_loop3A_310, %parallel_loop3A_306 : vector<16xf32>
        %parallel_loop3A_312 = arith.constant 1.500000e+00 : f32
        %parallel_loop3A_313 = vector.broadcast %parallel_loop3A_312 : f32 to vector<16xf32>
        %parallel_loop3A_314 = arith.subf %parallel_loop3A_313, %parallel_loop3A_311 : vector<16xf32>
        %parallel_loop3A_315 = arith.mulf %parallel_loop3A_306, %parallel_loop3A_314 : vector<16xf32>
        %parallel_loop3A_316 = arith.mulf %parallel_loop3A_309, %parallel_loop3A_315 : vector<16xf32>
        %parallel_loop3A_317 = arith.mulf %parallel_loop3A_316, %parallel_loop3A_315 : vector<16xf32>
        %parallel_loop3A_318 = arith.constant 1.500000e+00 : f32
        %parallel_loop3A_319 = vector.broadcast %parallel_loop3A_318 : f32 to vector<16xf32>
        %parallel_loop3A_320 = arith.subf %parallel_loop3A_319, %parallel_loop3A_317 : vector<16xf32>
        %parallel_loop3A_321 = arith.mulf %parallel_loop3A_315, %parallel_loop3A_320 : vector<16xf32>
        %parallel_loop3A_322 = arith.subf %parallel_loop3A_243, %parallel_loop3A_292 : vector<16xf32>
        %parallel_loop3A_323 = arith.mulf %parallel_loop3A_322, %parallel_loop3A_321 : vector<16xf32>
        %parallel_loop3A_324 = arith.mulf %parallel_loop3A_323, %get3A_18 : vector<16xf32>
        %parallel_loop3A_325 = arith.addf %parallel_loop3A_324, %get3A_30 : vector<16xf32>
        %parallel_loop3A_326 = arith.index_cast %parallel_loop3A_239 : i32 to index
        %parallel_loop3A_327 = arith.constant 0 : index
        %parallel_loop3A_328 = tpu.vector_load %arg13[%parallel_loop3A_326, %parallel_loop3A_327] {strides = array<i32>} : memref<128x64xf32, #tpu.memory_space<vmem>>, vector<1x16xf32>,
        %parallel_loop3A_329 = vector.shape_cast %parallel_loop3A_328 : vector<1x16xf32> to vector<16xf32>
        %parallel_loop3A_330 = vector.shape_cast %parallel_loop3A_325 : vector<16xf32> to vector<1x16xf32>
        tpu.vector_store %arg13[%parallel_loop3A_326, %parallel_loop3A_327], %parallel_loop3A_330 {strides = array<i32>} : memref<128x64xf32, #tpu.memory_space<vmem>>, vector<1x16xf32>,
        %parallel_loop3A_331 = arith.subf %parallel_loop3A_247, %parallel_loop3A_292 : vector<16xf32>
        %parallel_loop3A_332 = arith.mulf %parallel_loop3A_331, %parallel_loop3A_321 : vector<16xf32>
        %parallel_loop3A_333 = arith.mulf %parallel_loop3A_332, %get3A_21 : vector<16xf32>
        %parallel_loop3A_334 = arith.addf %parallel_loop3A_333, %get3A_33 : vector<16xf32>
        %parallel_loop3A_335 = arith.index_cast %parallel_loop3A_239 : i32 to index
        %parallel_loop3A_336 = arith.constant 16 : index
        %parallel_loop3A_337 = tpu.vector_load %arg13[%parallel_loop3A_335, %parallel_loop3A_336] {strides = array<i32>} : memref<128x64xf32, #tpu.memory_space<vmem>>, vector<1x16xf32>,
        %parallel_loop3A_338 = vector.shape_cast %parallel_loop3A_337 : vector<1x16xf32> to vector<16xf32>
        %parallel_loop3A_339 = vector.shape_cast %parallel_loop3A_334 : vector<16xf32> to vector<1x16xf32>
        tpu.vector_store %arg13[%parallel_loop3A_335, %parallel_loop3A_336], %parallel_loop3A_339 {strides = array<i32>} : memref<128x64xf32, #tpu.memory_space<vmem>>, vector<1x16xf32>,
        %parallel_loop3A_340 = arith.subf %parallel_loop3A_251, %parallel_loop3A_292 : vector<16xf32>
        %parallel_loop3A_341 = arith.mulf %parallel_loop3A_340, %parallel_loop3A_321 : vector<16xf32>
        %parallel_loop3A_342 = arith.mulf %parallel_loop3A_341, %get3A_24 : vector<16xf32>
        %parallel_loop3A_343 = arith.addf %parallel_loop3A_342, %get3A_36 : vector<16xf32>
        %parallel_loop3A_344 = arith.index_cast %parallel_loop3A_239 : i32 to index
        %parallel_loop3A_345 = arith.constant 32 : index
        %parallel_loop3A_346 = tpu.vector_load %arg13[%parallel_loop3A_344, %parallel_loop3A_345] {strides = array<i32>} : memref<128x64xf32, #tpu.memory_space<vmem>>, vector<1x16xf32>,
        %parallel_loop3A_347 = vector.shape_cast %parallel_loop3A_346 : vector<1x16xf32> to vector<16xf32>
        %parallel_loop3A_348 = vector.shape_cast %parallel_loop3A_343 : vector<16xf32> to vector<1x16xf32>
        tpu.vector_store %arg13[%parallel_loop3A_344, %parallel_loop3A_345], %parallel_loop3A_348 {strides = array<i32>} : memref<128x64xf32, #tpu.memory_space<vmem>>, vector<1x16xf32>,
        %parallel_loop3A_349 = arith.subf %parallel_loop3A_255, %parallel_loop3A_292 : vector<16xf32>
        %parallel_loop3A_350 = arith.mulf %parallel_loop3A_349, %parallel_loop3A_321 : vector<16xf32>
        %parallel_loop3A_351 = arith.mulf %parallel_loop3A_350, %get3A_27 : vector<16xf32>
        %parallel_loop3A_352 = arith.addf %parallel_loop3A_351, %get3A_39 : vector<16xf32>
        %parallel_loop3A_353 = arith.index_cast %parallel_loop3A_239 : i32 to index
        %parallel_loop3A_354 = arith.constant 48 : index
        %parallel_loop3A_355 = tpu.vector_load %arg13[%parallel_loop3A_353, %parallel_loop3A_354] {strides = array<i32>} : memref<128x64xf32, #tpu.memory_space<vmem>>, vector<1x16xf32>,
        %parallel_loop3A_356 = vector.shape_cast %parallel_loop3A_355 : vector<1x16xf32> to vector<16xf32>
        %parallel_loop3A_357 = vector.shape_cast %parallel_loop3A_352 : vector<16xf32> to vector<1x16xf32>
        tpu.vector_store %arg13[%parallel_loop3A_353, %parallel_loop3A_354], %parallel_loop3A_357 {strides = array<i32>} : memref<128x64xf32, #tpu.memory_space<vmem>>, vector<1x16xf32>,
      } {sc.loop_unroll_factor = 4 : i64, sc.parallel_access}
      %mul3A_225 = arith.constant 128 : i32
      %mul3A_226 = arith.muli %add3A_210, %mul3A_225 : i32
      %add3A_227 = arith.addi %mul3A_2, %mul3A_226 : i32
      %dma_start3A_228 = arith.constant 0 : i32
      %dma_start3A_229 = tpu.memref_slice %arg6[%add3A_227, %dma_start3A_228] : memref<819200x64xf32, #tpu.memory_space<hbm>> -> memref<128x64xf32, #tpu.memory_space<hbm>>
      %dma_start3A_230 = arith.constant 0 : i32
      %dma_start3A_231 = tpu.memref_slice %arg6[%add3A_227, %dma_start3A_230] : memref<819200x64xf32, #tpu.memory_space<hbm>> -> memref<128x64xf32, #tpu.memory_space<hbm>>
      tpu.enqueue_dma source(%arg13 : memref<128x64xf32, #tpu.memory_space<vmem>>) target(%dma_start3A_231 : memref<128x64xf32, #tpu.memory_space<hbm>>) target_semaphore(%arg19 : memref<!tpu.dma_semaphore, #tpu.memory_space<semaphore_mem>>)
      %add3A_232 = arith.constant 4 : i32
      %add3A_233 = arith.addi %add3A_210, %add3A_232 : i32
      %lt3A_234 = arith.constant 200 : i32
      %lt3A_235 = arith.cmpi slt, %add3A_233, %lt3A_234 : i32
      %convert_element_type3A_236 = arith.extui %lt3A_235 : i1 to i32
      %cond3A_237 = arith.constant 0 : i32
      %cond3A_238 = arith.cmpi ne, %convert_element_type3A_236, %cond3A_237 : i32
      scf.if %cond3A_238 {
        %add3A_239 = arith.constant 4 : i32
        %add3A_240 = arith.addi %add3A_210, %add3A_239 : i32
        %mul3A_241 = arith.constant 128 : i32
        %mul3A_242 = arith.muli %add3A_240, %mul3A_241 : i32
        %dma_start3A_243 = arith.constant 0 : i32
        %dma_start3A_244 = arith.constant 0 : i32
        %dma_start3A_245 = tpu.memref_slice %arg11[%dma_start3A_243, %dma_start3A_244] : memref<128x128xf32, #tpu.memory_space<vmem>> -> memref<64x128xf32, #tpu.memory_space<vmem>>
        %dma_start3A_246 = tpu.memref_slice %arg7[%mul3A_242] : memref<25600xi32, #tpu.memory_space<vmem>> -> memref<64xi32, #tpu.memory_space<vmem>>
        %dma_start3A_247 = arith.constant 0 : i32
        %dma_start3A_248 = arith.constant 0 : i32
        %dma_start3A_249 = tpu.memref_slice %arg3[%dma_start3A_247, %dma_start3A_248] : memref<1000000x128xf32, #tpu.memory_space<hbm>> -> memref<1000000x128xf32, #tpu.memory_space<hbm>>
        tpu.enqueue_indirect_dma source(%dma_start3A_249 : memref<1000000x128xf32, #tpu.memory_space<hbm>>) target(%dma_start3A_245 : memref<64x128xf32, #tpu.memory_space<vmem>>) offsets(%dma_start3A_246 : memref<64xi32, #tpu.memory_space<vmem>>) semaphore(%arg17 : memref<!tpu.dma_semaphore, #tpu.memory_space<semaphore_mem>>)
        %mul3A_250 = arith.constant 128 : i32
        %mul3A_251 = arith.muli %add3A_240, %mul3A_250 : i32
        %add3A_252 = arith.constant 64 : i32
        %add3A_253 = arith.addi %mul3A_251, %add3A_252 : i32
        %dma_start3A_254 = arith.constant 64 : i32
        %dma_start3A_255 = arith.constant 0 : i32
        %dma_start3A_256 = tpu.memref_slice %arg11[%dma_start3A_254, %dma_start3A_255] : memref<128x128xf32, #tpu.memory_space<vmem>> -> memref<64x128xf32, #tpu.memory_space<vmem>>
        %dma_start3A_257 = tpu.memref_slice %arg7[%add3A_253] : memref<25600xi32, #tpu.memory_space<vmem>> -> memref<64xi32, #tpu.memory_space<vmem>>
        %dma_start3A_258 = arith.constant 0 : i32
        %dma_start3A_259 = arith.constant 0 : i32
        %dma_start3A_260 = tpu.memref_slice %arg3[%dma_start3A_258, %dma_start3A_259] : memref<1000000x128xf32, #tpu.memory_space<hbm>> -> memref<1000000x128xf32, #tpu.memory_space<hbm>>
        tpu.enqueue_indirect_dma source(%dma_start3A_260 : memref<1000000x128xf32, #tpu.memory_space<hbm>>) target(%dma_start3A_256 : memref<64x128xf32, #tpu.memory_space<vmem>>) offsets(%dma_start3A_257 : memref<64xi32, #tpu.memory_space<vmem>>) semaphore(%arg17 : memref<!tpu.dma_semaphore, #tpu.memory_space<semaphore_mem>>)
      } else {
      }
    }
    %scan3A_107 = arith.constant 50 : i32
    %dma_wait3A = arith.constant 0 : i32
    %dma_wait3A_108 = arith.constant 0 : i32
    %dma_wait3A_109 = tpu.memref_slice %arg6[%dma_wait3A, %dma_wait3A_108] : memref<819200x64xf32, #tpu.memory_space<hbm>> -> memref<128x64xf32, #tpu.memory_space<hbm>>
    %dma_wait3A_110 = arith.constant 0 : i32
    %dma_wait3A_111 = arith.constant 0 : i32
    %dma_wait3A_112 = tpu.memref_slice %arg6[%dma_wait3A_110, %dma_wait3A_111] : memref<819200x64xf32, #tpu.memory_space<hbm>> -> memref<128x64xf32, #tpu.memory_space<hbm>>
    tpu.wait_dma2 semaphore(%arg18 : memref<!tpu.dma_semaphore, #tpu.memory_space<semaphore_mem>>) src(%arg12 : memref<128x64xf32, #tpu.memory_space<vmem>>) dst(%dma_wait3A_112 : memref<128x64xf32, #tpu.memory_space<hbm>>)
    %dma_wait3A_113 = arith.constant 0 : i32
    %dma_wait3A_114 = arith.constant 0 : i32
    %dma_wait3A_115 = tpu.memref_slice %arg6[%dma_wait3A_113, %dma_wait3A_114] : memref<819200x64xf32, #tpu.memory_space<hbm>> -> memref<128x64xf32, #tpu.memory_space<hbm>>
    %dma_wait3A_116 = arith.constant 0 : i32
    %dma_wait3A_117 = arith.constant 0 : i32
    %dma_wait3A_118 = tpu.memref_slice %arg6[%dma_wait3A_116, %dma_wait3A_117] : memref<819200x64xf32, #tpu.memory_space<hbm>> -> memref<128x64xf32, #tpu.memory_space<hbm>>
    tpu.wait_dma2 semaphore(%arg19 : memref<!tpu.dma_semaphore, #tpu.memory_space<semaphore_mem>>) src(%arg13 : memref<128x64xf32, #tpu.memory_space<vmem>>) dst(%dma_wait3A_118 : memref<128x64xf32, #tpu.memory_space<hbm>>)
    return
  }
}

</mosaic_0001>

<sc_bundles>
// kernel: kernel.3.cloned.1.call-start
scs
__scs_entry_jumppad:
0x0: {  	(pc) =	sbr.rel $0x88, $3  }
0x1: {  	(tag) =	ssettag $0x0;
	lr =	simm.s32 $0x1  }
0x2: {  	[smem:$0x3F9D] =	sst lr;
	_ =	strace $0xD0000000  }
0x3: {  	_ = 	snop  }
0x4: {  	_ = 	snop  }
0x5: {  	_ = 	snop  }
0x6: {  	_ = 	snop  }
0x7: {  	_ = 	snop  }
__scs_overlays_trampoline_lowered:
0x8: {  	[smem:$0x3FAC] =	sst s0  }
0x9: {  	[smem:$0x3FAD] =	sst s1  }
0xa: {  	[smem:$0x3FAE] =	sst s2  }
0xb: {  	[smem:$0x3FAF] =	sst s3  }
0xc: {  	[smem:$0x3FB0] =	sst s4  }
0xd: {  	[smem:$0x3FB1] =	sst s5  }
0xe: {  	[smem:$0x3FB2] =	sst s6  }
0xf: {  	[smem:$0x3FB3] =	sst s7  }
0x10: {  	[smem:$0x3FB4] =	sst s8  }
0x11: {  	[smem:$0x3FB5] =	sst s9;
	s0 =	simm.s32 @!p0 $0x0  }
0x12: {  	s1 =	sld [smem:$0x3F9B];
	s0 =	simm.s32 @p0 $0x1  }
0x13: {  	[smem:$0x3FB6] =	sst s0;
	s0 =	simm.s32 @!p1 $0x0  }
0x14: {  	s2 =	sld [smem:$0x3F9A];
	s0 =	simm.s32 @p1 $0x1  }
0x15: {  	[smem:$0x3FB7] =	sst s0;
	s0 =	simm.s32 @!p2 $0x0  }
0x16: {  	s3 =	sld [smem:$0x3FDB];
	s0 =	simm.s32 @p2 $0x1  }
0x17: {  	s4 =	simm.s32 $0x1BF5;
	[smem:$0x3FB9] =	sst s0  }
0x18: {  	s0 =	sld [smem:$0x3F9C];
	_ =	swait.ge [sflag:s4], $0x0  }
0x19: {  	s7 =	sld [smem:$0x3F9D]  }
0x1a: {  	s8 =	sadd.s32 $0xFFFFE003, lr  }
0x1b: {  	s9 =	sadd.s32 $0xFFFFFEF7, lr;
	s5 =	simm.s32 $0xFFFFFFFF;
	p2 =	slt.u32 s8, $0xFFFFF086  }
0x1c: {  	p1 =	slt.u32 s9, $0xF7A;
	s5 =	simm.s32 @!p2 $0x0  }
0x1d: {  	s5 =	simm.s32 @p1 $0x1;
	p0 =	seq.s32 s7, s2  }
0x1e: {  	s7 =	smul.u32 @!p0 $0xF7A, s2;
	p2 =	seq.s32 @!p0 s5, $0x0  }
0x1f: {  	s9 =	smul.u32 $0xF7A, s1;
	s8 =	simm.s32 @!p0 $0x1BF5;
	p2 =	por !p2, p0  }
0x20: {  	[sflag:s8] =	ssyncset.s32 @!p0 $0xFFFFF086;
	s6 =	sadd.s32 @!p0 s3, s7;
	s7 =	simm.s32 @!p0 $0x108  }
0x21: {  	s3 =	sadd.s32 s3, s9;
	s6 =	sadd.s32 @!p0 $0x88, s6;
	s7 =	simm.s32 @p2 $0x1082  }
0x22: {  	[simem:s7], [sflag:s8] =	dma.local @!p0 [hbm:s6], $0xF7A  }
0x23: {  	s9 =	sor.u32 $0xD0000000, s2;
	s6 =	simm.s32 $0x108;
	_ =	swait.ge @!p0 [sflag:s8], $0x0  }
0x24: {  	s3 =	sadd.s32 $0x88, s3;
	s6 =	simm.s32 @!p1 $0x1082;
	[sflag:s4] =	ssyncset.s32 $0xFFFFF086  }
0x25: {  	[simem:s6], [sflag:s4] =	dma.local [hbm:s3], $0xF7A  }
0x26: {  	[smem:$0x3F9D] =	sst s1;
	(tag) =	ssettag s2;
	_ =	strace s9  }
0x27: {  	s1 =	sld [smem:$0x3FAD]  }
0x28: {  	s2 =	sld [smem:$0x3FAE]  }
0x29: {  	s4 =	sld [smem:$0x3FB0]  }
0x2a: {  	p0 =	seq.s32 s5, $0x0;
	s5 =	sld [smem:$0x3FB1]  }
0x2b: {  	s6 =	sld [smem:$0x3FB2]  }
0x2c: {  	s7 =	sld [smem:$0x3FB3]  }
0x2d: {  	s3 =	simm.s32 $0x108;
	s8 =	sld [smem:$0x3FB4]  }
0x2e: {  	s3 =	simm.s32 @!p0 $0x1082;
	s9 =	sld [smem:$0x3FB5]  }
0x2f: {  	lr =	sadd.s32 s0, s3;
	s0 =	sld [smem:$0x3FAC]  }
0x30: {  	s3 =	sld [smem:$0x3FAF]  }
0x31: {  	[smem:$0x3FB8] =	sst s10  }
0x32: {  	s10 =	sld [smem:$0x3FB6];
	_ =	sdelay $0x3  }
0x33: {  	p0 =	seq.s32 s10, $0x1;
	s10 =	sld [smem:$0x3FB8];
	_ =	sdelay $0x3  }
0x34: {  	[smem:$0x3FB8] =	sst s10  }
0x35: {  	s10 =	sld [smem:$0x3FB7];
	_ =	sdelay $0x3  }
0x36: {  	p1 =	seq.s32 s10, $0x1;
	s10 =	sld [smem:$0x3FB8];
	_ =	sdelay $0x3  }
0x37: {  	[smem:$0x3FB8] =	sst s10  }
0x38: {  	s10 =	sld [smem:$0x3FB9]  }
0x39: {  	_ = 	snop;
	(pc) =	sbr.ind lr, $3  }
0x3a: {  	_ = 	snop  }
0x3b: {  	_ = 	snop  }
0x3c: {  	p2 =	seq.s32 s10, $0x1;
	s10 =	sld [smem:$0x3FB8]  }
0x3d: {  	_ =	shalt  }
0x3e: {  	_ =	shalt  }
0x3f: {  	_ =	shalt  }
0x40: {  	_ =	shalt  }
0x41: {  	_ =	shalt  }
0x42: {  	_ =	shalt  }
0x43: {  	_ =	shalt  }
0x44: {  	_ =	shalt  }
0x45: {  	_ =	shalt  }
0x46: {  	_ =	shalt  }
0x47: {  	_ =	shalt  }
0x48: {  	_ =	shalt  }
0x49: {  	_ =	shalt  }
0x4a: {  	_ =	shalt  }
0x4b: {  	_ =	shalt  }
0x4c: {  	_ =	shalt  }
0x4d: {  	_ =	shalt  }
0x4e: {  	_ =	shalt  }
0x4f: {  	_ =	shalt  }
0x50: {  	_ =	shalt  }
0x51: {  	_ =	shalt  }
0x52: {  	_ =	shalt  }
0x53: {  	_ =	shalt  }
0x54: {  	_ =	shalt  }
0x55: {  	_ =	shalt  }
0x56: {  	_ =	shalt  }
0x57: {  	_ =	shalt  }
0x58: {  	_ =	shalt  }
0x59: {  	_ =	shalt  }
0x5a: {  	_ =	shalt  }
0x5b: {  	_ =	shalt  }
0x5c: {  	_ =	shalt  }
0x5d: {  	_ =	shalt  }
0x5e: {  	_ =	shalt  }
0x5f: {  	_ =	shalt  }
0x60: {  	_ =	shalt  }
0x61: {  	_ =	shalt  }
0x62: {  	_ =	shalt  }
0x63: {  	_ =	shalt  }
0x64: {  	_ =	shalt  }
0x65: {  	_ =	shalt  }
0x66: {  	_ =	shalt  }
0x67: {  	_ =	shalt  }
0x68: {  	_ =	shalt  }
0x69: {  	_ =	shalt  }
0x6a: {  	_ =	shalt  }
0x6b: {  	_ =	shalt  }
0x6c: {  	_ =	shalt  }
0x6d: {  	_ =	shalt  }
0x6e: {  	_ =	shalt  }
0x6f: {  	_ =	shalt  }
0x70: {  	_ =	shalt  }
0x71: {  	_ =	shalt  }
0x72: {  	_ =	shalt  }
0x73: {  	_ =	shalt  }
0x74: {  	_ =	shalt  }
0x75: {  	_ =	shalt  }
0x76: {  	_ =	shalt  }
0x77: {  	_ =	shalt  }
0x78: {  	_ =	shalt  }
0x79: {  	_ =	shalt  }
0x7a: {  	_ =	shalt  }
0x7b: {  	_ =	shalt  }
0x7c: {  	_ =	shalt  }
0x7d: {  	_ =	shalt  }
0x7e: {  	_ =	shalt  }
0x7f: {  	_ =	shalt  }
0x80: {  	_ =	shalt  }
0x81: {  	_ =	shalt  }
0x82: {  	_ =	shalt  }
0x83: {  	_ =	shalt  }
0x84: {  	_ =	shalt  }
0x85: {  	_ =	shalt  }
0x86: {  	_ =	shalt  }
0x87: {  	_ =	shalt  }
.Lfunc_end0:
.L_simem_size_0:
called_computation.1_lowered:
.L_overlay_start_0:
0x88: {  	s2 =	sld [smem:$0x3FD9]  }
0x89: {  	s3 =	sld [smem:$0x3FFE];
	_ =	sdelay $0x1  }
0x8a: {  	s1 =	srdreg.scid  }
0x8b: {  	s0 =	sand.u32 $0x1, s1  }
0x8c: {  	s17 =	sshll.u32 s0, $0xA;
	s2 =	sadd.s32 s3, s2  }
0x8d: {  	s2 =	sadd.s32 s2, s17  }
0x8e: {  	[smem:$0x3FC4] =	sst s2  }
0x8f: {  	_ = 	snop  }
0x90: {  	s2 =	sld [smem:$0x3FC7]  }
0x91: {  	s18 =	sld [smem:$0x3FC6]  }
0x92: {  	s4 =	sld [smem:$0x3FD0];
	(tm) =	ssettm $0x1  }
0x93: {  	s5 =	sld [smem:$0x3FFB];
	_ =	sdelay $0x3  }
0x94: {  	_ =	strace s5  }
0x95: {  	s5 =	sld [smem:$0x3FFC];
	_ =	sdelay $0x3  }
0x96: {  	_ =	strace s5  }
0x97: {  	s5 =	sld [smem:$0x3FFD];
	_ =	sdelay $0x3  }
0x98: {  	_ =	strace s5  }
0x99: {  	_ =	strace $0x8FFFFFFF  }
0x9a: {  	s19 =	sld [smem:$0x3FDB];
	_ =	sdelay $0x1  }
0x9b: {  	s6 =	simm.s32 $_scs_section_size  }
0x9c: {  	s7 =	simm.s32 $_size__tile_overlayer_lowered;
	s8 =	simm.s32 $_tile_overlayer_lowered  }
0x9d: {  	s22 =	simm.s32 $0x1BFF;
	s21 =	sshll.u32 s8, $0x1;
	s5 =	sadd.s32 s6, s19  }
0x9e: {  	s9 =	simm.s32 $0x0;
	s20 =	sshll.u32 s7, $0x1;
	s7 =	sadd.s32 s21, s5  }
0x9f: {  	[timem:s9], [sflag:s22] =	dma.local [hbm:s7], s20  }
0xa0: {  	_ =	swait.ge [sflag:s22], s20  }
0xa1: {  	s6 =	ssub.s32 $0x0, s20;
	[sflag:s22] =	ssyncset.done $0x0  }
0xa2: {  	[sflag:s22] =	ssyncadd.s32 s6;
	_ =	sdelay $0x1  }
0xa3: {  	s23 =	simm.s32 $0x1B8B  }
0xa4: {  	_ =	swait.ge [sflag:s23], $0x1  }
0xa5: {  	[sflag:s23] =	ssyncset.done $0x0  }
0xa6: {  	s25 =	simm.s32 $0x1B8E;
	s24 =	sld [smem:$0x3FFE];
	[sflag:s23] =	ssyncadd.s32 $0xFFFFFFFF  }
0xa7: {  	s26 =	simm.s32 $execute0_lowered;
	[smem:$0x3FD2] =	sst s25  }
0xa8: {  	s7 =	sshll.u32 s26, $0x1;
	_ =	strace $0x80000046;
	[dreg:$0x1] =	wrdreg $0xFFFFFFFF  }
0xa9: {  	s28 =	simm.s32 $_size_execute0_lowered;
	s5 =	sadd.s32 s5, s7;
	[dreg:$0x0] =	wrdreg $0x0  }
0xaa: {  	s7 =	sshll.u32 s28, $0x1;
	[dreg:$0x2] =	wrdreg s5  }
0xab: {  	[dreg:$0x3] =	wrdreg s7  }
0xac: {  	[dreg:$0x4] =	wrdreg $0xC0  }
0xad: {  	_ =	task [dreg:s9], $0x5FFFF  }
0xae: {  	[dreg:$0x1] =	wrdreg $0xFFFFFFFF  }
0xaf: {  	[dreg:$0x0] =	wrdreg $0x60  }
0xb0: {  	[dreg:$0x2] =	wrdreg s4  }
0xb1: {  	[dreg:$0x3] =	wrdreg s24  }
0xb2: {  	[dreg:$0x4] =	wrdreg s2  }
0xb3: {  	[dreg:$0x5] =	wrdreg s18  }
0xb4: {  	[dreg:$0x6] =	wrdreg $0x9  }
0xb5: {  	_ =	task.clear_ibuf [dreg:s9], $0x7FFFF;
	_ =	strace $0x90000046  }
0xb6: {  	s29 =	simm.s32 $0x9;
	_ =	strace $0x80000048  }
0xb7: {  	_ =	swait.ge [sflag:s29], $0x1  }
0xb8: {  	[sflag:s29] =	ssyncadd.s32 $0xFFFFFFFF  }
0xb9: {  	_ =	strace $0x90000048  }
0xba: {  	_ =	sfence  }
0xbb: {  	s30 =	sld [smem:$0x0];
	_ =	sdelay $0x2  }
0xbc: {  	s31 =	sshll.u32 s1, $0xD;
	s1 =	sshrl.u32 s1, $0x2  }
0xbd: {  	s3 =	sand.u32 $0x4000, s31;
	s1 =	sadd.s32 s1, s30  }
0xbe: {  	s0 =	sor.u32 s3, s0;
	s1 =	sshll.u32 s1, $0x11  }
0xbf: {  	s0 =	sor.u32 s1, s0  }
0xc0: {  	s0 =	sadd.s32 $0x8F2B, s0  }
0xc1: {  	[sflag:s0] =	ssyncadd.remote.s32 $0x1  }
0xc2: {  	_ =	sfence.sel $0xFFFF  }
0xc3: {  	[dreg:$0x0] =	wrdreg $0xFFFFFFFF;
	(pc) =	sbr.abs _section_cstart, $3  }
0xc4: {  	[dreg:$0x1] =	wrdreg $0xFFFFFFFF  }
0xc5: {  	_ =	task.clear_ibuf [dreg:s9], $0x2FFFF;
	_ =	strace $0x9FFFFFFF  }
0xc6: {  	(tm) =	ssettm $0x7FFFFFFF  }
0xc7: {  	_ =	shalt  }
tec
execute0_lowered:
.L_overlay_start_1:
0x0: {  	(tag) =	ssettag $0x1  }
0x1: {  	s0 =	rddreg [dreg:$0x0]  }
0x2: {  	s1 =	rddreg [dreg:$0x1]  }
0x3: {  	s2 =	srdreg.scid;
	s3 =	stileid.u32;
	v0 =	vimm.s32 $0xEFCDAB89;
	v1 =	vimm.s32 $0x67452301  }
0x4: {  	s4 =	simm.s32 $0x0;
	v2 =	vimm.s32 $0xDCFE98BA;
	s13 =	simm.s32 $0x7;
	v3 =	vimm.s32 $0x54761032;
	s17 =	simm.s32 $0x6400  }
0x5: {  	s16 =	simm.s32 $0x40;
	s18 =	simm.s32 $0x8400;
	v4 =	vimm.s32 $0xBA98FEDC;
	v5 =	vimm.s32 $0x32107654;
	s29 =	simm.s32 $0x12400  }
0x6: {  	v6 =	vimm.s32 $0xFEDCBA98;
	s30 =	simm.s32 $0x1C0;
	s31 =	simm.s32 $0x14400;
	s14 =	simm.s32 $0x1A400  }
0x7: {  	v7 =	vimm.s32 $0x76543210;
	s15 =	simm.s32 $0x3;
	s19 =	simm.s32 $0x5;
	s20 =	simm.s32 $0x4;
	v0 =	vunpack.c.l.s4.s8 v0;
	v1 =	vunpack.c.l.s4.s8 v1  }
0x8: {  	s21 =	simm.s32 $0x0;
	s2 =	sand.u32 $0x1, s2;
	s3 =	sshll.u32 s3, $0x1;
	v2 =	vunpack.c.l.s4.s8 v2;
	v3 =	vunpack.c.l.s4.s8 v3;
	v4 =	vunpack.c.l.s4.s8 v4  }
0x9: {  	[smem:$0x7FF] =	sst s4;
	s5 =	sadd.s32 $0xF42E00, s1;
	v5 =	vunpack.c.l.s4.s8 v5;
	v6 =	vunpack.c.l.s4.s8 v6;
	v7 =	vunpack.c.l.s4.s8 v7;
	s3 =	sor.u32 s2, s3  }
0xa: {  	s6 =	sadd.s32 $0xA00, s1;
	s1 =	simm.s32 $0x1;
	s11 =	smul.u32 $0x6400, s3;
	v0 =	vunpack.c.0.s8.s32 v0;
	v1 =	vunpack.c.0.s8.s32 v1;
	v2 =	vunpack.c.0.s8.s32 v2  }
.Ltmp0:
0xb: {  	s2 =	ssub.s32 $0x2, s2;
	_ =	strace $0x80000047;
	v3 =	vunpack.c.0.s8.s32 v3;
	v4 =	vunpack.c.0.s8.s32 v4;
	v5 =	vunpack.c.0.s8.s32 v5;
	(pc) =	sbr.rel .LBB2_1-.Ltmp0, $4  }
0xc: {  	s7 =	sshrl.u32 s2, $0x1;
	s8 =	smul.u32 $0x320000, s3;
	s3 =	simm.s32 $0x6;
	v0 =	vcombine.low v1, v0;
	v1 =	vunpack.c.0.s8.s32 v6  }
0xd: {  	s26 =	ssub.s32 s2, s7;
	s2 =	simm.s32 $0x2;
	s28 =	sshrl.u32 s11, $0x3;
	v2 =	vcombine.low v3, v2;
	v3 =	vcombine.low v5, v4;
	v4 =	vunpack.c.0.s8.s32 v7  }
0xe: {  	s9 =	sor.u32 $0x80, s11;
	s10 =	sor.u32 $0x100, s11;
	s11 =	sor.u32 $0x180, s11;
	v0 =	vand.u32 $0xF, v0;
	v5 =	vand.u32 $0xF, v1  }
0xf: {  	s12 =	smax.u32 s26, $0x1;
	s7 =	sadd.s32 s0, s28;
	s0 =	simm.s32 $0x16400;
	v1 =	vand.u32 $0xF, v2;
	v2 =	vand.u32 $0xF, v3;
	v3 =	vcombine.low v5, v4  }
.LBB2_16:
0x10: {  	s21 =	sadd.s32 $0x1, s21  }
0x11: {  	_ =	swait.ge [sflag:s19], $0x4000;
	p0 =	sne.s32 s21, s12  }
.Ltmp1:
0x12: {  	[sflag:s19] =	ssyncset.done $0x0;
	(pc) =	sbr.rel @!p0 .LBB2_17-.Ltmp1, $4  }
0x13: {  	[sflag:s19] =	ssyncadd.s32 $0xFFFFC000  }
0x14: {  	_ =	swait.ge [sflag:s3], $0x4000  }
0x15: {  	[sflag:s3] =	ssyncset.done $0x0  }
0x16: {  	[sflag:s3] =	ssyncadd.s32 $0xFFFFC000  }
.LBB2_1:
0x17: {  	[tilespmem:s4], [sflag:$0x7] =	stream.linear.gather [hbm4b:s7+s4], $0x6400, $0x38;
	[tilespmem:$0x1E500] =	vst v63  }
0x18: {  	_ =	swait.ge [sflag:s13], $0x6400  }
0x19: {  	[sflag:s13] =	ssyncset.done $0x0  }
0x1a: {  	[sflag:s13] =	ssyncadd.s32 $0xFFFF9C00  }
0x1b: {  	s23 =	simm.s32 $0x1E400;
	s22 =	rddreg [dreg:$0x2]  }
0x1c: {  	[tilespmem:s23], [sflag:$0x7] =	stream.linear.gather [hbm4b:s22+s4], $0x80, $0x38;
	[tilespmem:$0x1E500] =	vst v63  }
0x1d: {  	_ =	swait.ge [sflag:s13], $0x80  }
0x1e: {  	[sflag:s13] =	ssyncset.done $0x0  }
0x1f: {  	[sflag:s13] =	ssyncadd.s32 $0xFFFFFF80  }
0x20: {  	s28 =	simm.s32 $0x1E480;
	s26 =	rddreg [dreg:$0x3]  }
0x21: {  	[tilespmem:s28], [sflag:$0x7] =	stream.linear.gather [hbm4b:s26+s4], $0x80, $0x38;
	[tilespmem:$0x1E500] =	vst v63  }
0x22: {  	_ =	swait.ge [sflag:s13], $0x80  }
0x23: {  	[sflag:s13] =	ssyncset.done $0x0  }
0x24: {  	[sflag:s13] =	ssyncadd.s32 $0xFFFFFF80  }
0x25: {  	v4 =	vld [tilespmem:$0x1E400]  }
0x26: {  	v5 =	vld [tilespmem:$0x1E410]  }
0x27: {  	v6 =	vld [tilespmem:$0x1E420]  }
0x28: {  	v7 =	vld [tilespmem:$0x1E430]  }
0x29: {  	v8 =	vld [tilespmem:$0x1E480]  }
0x2a: {  	v9 =	vld [tilespmem:$0x1E490]  }
0x2b: {  	v10 =	vld [tilespmem:$0x1E4A0]  }
0x2c: {  	v11 =	vld [tilespmem:$0x1E4B0];
	[tilespmem:s17], [sflag:$0x1] =	stream.indirect.gather [hbm4b:s5+s16], $0x80, s4, s16, $0xb8  }
0x2d: {  	_ = 	snop  }
0x2e: {  	[tilespmem:s18], [sflag:$0x1] =	stream.indirect.gather [hbm4b:s5+s16], $0x80, s16, s16, $0xb8;
	[tilespmem:$0x1E500] =	vst v63  }
0x2f: {  	s24 =	simm.s32 $0x80;
	s25 =	simm.s32 $0xA400  }
0x30: {  	[tilespmem:s25], [sflag:$0x2] =	stream.indirect.gather [hbm4b:s5+s16], $0x80, s24, s16, $0xb8;
	[tilespmem:$0x1E500] =	vst v63  }
0x31: {  	s26 =	simm.s32 $0xC0;
	s28 =	simm.s32 $0xC400  }
0x32: {  	[tilespmem:s28], [sflag:$0x2] =	stream.indirect.gather [hbm4b:s5+s16], $0x80, s26, s16, $0xb8;
	[tilespmem:$0x1E500] =	vst v63  }
0x33: {  	s23 =	simm.s32 $0x100;
	s24 =	simm.s32 $0xE400  }
0x34: {  	[tilespmem:s24], [sflag:$0x3] =	stream.indirect.gather [hbm4b:s5+s16], $0x80, s23, s16, $0xb8;
	[tilespmem:$0x1E500] =	vst v63  }
0x35: {  	s25 =	simm.s32 $0x140;
	s26 =	simm.s32 $0x10400  }
0x36: {  	[tilespmem:s26], [sflag:$0x3] =	stream.indirect.gather [hbm4b:s5+s16], $0x80, s25, s16, $0xb8;
	[tilespmem:$0x1E500] =	vst v63  }
0x37: {  	s28 =	simm.s32 $0x180  }
0x38: {  	[tilespmem:s29], [sflag:$0x4] =	stream.indirect.gather [hbm4b:s5+s16], $0x80, s28, s16, $0xb8;
	[tilespmem:$0x1E500] =	vst v63  }
0x39: {  	s22 =	simm.s32 $0x0  }
0x3a: {  	[tilespmem:s31], [sflag:$0x4] =	stream.indirect.gather [hbm4b:s5+s16], $0x80, s30, s16, $0xb8;
	[tilespmem:$0x1E500] =	vst v63  }
.LBB2_2:
0x3b: {  	_ =	swait.ge [sflag:s1], $0x4000  }
0x3c: {  	p0 =	seq.s32 s22, $0x0;
	[sflag:s1] =	ssyncset.done $0x0  }
0x3d: {  	s23 =	simm.s32 @!p0 $0x5;
	[sflag:s1] =	ssyncadd.s32 $0xFFFFC000  }
0x3e: {  	_ =	swait.ge @!p0 [sflag:s23], $0x4000  }
0x3f: {  	[sflag:s23] =	ssyncset.done @!p0 $0x0  }
0x40: {  	s25 =	simm.s32 $0x6500;
	[sflag:s23] =	ssyncadd.s32 @!p0 $0xFFFFC000  }
0x41: {  	v16 =	vld [tilespmem:s25+$0x80]  }
0x42: {  	v14 =	vld [tilespmem:s25+$0x90]  }
0x43: {  	v15 =	vld [tilespmem:s25+$0xA0]  }
0x44: {  	v26 =	vld [tilespmem:s25+$0xB0]  }
0x45: {  	v25 =	vld [tilespmem:s25+$0xFFFFFF10]  }
0x46: {  	v23 =	vld [tilespmem:s25+$0xFFFFFF80]  }
0x47: {  	v22 =	vld [tilespmem:s25+$0xFFFFFF90]  }
0x48: {  	v17 =	vld [tilespmem:s25+$0xFFFFFFA0]  }
0x49: {  	v19 =	vld [tilespmem:s25+$0xFFFFFFB0]  }
0x4a: {  	v24 =	vld [tilespmem:s25+$0xFFFFFF20]  }
0x4b: {  	v12 =	vld [tilespmem:s25+$0xFFFFFF30];
	v13 =	vadd.f32 v14, v16  }
0x4c: {  	v18 =	vadd.f32 v26, v15;
	v21 =	vmul.f32 v16, v16;
	v27 =	vmul.f32 v14, v14  }
0x4d: {  	v28 =	vmul.f32 v15, v15;
	v29 =	vmul.f32 v26, v26;
	v36 =	vadd.f32 v22, v23  }
0x4e: {  	v31 =	vmul.f32 v25, v25;
	v38 =	vadd.f32 v19, v17;
	v30 =	vadd.f32 v18, v13  }
0x4f: {  	v20 =	vld [tilespmem:s25+$0x0];
	v33 =	vmul.f32 v23, v23;
	v13 =	vadd.f32 v27, v21;
	v27 =	vadd.f32 v29, v28  }
0x50: {  	v28 =	vmul.f32 v24, v24;
	v29 =	vmul.f32 v12, v12;
	v21 =	vld [tilespmem:s25+$0x10]  }
0x51: {  	v37 =	vmul.f32 v17, v17;
	v18 =	vld [tilespmem:s25+$0x20];
	v36 =	vadd.f32 v38, v36;
	v34 =	vadd.f32 v27, v13  }
0x52: {  	v35 =	vperm.xlane v30, v0;
	v28 =	vadd.f32 v29, v28;
	v29 =	vmul.f32 v22, v22;
	v13 =	vld [tilespmem:s25+$0x30]  }
0x53: {  	v32 =	vadd.f32 v12, v24;
	v63 =	vmul.f32 v19, v19;
	v27 =	vld [tilespmem:s25+$0xFFFFFF00];
	v54 =	vperm.xlane v36, v0  }
0x54: {  	v39 =	vmul.f32 v20, v20;
	v30 =	vadd.f32 v30, v35;
	v29 =	vadd.f32 v29, v33  }
0x55: {  	v62 =	vperm.xlane v34, v0;
	v33 =	vadd.f32 v63, v37;
	v36 =	vadd.f32 v36, v54  }
0x56: {  	v40 =	vadd.f32 v21, v20;
	v49 =	vmul.f32 v21, v21;
	v41 =	vmul.f32 v18, v18  }
0x57: {  	v34 =	vadd.f32 v34, v62;
	v48 =	vperm.xlane v30, v1;
	v29 =	vadd.f32 v33, v29  }
0x58: {  	v42 =	vadd.f32 v13, v18;
	v43 =	vadd.f32 v25, v27;
	v44 =	vmul.f32 v27, v27  }
0x59: {  	v52 =	vmul.f32 v13, v13;
	v38 =	vadd.f32 v49, v39;
	v30 =	vadd.f32 v48, v30  }
0x5a: {  	v50 =	vperm.xlane v34, v1;
	v32 =	vadd.f32 v32, v43;
	v31 =	vadd.f32 v31, v44  }
0x5b: {  	v61 =	vperm.xlane v29, v0;
	v40 =	vadd.f32 v42, v40;
	v37 =	vadd.f32 v52, v41  }
0x5c: {  	v44 =	vperm.xlane v36, v1;
	v34 =	vadd.f32 v50, v34;
	v51 =	vperm.xlane v30, v2  }
0x5d: {  	v29 =	vadd.f32 v29, v61;
	v28 =	vadd.f32 v28, v31;
	v56 =	vperm.xlane v32, v0  }
0x5e: {  	v57 =	vadd.f32 v37, v38;
	v58 =	vperm.xlane v40, v0;
	v36 =	vadd.f32 v44, v36  }
0x5f: {  	v30 =	vadd.f32 v51, v30;
	v53 =	vperm.xlane v34, v2;
	v47 =	vperm.xlane v29, v1  }
0x60: {  	v32 =	vadd.f32 v32, v56;
	v60 =	vperm.xlane v28, v0;
	v62 =	vadd.f32 v40, v58  }
0x61: {  	v42 =	vperm.xlane v57, v0;
	v50 =	vperm.xlane v36, v2;
	v31 =	vadd.f32 v53, v34  }
0x62: {  	v55 =	vperm.xlane v30, v3;
	v29 =	vadd.f32 v47, v29;
	v63 =	vperm.xlane v32, v1  }
0x63: {  	v28 =	vadd.f32 v28, v60;
	v33 =	vadd.f32 v57, v42;
	v45 =	vperm.xlane v62, v1  }
0x64: {  	v36 =	vadd.f32 v50, v36;
	v30 =	vadd.f32 v55, v30;
	v59 =	vperm.xlane v31, v3  }
0x65: {  	v55 =	vperm.xlane v29, v2;
	v32 =	vadd.f32 v63, v32;
	v46 =	vperm.xlane v28, v1  }
0x66: {  	v34 =	vadd.f32 v45, v62;
	v48 =	vperm.xlane v33, v1;
	v58 =	vperm.xlane v36, v3  }
0x67: {  	v31 =	vadd.f32 v59, v31;
	v30 =	vmul.f32 $1.562500000e-02, v30;
	v29 =	vadd.f32 v55, v29  }
0x68: {  	v28 =	vadd.f32 v46, v28;
	v49 =	vperm.xlane v32, v2;
	v33 =	vadd.f32 v48, v33  }
0x69: {  	v52 =	vperm.xlane v34, v2;
	v36 =	vadd.f32 v58, v36;
	v31 =	vmul.f32 $1.562500000e-02, v31  }
0x6a: {  	v43 =	vmul.f32 v30, v30;
	v61 =	vperm.xlane v29, v3;
	v32 =	vadd.f32 v49, v32  }
0x6b: {  	v53 =	vperm.xlane v28, v2;
	v34 =	vadd.f32 v52, v34;
	v56 =	vperm.xlane v33, v2  }
0x6c: {  	v36 =	vmul.f32 $1.562500000e-02, v36;
	v31 =	vsub.f32 v31, v43;
	v29 =	vadd.f32 v61, v29  }
0x6d: {  	v28 =	vadd.f32 v53, v28;
	v57 =	vperm.xlane v32, v3;
	v33 =	vadd.f32 v56, v33  }
0x6e: {  	v60 =	vperm.xlane v34, v3;
	v43 =	vmul.f32 v36, v36;
	v31 =	vadd.f32 $9.999999740e-06, v31  }
0x6f: {  	v29 =	vmul.f32 $1.562500000e-02, v29;
	v32 =	vadd.f32 v57, v32;
	v59 =	vperm.xlane v28, v3  }
0x70: {  	v62 =	vperm.xlane v33, v3;
	v51 =	vshra.s32 v31, $0x1;
	v31 =	vmul.f32 $5.000000000e-01, v31  }
0x71: {  	v34 =	vadd.f32 v60, v34;
	v38 =	vsub.s32 $0x5F3759DF, v51;
	v28 =	vadd.f32 v59, v28  }
0x72: {  	v32 =	vmul.f32 $1.562500000e-02, v32;
	v54 =	vmul.f32 v38, v31  }
0x73: {  	v33 =	vadd.f32 v62, v33;
	v34 =	vmul.f32 $1.562500000e-02, v34;
	v28 =	vmul.f32 $1.562500000e-02, v28  }
0x74: {  	v29 =	vsub.f32 v29, v43;
	v42 =	vmul.f32 v32, v32;
	v37 =	vmul.f32 v38, v54  }
0x75: {  	v33 =	vmul.f32 $1.562500000e-02, v33;
	v44 =	vmul.f32 v34, v34  }
0x76: {  	v29 =	vadd.f32 $9.999999740e-06, v29;
	v37 =	vsub.f32 $1.500000000e+00, v37  }
0x77: {  	v28 =	vsub.f32 v28, v42;
	v33 =	vsub.f32 v33, v44  }
0x78: {  	v63 =	vmul.f32 v38, v37  }
0x79: {  	v46 =	vshra.s32 v29, $0x1;
	v28 =	vadd.f32 $9.999999740e-06, v28;
	v33 =	vadd.f32 $9.999999740e-06, v33  }
0x7a: {  	v29 =	vmul.f32 $5.000000000e-01, v29;
	v38 =	vsub.s32 $0x5F3759DF, v46;
	v31 =	vmul.f32 v63, v31  }
0x7b: {  	v45 =	vshra.s32 v28, $0x1;
	v28 =	vmul.f32 $5.000000000e-01, v28;
	v47 =	vshra.s32 v33, $0x1  }
0x7c: {  	v33 =	vmul.f32 $5.000000000e-01, v33;
	v37 =	vsub.s32 $0x5F3759DF, v45;
	v31 =	vmul.f32 v31, v63  }
0x7d: {  	v49 =	vmul.f32 v38, v29;
	v39 =	vsub.s32 $0x5F3759DF, v47;
	v48 =	vmul.f32 v37, v28  }
0x7e: {  	v50 =	vmul.f32 v39, v33;
	v31 =	vsub.f32 $1.500000000e+00, v31  }
0x7f: {  	v51 =	vmul.f32 v38, v49;
	v40 =	vmul.f32 v37, v48  }
0x80: {  	v26 =	vsub.f32 v26, v30;
	v52 =	vmul.f32 v39, v50;
	v31 =	vmul.f32 v31, v63  }
0x81: {  	v35 =	vsub.f32 $1.500000000e+00, v51;
	v40 =	vsub.f32 $1.500000000e+00, v40  }
0x82: {  	v16 =	vsub.f32 v16, v30;
	v41 =	vsub.f32 $1.500000000e+00, v52;
	v26 =	vmul.f32 v31, v26  }
0x83: {  	v27 =	vsub.f32 v27, v32;
	v35 =	vmul.f32 v38, v35;
	v37 =	vmul.f32 v37, v40  }
0x84: {  	s26 =	simm.s32 $0x6700;
	v25 =	vsub.f32 v25, v32;
	v53 =	vmul.f32 v39, v41;
	v26 =	vmul.f32 v26, v7  }
0x85: {  	v24 =	vsub.f32 v24, v32;
	v41 =	vmul.f32 v31, v16;
	v16 =	vld [tilespmem:s26+$0xA0];
	v28 =	vmul.f32 v37, v28  }
0x86: {  	v32 =	vsub.f32 v12, v32;
	v12 =	vadd.f32 v26, v11;
	v26 =	vmul.f32 v35, v29  }
0x87: {  	v23 =	vsub.f32 v23, v36;
	v28 =	vmul.f32 v28, v37;
	v29 =	vmul.f32 v53, v33  }
0x88: {  	v54 =	vsub.f32 v22, v36;
	v41 =	vmul.f32 v41, v4;
	v22 =	vmul.f32 v26, v35  }
0x89: {  	v28 =	vsub.f32 $1.500000000e+00, v28;
	v26 =	vsub.f32 v14, v30;
	v29 =	vmul.f32 v29, v53  }
0x8a: {  	v46 =	vmul.f32 v16, v16;
	v14 =	vld [tilespmem:s26+$0x80];
	v30 =	vsub.f32 v15, v30;
	v22 =	vsub.f32 $1.500000000e+00, v22  }
0x8b: {  	v15 =	vld [tilespmem:s26+$0x90];
	v42 =	vmul.f32 v31, v26;
	v26 =	vsub.f32 $1.500000000e+00, v29;
	v29 =	vmul.f32 v28, v37  }
0x8c: {  	v55 =	vsub.f32 v17, v36;
	v17 =	vmul.f32 v31, v30;
	v30 =	vmul.f32 v22, v35  }
0x8d: {  	v31 =	vsub.f32 v19, v36;
	v36 =	vmul.f32 v26, v53;
	v38 =	vmul.f32 v29, v27  }
0x8e: {  	v52 =	vld [tilespmem:s26+$0xFFFFFF00];
	v43 =	vmul.f32 v29, v25;
	v44 =	vmul.f32 v29, v24  }
0x8f: {  	v21 =	vsub.f32 v21, v34;
	v28 =	vld [tilespmem:s26+$0xFFFFFF10];
	v45 =	vmul.f32 v29, v32;
	v42 =	vmul.f32 v42, v5  }
0x90: {  	v18 =	vsub.f32 v18, v34;
	v19 =	vld [tilespmem:s26+$0xFFFFFF80];
	v56 =	vmul.f32 v14, v14;
	v57 =	vmul.f32 v15, v15  }
0x91: {  	v22 =	vld [tilespmem:s26+$0xB0];
	v26 =	vsub.f32 v20, v34;
	v40 =	vmul.f32 v30, v23;
	v39 =	vmul.f32 v30, v54  }
0x92: {  	v29 =	vld [tilespmem:s26+$0xFFFFFF20];
	v34 =	vsub.f32 v13, v34;
	v35 =	vmul.f32 v30, v55;
	v32 =	vmul.f32 v30, v31  }
0x93: {  	v27 =	vld [tilespmem:s26+$0xFFFFFF30];
	v31 =	vmul.f32 v36, v26;
	v30 =	vmul.f32 v36, v21  }
0x94: {  	v20 =	vld [tilespmem:s26+$0xFFFFFF90];
	v23 =	vadd.f32 v15, v14;
	v13 =	vmul.f32 v36, v18;
	v34 =	vmul.f32 v36, v34  }
0x95: {  	v24 =	vld [tilespmem:s26+$0xFFFFFFA0];
	v38 =	vmul.f32 v38, v4;
	v36 =	vadd.f32 v42, v9;
	v44 =	vmul.f32 v44, v6  }
0x96: {  	v21 =	vld [tilespmem:s26+$0x0];
	v37 =	vmul.f32 v28, v28;
	v50 =	vmul.f32 v19, v19;
	v25 =	vadd.f32 v22, v16  }
0x97: {  	v18 =	vld [tilespmem:s26+$0x10];
	v38 =	vadd.f32 v38, v8;
	v47 =	vmul.f32 v22, v22;
	v59 =	vmul.f32 v29, v29  }
0x98: {  	v48 =	vmul.f32 v27, v27;
	v49 =	vadd.f32 v27, v29;
	v26 =	vadd.f32 v25, v23;
	v25 =	vld [tilespmem:s26+$0xFFFFFFB0]  }
0x99: {  	v61 =	vmul.f32 v20, v20;
	v23 =	vadd.f32 v57, v56;
	v58 =	vadd.f32 v47, v46  }
0x9a: {  	v40 =	vmul.f32 v40, v4;
	v51 =	vadd.f32 v20, v19;
	v46 =	vadd.f32 v48, v59  }
0x9b: {  	v48 =	vadd.f32 v61, v50;
	v33 =	vadd.f32 v58, v23;
	v60 =	vperm.xlane v26, v0  }
0x9c: {  	v54 =	vmul.f32 v24, v24;
	v56 =	vadd.f32 v18, v21;
	v23 =	vld [tilespmem:s26+$0x20];
	v58 =	vadd.f32 v28, v52  }
0x9d: {  	v47 =	vadd.f32 v26, v60;
	v53 =	vperm.xlane v33, v0;
	v26 =	vld [tilespmem:s26+$0x30];
	v55 =	vadd.f32 v25, v24  }
0x9e: {  	v59 =	vmul.f32 v52, v52;
	v49 =	vadd.f32 v49, v58;
	v63 =	vmul.f32 v25, v25  }
0x9f: {  	v33 =	vadd.f32 v33, v53;
	v62 =	vperm.xlane v47, v1;
	v51 =	vadd.f32 v55, v51  }
0xa0: {  	v50 =	vadd.f32 v63, v54;
	v54 =	vadd.f32 v37, v59;
	v63 =	vmul.f32 v18, v18  }
0xa1: {  	v37 =	vadd.f32 v41, v8;
	v41 =	vmul.f32 v43, v5;
	v47 =	vadd.f32 v62, v47  }
0xa2: {  	v57 =	vperm.xlane v33, v1;
	v62 =	vmul.f32 v21, v21;
	v60 =	vadd.f32 v26, v23  }
0xa3: {  	v58 =	vperm.xlane v51, v0;
	v48 =	vadd.f32 v50, v48;
	v41 =	vadd.f32 v41, v9  }
0xa4: {  	v53 =	vadd.f32 v57, v33;
	v61 =	vperm.xlane v47, v2;
	v57 =	vadd.f32 v63, v62  }
0xa5: {  	v33 =	vmul.f32 v45, v7;
	v55 =	vadd.f32 v60, v56;
	v60 =	vmul.f32 v23, v23  }
0xa6: {  	v56 =	vperm.xlane v49, v0;
	v47 =	vadd.f32 v61, v47;
	v61 =	vmul.f32 v26, v26  }
0xa7: {  	v45 =	vadd.f32 v46, v54;
	v51 =	vadd.f32 v51, v58;
	v63 =	vperm.xlane v53, v2  }
0xa8: {  	v39 =	vmul.f32 v39, v5;
	v46 =	vadd.f32 v49, v56;
	v62 =	vadd.f32 v61, v60  }
0xa9: {  	v56 =	vmul.f32 v35, v6;
	v43 =	vadd.f32 v63, v53;
	v59 =	vperm.xlane v47, v3  }
0xaa: {  	v61 =	vperm.xlane v55, v0;
	v63 =	vperm.xlane v48, v0;
	v42 =	vadd.f32 v62, v57  }
0xab: {  	v60 =	vperm.xlane v43, v3;
	v47 =	vadd.f32 v59, v47;
	v62 =	vperm.xlane v45, v0  }
0xac: {  	v49 =	vadd.f32 v55, v61;
	v57 =	vperm.xlane v46, v1;
	v48 =	vadd.f32 v48, v63  }
0xad: {  	v43 =	vadd.f32 v60, v43;
	v47 =	vmul.f32 $1.562500000e-02, v47;
	v58 =	vperm.xlane v42, v0  }
0xae: {  	v45 =	vadd.f32 v45, v62;
	v60 =	vperm.xlane v51, v1;
	v61 =	vperm.xlane v49, v1  }
0xaf: {  	v46 =	vadd.f32 v57, v46;
	v63 =	vperm.xlane v48, v1;
	v42 =	vadd.f32 v42, v58  }
0xb0: {  	v43 =	vmul.f32 $1.562500000e-02, v43;
	v51 =	vadd.f32 v60, v51;
	v49 =	vadd.f32 v61, v49  }
0xb1: {  	v59 =	vmul.f32 v47, v47;
	v48 =	vadd.f32 v63, v48;
	v22 =	vsub.f32 v22, v47  }
0xb2: {  	v62 =	vperm.xlane v45, v1;
	v14 =	vsub.f32 v14, v47;
	v15 =	vsub.f32 v15, v47  }
0xb3: {  	v58 =	vperm.xlane v46, v2;
	v16 =	vsub.f32 v16, v47;
	v43 =	vsub.f32 v43, v59  }
0xb4: {  	v57 =	vperm.xlane v42, v1;
	v45 =	vadd.f32 v62, v45;
	v59 =	vperm.xlane v51, v2  }
0xb5: {  	v61 =	vperm.xlane v49, v2;
	v46 =	vadd.f32 v58, v46;
	v43 =	vadd.f32 $9.999999740e-06, v43  }
0xb6: {  	v63 =	vperm.xlane v48, v2;
	v42 =	vadd.f32 v57, v42;
	v62 =	vperm.xlane v45, v2  }
0xb7: {  	v51 =	vadd.f32 v59, v51;
	v60 =	vshra.s32 v43, $0x1;
	v43 =	vmul.f32 $5.000000000e-01, v43  }
0xb8: {  	v49 =	vadd.f32 v61, v49;
	v59 =	vperm.xlane v46, v3;
	v50 =	vsub.s32 $0x5F3759DF, v60  }
0xb9: {  	v48 =	vadd.f32 v63, v48;
	v58 =	vperm.xlane v42, v2;
	v57 =	vmul.f32 v50, v43  }
0xba: {  	v45 =	vadd.f32 v62, v45;
	v46 =	vadd.f32 v59, v46;
	v61 =	vperm.xlane v49, v3  }
0xbb: {  	v60 =	vperm.xlane v51, v3;
	v42 =	vadd.f32 v58, v42;
	v55 =	vmul.f32 v50, v57  }
0xbc: {  	v63 =	vperm.xlane v45, v3;
	v49 =	vadd.f32 v61, v49;
	v46 =	vmul.f32 $1.562500000e-02, v46  }
0xbd: {  	v51 =	vadd.f32 v60, v51;
	v57 =	vperm.xlane v48, v3;
	v62 =	vsub.f32 $1.500000000e+00, v55  }
0xbe: {  	v58 =	vperm.xlane v42, v3;
	v45 =	vadd.f32 v63, v45;
	v49 =	vmul.f32 $1.562500000e-02, v49  }
0xbf: {  	v59 =	vmul.f32 v46, v46;
	v53 =	vsub.f32 v28, v46;
	v35 =	vmul.f32 v50, v62  }
0xc0: {  	v51 =	vmul.f32 $1.562500000e-02, v51;
	v42 =	vadd.f32 v58, v42;
	v45 =	vmul.f32 $1.562500000e-02, v45  }
0xc1: {  	v48 =	vadd.f32 v57, v48;
	v61 =	vmul.f32 v49, v49;
	v43 =	vmul.f32 v35, v43  }
0xc2: {  	v60 =	vmul.f32 v51, v51;
	v50 =	vsub.f32 v52, v46;
	v42 =	vmul.f32 $1.562500000e-02, v42  }
0xc3: {  	v28 =	vmul.f32 v43, v35;
	v43 =	vsub.f32 v29, v46;
	v29 =	vmul.f32 $1.562500000e-02, v48  }
0xc4: {  	v62 =	vsub.f32 v45, v59;
	v45 =	vmul.f32 v31, v4;
	v31 =	vsub.f32 v42, v61  }
0xc5: {  	v13 =	vmul.f32 v13, v6;
	v28 =	vsub.f32 $1.500000000e+00, v28;
	v29 =	vsub.f32 v29, v60  }
0xc6: {  	v55 =	vmul.f32 v32, v7;
	v46 =	vsub.f32 v27, v46;
	v27 =	vadd.f32 $9.999999740e-06, v31  }
0xc7: {  	v42 =	vmul.f32 v28, v35;
	v28 =	vadd.f32 $9.999999740e-06, v62;
	v29 =	vadd.f32 $9.999999740e-06, v29  }
0xc8: {  	v26 =	vsub.f32 v26, v49;
	v48 =	vmul.f32 v30, v5;
	v60 =	vmul.f32 $5.000000000e-01, v27  }
0xc9: {  	v30 =	vshra.s32 v28, $0x1;
	v31 =	vmul.f32 $5.000000000e-01, v28;
	v28 =	vshra.s32 v29, $0x1  }
0xca: {  	v32 =	vmul.f32 $5.000000000e-01, v29;
	v29 =	vshra.s32 v27, $0x1;
	v30 =	vsub.s32 $0x5F3759DF, v30  }
0xcb: {  	v63 =	vsub.s32 $0x5F3759DF, v28;
	v61 =	vsub.s32 $0x5F3759DF, v29;
	v28 =	vmul.f32 v30, v31  }
0xcc: {  	v58 =	vsub.f32 v19, v51;
	v29 =	vmul.f32 v63, v32;
	v19 =	vmul.f32 v61, v60  }
0xcd: {  	v24 =	vsub.f32 v24, v51;
	v35 =	vmul.f32 v17, v6;
	v28 =	vmul.f32 v30, v28  }
0xce: {  	v59 =	vsub.f32 v20, v51;
	v29 =	vmul.f32 v63, v29;
	v19 =	vmul.f32 v61, v19  }
0xcf: {  	v22 =	vmul.f32 v42, v22;
	v27 =	vsub.f32 v25, v51;
	v62 =	vsub.f32 $1.500000000e+00, v28  }
0xd0: {  	v25 =	vmul.f32 v34, v7;
	v17 =	vsub.f32 $1.500000000e+00, v29;
	v19 =	vsub.f32 $1.500000000e+00, v19  }
0xd1: {  	s25 =	simm.s32 $0x16500;
	v22 =	vmul.f32 v22, v7;
	v28 =	vsub.f32 v21, v49;
	v21 =	vmul.f32 v30, v62  }
0xd2: {  	[tilespmem:s25+$0xB0] =	vst v12;
	v30 =	vsub.f32 v18, v49;
	v17 =	vmul.f32 v63, v17;
	v18 =	vmul.f32 v61, v19  }
0xd3: {  	[tilespmem:s25+$0x90] =	vst v36;
	v15 =	vmul.f32 v42, v15;
	v22 =	vadd.f32 v22, v11;
	v12 =	vmul.f32 v21, v31  }
0xd4: {  	s24 =	simm.s32 $0x16700;
	[tilespmem:s25+$0xFFFFFF00] =	vst v38;
	v29 =	vsub.f32 v23, v49;
	v19 =	vmul.f32 v17, v32;
	v23 =	vmul.f32 v18, v60  }
0xd5: {  	v20 =	vadd.f32 v44, v10;
	[tilespmem:s24+$0xB0] =	vst v22;
	v22 =	vmul.f32 v15, v5;
	v12 =	vmul.f32 v12, v21  }
0xd6: {  	[tilespmem:s25+$0x80] =	vst v37;
	v15 =	vadd.f32 v39, v9;
	v19 =	vmul.f32 v19, v17;
	v23 =	vmul.f32 v23, v18  }
0xd7: {  	[tilespmem:s25+$0xFFFFFF20] =	vst v20;
	v14 =	vmul.f32 v42, v14;
	v63 =	vadd.f32 v40, v8;
	v20 =	vsub.f32 $1.500000000e+00, v12  }
0xd8: {  	[tilespmem:s25+$0xFFFFFF10] =	vst v41;
	v12 =	vmul.f32 v42, v16;
	v16 =	vsub.f32 $1.500000000e+00, v19;
	v19 =	vsub.f32 $1.500000000e+00, v23  }
0xd9: {  	[tilespmem:s25+$0xFFFFFF90] =	vst v15;
	v15 =	vadd.f32 v55, v11;
	v23 =	vmul.f32 v14, v4;
	v14 =	vmul.f32 v20, v21  }
0xda: {  	v31 =	vadd.f32 v33, v11;
	[tilespmem:s25+$0xFFFFFF80] =	vst v63;
	v17 =	vmul.f32 v16, v17;
	v20 =	vmul.f32 v19, v18  }
0xdb: {  	[tilespmem:s25+$0xFFFFFFB0] =	vst v15;
	v16 =	vadd.f32 v56, v10;
	v33 =	vmul.f32 v14, v50;
	v32 =	vmul.f32 v14, v53  }
0xdc: {  	[tilespmem:s25+$0xFFFFFF30] =	vst v31;
	v19 =	vadd.f32 v45, v8;
	v31 =	vmul.f32 v14, v43;
	v21 =	vmul.f32 v14, v46  }
0xdd: {  	s28 =	simm.s32 $0x6900;
	s23 =	sshll.u32 s22, $0x9;
	s26 =	simm.s32 $0x4;
	v15 =	vadd.f32 v48, v9;
	[tilespmem:s25+$0xFFFFFFA0] =	vst v16;
	v18 =	vmul.f32 v17, v58;
	v16 =	vmul.f32 v17, v59  }
.LBB2_3:
0xde: {  	v14 =	vld [tilespmem:s28+$0x80];
	v24 =	vmul.f32 v17, v24;
	v27 =	vmul.f32 v17, v27;
	[tilespmem:s25+$0x0] =	vst v19;
	v13 =	vadd.f32 v13, v10  }
0xdf: {  	v28 =	vmul.f32 v20, v28;
	v30 =	vmul.f32 v20, v30;
	v17 =	vld [tilespmem:s28+$0x90];
	[tilespmem:s25+$0x10] =	vst v15;
	v15 =	vadd.f32 v25, v11  }
0xe0: {  	v34 =	vmul.f32 v20, v29;
	v25 =	vmul.f32 v20, v26;
	v20 =	vadd.f32 v23, v8;
	v19 =	vld [tilespmem:s28+$0xA0];
	[tilespmem:s25+$0x20] =	vst v13  }
0xe1: {  	v29 =	vmul.f32 v32, v5;
	v32 =	vadd.f32 v22, v9;
	v13 =	vmul.f32 v33, v4;
	v26 =	vld [tilespmem:s28+$0xB0];
	[tilespmem:s25+$0x30] =	vst v15  }
0xe2: {  	s26 =	sadd.s32 $0x4, s26;
	v31 =	vmul.f32 v31, v6;
	v22 =	vmul.f32 v21, v7;
	v15 =	vadd.f32 v35, v10;
	v36 =	vld [tilespmem:s28+$0xFFFFFF10];
	[tilespmem:s24+$0x80] =	vst v20  }
0xe3: {  	p1 =	slt.u32 s26, $0x7C;
	v23 =	vmul.f32 v18, v4;
	v13 =	vadd.f32 v13, v8;
	v20 =	vmul.f32 v16, v5;
	v35 =	vld [tilespmem:s28+$0xFFFFFF20];
	[tilespmem:s24+$0x90] =	vst v32  }
0xe4: {  	v29 =	vadd.f32 v29, v9;
	v21 =	vmul.f32 v24, v6;
	v16 =	vmul.f32 v27, v7;
	v33 =	vld [tilespmem:s28+$0xFFFFFF30];
	[tilespmem:s25+$0xA0] =	vst v15;
	s25 =	smov.u32 s24  }
0xe5: {  	v18 =	vmul.f32 v28, v4;
	v32 =	vadd.f32 v17, v14;
	v15 =	vmul.f32 v30, v5;
	v24 =	vld [tilespmem:s28+$0xFFFFFF80];
	[tilespmem:s24+$0xFFFFFF00] =	vst v13  }
0xe6: {  	v37 =	vmul.f32 v14, v14;
	v38 =	vmul.f32 v17, v17;
	v27 =	vld [tilespmem:s28+$0xFFFFFF90];
	v13 =	vadd.f32 v26, v19;
	[tilespmem:s24+$0xFFFFFF10] =	vst v29  }
0xe7: {  	v31 =	vadd.f32 v31, v10;
	v39 =	vmul.f32 v19, v19;
	v40 =	vmul.f32 v26, v26;
	v28 =	vld [tilespmem:s28+$0xFFFFFFA0]  }
0xe8: {  	v41 =	vmul.f32 v36, v36;
	v42 =	vmul.f32 v35, v35;
	v29 =	vld [tilespmem:s28+$0xFFFFFFB0];
	v43 =	vadd.f32 v13, v32  }
0xe9: {  	v37 =	vadd.f32 v38, v37;
	v38 =	vadd.f32 v40, v39;
	v44 =	vmul.f32 v33, v33;
	v30 =	vld [tilespmem:s28+$0x0];
	[tilespmem:s24+$0xFFFFFF20] =	vst v31  }
0xea: {  	v13 =	vmul.f32 v34, v6;
	v39 =	vadd.f32 v33, v35;
	v40 =	vmul.f32 v24, v24;
	v31 =	vld [tilespmem:s28+$0x10]  }
0xeb: {  	v37 =	vadd.f32 v38, v37;
	v46 =	vperm.xlane v43, v0;
	v45 =	vadd.f32 v27, v24;
	v32 =	vld [tilespmem:s28+$0x20]  }
0xec: {  	v42 =	vadd.f32 v44, v42;
	v44 =	vmul.f32 v27, v27;
	v47 =	vmul.f32 v28, v28;
	v34 =	vld [tilespmem:s28+$0x30]  }
0xed: {  	v43 =	vadd.f32 v43, v46;
	v46 =	vperm.xlane v37, v0;
	v38 =	vld [tilespmem:s28+$0xFFFFFF00];
	v48 =	vadd.f32 v29, v28  }
0xee: {  	v40 =	vadd.f32 v44, v40;
	v44 =	vmul.f32 v29, v29;
	v49 =	vmul.f32 v30, v30  }
0xef: {  	v37 =	vadd.f32 v37, v46;
	v46 =	vperm.xlane v43, v1;
	v50 =	vadd.f32 v31, v30  }
0xf0: {  	v45 =	vadd.f32 v48, v45;
	v48 =	vmul.f32 v31, v31;
	v51 =	vmul.f32 v32, v32  }
0xf1: {  	v43 =	vadd.f32 v46, v43;
	v46 =	vperm.xlane v37, v1;
	v52 =	vadd.f32 v34, v32  }
0xf2: {  	v55 =	vmul.f32 v34, v34;
	v53 =	vadd.f32 v36, v38;
	v54 =	vmul.f32 v38, v38  }
0xf3: {  	v44 =	vadd.f32 v44, v47;
	v37 =	vadd.f32 v46, v37;
	v46 =	vperm.xlane v43, v2  }
0xf4: {  	v47 =	vperm.xlane v45, v0;
	v39 =	vadd.f32 v39, v53;
	v41 =	vadd.f32 v41, v54  }
0xf5: {  	v50 =	vadd.f32 v52, v50;
	v43 =	vadd.f32 v46, v43;
	v46 =	vperm.xlane v37, v2  }
0xf6: {  	v48 =	vadd.f32 v48, v49;
	v49 =	vadd.f32 v55, v51;
	v52 =	vperm.xlane v39, v0  }
0xf7: {  	v41 =	vadd.f32 v42, v41;
	v37 =	vadd.f32 v46, v37;
	v42 =	vperm.xlane v43, v3  }
0xf8: {  	v40 =	vadd.f32 v44, v40;
	v44 =	vadd.f32 v49, v48;
	v46 =	vperm.xlane v50, v0  }
0xf9: {  	v39 =	vadd.f32 v39, v52;
	v42 =	vadd.f32 v42, v43;
	v43 =	vperm.xlane v37, v3  }
0xfa: {  	v45 =	vadd.f32 v45, v47;
	v47 =	vperm.xlane v40, v0;
	v48 =	vperm.xlane v41, v0  }
0xfb: {  	v46 =	vadd.f32 v50, v46;
	v43 =	vadd.f32 v43, v37;
	v37 =	vmul.f32 $1.562500000e-02, v42  }
0xfc: {  	v41 =	vadd.f32 v41, v48;
	v42 =	vperm.xlane v39, v1;
	v48 =	vperm.xlane v44, v0  }
0xfd: {  	v40 =	vadd.f32 v40, v47;
	v43 =	vmul.f32 $1.562500000e-02, v43;
	v47 =	vmul.f32 v37, v37  }
0xfe: {  	v49 =	vperm.xlane v45, v1;
	v44 =	vadd.f32 v44, v48;
	v48 =	vperm.xlane v46, v1  }
0xff: {  	v39 =	vadd.f32 v42, v39;
	v42 =	vperm.xlane v41, v1;
	v43 =	vsub.f32 v43, v47  }
0x100: {  	v45 =	vadd.f32 v49, v45;
	v47 =	vperm.xlane v40, v1;
	v46 =	vadd.f32 v48, v46  }
0x101: {  	v41 =	vadd.f32 v42, v41;
	v42 =	vperm.xlane v44, v1;
	v43 =	vadd.f32 $9.999999740e-06, v43  }
0x102: {  	v48 =	vperm.xlane v39, v2;
	v40 =	vadd.f32 v47, v40;
	v47 =	vperm.xlane v45, v2  }
0x103: {  	v42 =	vadd.f32 v42, v44;
	v44 =	vshra.s32 v43, $0x1;
	v43 =	vmul.f32 $5.000000000e-01, v43  }
0x104: {  	v39 =	vadd.f32 v48, v39;
	v48 =	vperm.xlane v46, v2;
	v44 =	vsub.s32 $0x5F3759DF, v44  }
0x105: {  	v49 =	vperm.xlane v41, v2;
	v45 =	vadd.f32 v47, v45;
	v47 =	vmul.f32 v44, v43  }
0x106: {  	v50 =	vperm.xlane v40, v2;
	v46 =	vadd.f32 v48, v46;
	v48 =	vperm.xlane v42, v2  }
0x107: {  	v41 =	vadd.f32 v49, v41;
	v49 =	vperm.xlane v39, v3;
	v47 =	vmul.f32 v44, v47  }
0x108: {  	v40 =	vadd.f32 v50, v40;
	v50 =	vperm.xlane v45, v3;
	v42 =	vadd.f32 v48, v42  }
0x109: {  	v39 =	vadd.f32 v49, v39;
	v48 =	vperm.xlane v46, v3;
	v47 =	vsub.f32 $1.500000000e+00, v47  }
0x10a: {  	v49 =	vperm.xlane v41, v3;
	v45 =	vadd.f32 v50, v45;
	v50 =	vperm.xlane v40, v3  }
0x10b: {  	v46 =	vadd.f32 v48, v46;
	v48 =	vperm.xlane v42, v3;
	v44 =	vmul.f32 v44, v47  }
0x10c: {  	v41 =	vadd.f32 v49, v41;
	v39 =	vmul.f32 $1.562500000e-02, v39;
	v40 =	vadd.f32 v50, v40  }
0x10d: {  	v45 =	vmul.f32 $1.562500000e-02, v45;
	v42 =	vadd.f32 v48, v42;
	v43 =	vmul.f32 v44, v43  }
0x10e: {  	v41 =	vmul.f32 $1.562500000e-02, v41;
	v38 =	vsub.f32 v38, v39;
	v46 =	vmul.f32 $1.562500000e-02, v46  }
0x10f: {  	v36 =	vsub.f32 v36, v39;
	v47 =	vmul.f32 v39, v39;
	v43 =	vmul.f32 v43, v44  }
0x110: {  	v48 =	vsub.f32 v35, v39;
	v35 =	vmul.f32 $1.562500000e-02, v40;
	v40 =	vmul.f32 v45, v45  }
0x111: {  	v42 =	vmul.f32 $1.562500000e-02, v42;
	v49 =	vmul.f32 v46, v46;
	v43 =	vsub.f32 $1.500000000e+00, v43  }
0x112: {  	v25 =	vmul.f32 v25, v7;
	v41 =	vsub.f32 v41, v47;
	v35 =	vsub.f32 v35, v40  }
0x113: {  	v26 =	vsub.f32 v26, v37;
	v40 =	vsub.f32 v42, v49;
	v42 =	vmul.f32 v43, v44  }
0x114: {  	v41 =	vadd.f32 $9.999999740e-06, v41;
	v43 =	vadd.f32 $9.999999740e-06, v35;
	v35 =	vmul.f32 v12, v6  }
0x115: {  	v39 =	vsub.f32 v33, v39;
	v12 =	vadd.f32 $9.999999740e-06, v40;
	v26 =	vmul.f32 v42, v26  }
0x116: {  	v33 =	vshra.s32 v41, $0x1;
	v40 =	vmul.f32 $5.000000000e-01, v41;
	v41 =	vshra.s32 v43, $0x1  }
0x117: {  	v43 =	vmul.f32 $5.000000000e-01, v43;
	v44 =	vshra.s32 v12, $0x1;
	v26 =	vmul.f32 v26, v7  }
0x118: {  	v33 =	vsub.s32 $0x5F3759DF, v33;
	v12 =	vmul.f32 $5.000000000e-01, v12;
	v41 =	vsub.s32 $0x5F3759DF, v41  }
0x119: {  	v47 =	vmul.f32 v33, v40;
	v44 =	vsub.s32 $0x5F3759DF, v44;
	v26 =	vadd.f32 v26, v11  }
0x11a: {  	s24 =	sadd.s32 $0x200, s24;
	v50 =	vsub.f32 v24, v45;
	v49 =	vmul.f32 v41, v43;
	v51 =	vmul.f32 v44, v12  }
0x11b: {  	v52 =	vsub.f32 v27, v45;
	v24 =	vsub.f32 v28, v45;
	v47 =	vmul.f32 v33, v47;
	[tilespmem:s24+$0xB0] =	vst v26  }
0x11c: {  	v27 =	vsub.f32 v29, v45;
	v29 =	vmul.f32 v44, v51;
	v26 =	vmul.f32 v41, v49  }
0x11d: {  	v28 =	vsub.f32 v30, v46;
	v45 =	vsub.f32 $1.500000000e+00, v47  }
0x11e: {  	v47 =	vsub.f32 $1.500000000e+00, v29;
	v26 =	vsub.f32 $1.500000000e+00, v26  }
0x11f: {  	v30 =	vsub.f32 v31, v46;
	v33 =	vmul.f32 v33, v45;
	v29 =	vsub.f32 v32, v46  }
0x120: {  	v32 =	vmul.f32 v44, v47;
	v31 =	vmul.f32 v41, v26;
	v26 =	vsub.f32 v34, v46  }
0x121: {  	v14 =	vsub.f32 v14, v37;
	v17 =	vsub.f32 v17, v37;
	v34 =	vmul.f32 v33, v40  }
0x122: {  	v19 =	vsub.f32 v19, v37;
	v12 =	vmul.f32 v32, v12;
	v40 =	vmul.f32 v31, v43  }
0x123: {  	v22 =	vadd.f32 v22, v11;
	v14 =	vmul.f32 v42, v14;
	v34 =	vmul.f32 v34, v33  }
0x124: {  	v41 =	vadd.f32 v23, v8;
	v37 =	vmul.f32 v40, v31;
	v40 =	vmul.f32 v12, v32  }
0x125: {  	v17 =	vmul.f32 v42, v17;
	v34 =	vsub.f32 $1.500000000e+00, v34;
	v12 =	vmul.f32 v42, v19;
	[tilespmem:s25+$0xFFFFFF30] =	vst v22  }
0x126: {  	v23 =	vmul.f32 v14, v4;
	v19 =	vsub.f32 $1.500000000e+00, v37;
	v37 =	vsub.f32 $1.500000000e+00, v40;
	[tilespmem:s25+$0xFFFFFF80] =	vst v41  }
.Ltmp2:
0x127: {  	v14 =	vmul.f32 v34, v33;
	v22 =	vmul.f32 v17, v5;
	v34 =	vadd.f32 v20, v9;
	(pc) =	sbr.rel @p1 .LBB2_3-.Ltmp2, $4  }
0x128: {  	v17 =	vmul.f32 v19, v31;
	v20 =	vmul.f32 v37, v32;
	v19 =	vadd.f32 v21, v10  }
0x129: {  	v33 =	vmul.f32 v14, v38;
	v32 =	vmul.f32 v14, v36;
	[tilespmem:s25+$0xFFFFFF90] =	vst v34;
	v34 =	vadd.f32 v16, v11  }
0x12a: {  	v31 =	vmul.f32 v14, v48;
	v21 =	vmul.f32 v14, v39;
	[tilespmem:s25+$0xFFFFFFA0] =	vst v19;
	v19 =	vadd.f32 v18, v8  }
0x12b: {  	v15 =	vadd.f32 v15, v9;
	s28 =	sadd.s32 $0x200, s28;
	v16 =	vmul.f32 v17, v52;
	v18 =	vmul.f32 v17, v50;
	[tilespmem:s25+$0xFFFFFFB0] =	vst v34  }
0x12c: {  	[tilespmem:s25+$0x0] =	vst v19;
	v13 =	vadd.f32 v13, v10  }
0x12d: {  	v14 =	vadd.f32 v25, v11;
	[tilespmem:s25+$0x10] =	vst v15  }
0x12e: {  	v41 =	vadd.f32 v23, v8;
	[tilespmem:s25+$0x20] =	vst v13  }
0x12f: {  	v42 =	vmul.f32 v33, v4;
	v43 =	vadd.f32 v22, v9;
	[tilespmem:s25+$0x30] =	vst v14  }
0x130: {  	v44 =	vmul.f32 v32, v5;
	v45 =	vadd.f32 v35, v10;
	[tilespmem:s24+$0x80] =	vst v41  }
0x131: {  	v46 =	vmul.f32 v31, v6;
	v13 =	vadd.f32 v42, v8;
	[tilespmem:s24+$0x90] =	vst v43  }
0x132: {  	v47 =	vmul.f32 v21, v7;
	v14 =	vadd.f32 v44, v9;
	[tilespmem:s25+$0xA0] =	vst v45  }
0x133: {  	v12 =	vmul.f32 v12, v6;
	v49 =	vadd.f32 v46, v10;
	[tilespmem:s24+$0xFFFFFF00] =	vst v13  }
0x134: {  	v48 =	vmul.f32 v17, v24;
	v18 =	vmul.f32 v18, v4;
	v51 =	vadd.f32 v47, v11;
	[tilespmem:s24+$0xFFFFFF10] =	vst v14  }
0x135: {  	v50 =	vmul.f32 v17, v27;
	v16 =	vmul.f32 v16, v5;
	v12 =	vadd.f32 v12, v10;
	[tilespmem:s24+$0xFFFFFF20] =	vst v49  }
0x136: {  	v52 =	vmul.f32 v20, v28;
	v15 =	vmul.f32 v48, v6;
	v53 =	vadd.f32 v18, v8;
	[tilespmem:s24+$0xFFFFFF30] =	vst v51  }
0x137: {  	v54 =	vmul.f32 v20, v30;
	v17 =	vmul.f32 v50, v7;
	v55 =	vadd.f32 v16, v9;
	[tilespmem:s24+$0xA0] =	vst v12  }
0x138: {  	v56 =	vmul.f32 v20, v29;
	v19 =	vmul.f32 v52, v4;
	v57 =	vadd.f32 v15, v10;
	[tilespmem:s24+$0xFFFFFF80] =	vst v53  }
0x139: {  	v58 =	vmul.f32 v20, v26;
	v18 =	vmul.f32 v54, v5;
	v59 =	vadd.f32 v17, v11;
	[tilespmem:s24+$0xFFFFFF90] =	vst v55  }
0x13a: {  	v16 =	vmul.f32 v56, v6;
	v60 =	vadd.f32 v19, v8;
	[tilespmem:s24+$0xFFFFFFA0] =	vst v57  }
0x13b: {  	p1 =	sne.s32 s22, $0x31;
	v15 =	vmul.f32 v58, v7;
	v61 =	vadd.f32 v18, v9;
	[tilespmem:s24+$0xFFFFFFB0] =	vst v59  }
.Ltmp3:
0x13c: {  	s26 =	sshll.u32 s22, $0x10;
	v62 =	vadd.f32 v16, v10;
	[tilespmem:s24+$0x0] =	vst v60;
	(pc) =	sbr.rel @p1 .LBB2_6-.Ltmp3, $4  }
0x13d: {  	s25 =	sadd.s32 s8, s26;
	v63 =	vadd.f32 v15, v11;
	[tilespmem:s24+$0x10] =	vst v61  }
0x13e: {  	s25 =	sshrl.u32 s25, $0x3;
	[tilespmem:s24+$0x20] =	vst v62  }
0x13f: {  	s28 =	sadd.s32 s6, s25;
	[tilespmem:s24+$0x30] =	vst v63  }
0x140: {  	[hbm4b:s28+s4] =	stream.linear.scatter [tilespmem:s0], [sflag:$0x5], $0x4000, $0x38;
	[tilespmem:$0x1E500] =	vst v63  }
.Ltmp4:
0x141: {  	(pc) =	sbr.rel .LBB2_7-.Ltmp4, $4  }
0x142: {  	_ = 	snop  }
0x143: {  	_ =	swait.ge [sflag:s2], $0x4000  }
0x144: {  	[sflag:s2] =	ssyncset.done $0x0  }
0x145: {  	[sflag:s2] =	ssyncadd.s32 $0xFFFFC000  }
.LBB2_6:
0x146: {  	s24 =	sadd.s32 $0x200, s23  }
0x147: {  	[tilespmem:s17], [sflag:$0x1] =	stream.indirect.gather [hbm4b:s5+s16], $0x80, s24, s16, $0xb8;
	[tilespmem:$0x1E500] =	vst v63  }
.Ltmp5:
0x148: {  	s28 =	sadd.s32 $0x240, s23;
	(pc) =	sbr.rel @p0 .LBB2_8-.Ltmp5, $4  }
0x149: {  	[tilespmem:s18], [sflag:$0x1] =	stream.indirect.gather [hbm4b:s5+s16], $0x80, s28, s16, $0xb8;
	[tilespmem:$0x1E500] =	vst v63  }
0x14a: {  	_ =	swait.ge [sflag:s2], $0x4000  }
0x14b: {  	[sflag:s2] =	ssyncset.done $0x0  }
0x14c: {  	[sflag:s2] =	ssyncadd.s32 $0xFFFFC000  }
.LBB2_7:
0x14d: {  	_ =	swait.ge [sflag:s3], $0x4000  }
0x14e: {  	[sflag:s3] =	ssyncset.done $0x0  }
0x14f: {  	[sflag:s3] =	ssyncadd.s32 $0xFFFFC000  }
.LBB2_8:
0x150: {  	s24 =	simm.s32 $0xA500  }
0x151: {  	v16 =	vld [tilespmem:s24+$0x80]  }
0x152: {  	v14 =	vld [tilespmem:s24+$0x90]  }
0x153: {  	v15 =	vld [tilespmem:s24+$0xA0]  }
0x154: {  	v26 =	vld [tilespmem:s24+$0xB0]  }
0x155: {  	v25 =	vld [tilespmem:s24+$0xFFFFFF10]  }
0x156: {  	v23 =	vld [tilespmem:s24+$0xFFFFFF80]  }
0x157: {  	v22 =	vld [tilespmem:s24+$0xFFFFFF90]  }
0x158: {  	v17 =	vld [tilespmem:s24+$0xFFFFFFA0]  }
0x159: {  	v19 =	vld [tilespmem:s24+$0xFFFFFFB0]  }
0x15a: {  	v24 =	vld [tilespmem:s24+$0xFFFFFF20]  }
0x15b: {  	v12 =	vld [tilespmem:s24+$0xFFFFFF30];
	v13 =	vadd.f32 v14, v16  }
0x15c: {  	v18 =	vadd.f32 v26, v15;
	v21 =	vmul.f32 v16, v16;
	v27 =	vmul.f32 v14, v14  }
0x15d: {  	v28 =	vmul.f32 v15, v15;
	v29 =	vmul.f32 v26, v26;
	v36 =	vadd.f32 v22, v23  }
0x15e: {  	v31 =	vmul.f32 v25, v25;
	v38 =	vadd.f32 v19, v17;
	v30 =	vadd.f32 v18, v13  }
0x15f: {  	v20 =	vld [tilespmem:s24+$0x0];
	v33 =	vmul.f32 v23, v23;
	v13 =	vadd.f32 v27, v21;
	v27 =	vadd.f32 v29, v28  }
0x160: {  	v28 =	vmul.f32 v24, v24;
	v29 =	vmul.f32 v12, v12;
	v21 =	vld [tilespmem:s24+$0x10]  }
0x161: {  	v37 =	vmul.f32 v17, v17;
	v18 =	vld [tilespmem:s24+$0x20];
	v36 =	vadd.f32 v38, v36;
	v34 =	vadd.f32 v27, v13  }
0x162: {  	v35 =	vperm.xlane v30, v0;
	v28 =	vadd.f32 v29, v28;
	v29 =	vmul.f32 v22, v22;
	v13 =	vld [tilespmem:s24+$0x30]  }
0x163: {  	v32 =	vadd.f32 v12, v24;
	v63 =	vmul.f32 v19, v19;
	v27 =	vld [tilespmem:s24+$0xFFFFFF00];
	v54 =	vperm.xlane v36, v0  }
0x164: {  	v39 =	vmul.f32 v20, v20;
	v30 =	vadd.f32 v30, v35;
	v29 =	vadd.f32 v29, v33  }
0x165: {  	v62 =	vperm.xlane v34, v0;
	v33 =	vadd.f32 v63, v37;
	v36 =	vadd.f32 v36, v54  }
0x166: {  	v40 =	vadd.f32 v21, v20;
	v49 =	vmul.f32 v21, v21;
	v41 =	vmul.f32 v18, v18  }
0x167: {  	v34 =	vadd.f32 v34, v62;
	v48 =	vperm.xlane v30, v1;
	v29 =	vadd.f32 v33, v29  }
0x168: {  	v42 =	vadd.f32 v13, v18;
	v43 =	vadd.f32 v25, v27;
	v44 =	vmul.f32 v27, v27  }
0x169: {  	v52 =	vmul.f32 v13, v13;
	v38 =	vadd.f32 v49, v39;
	v30 =	vadd.f32 v48, v30  }
0x16a: {  	v50 =	vperm.xlane v34, v1;
	v32 =	vadd.f32 v32, v43;
	v31 =	vadd.f32 v31, v44  }
0x16b: {  	v61 =	vperm.xlane v29, v0;
	v40 =	vadd.f32 v42, v40;
	v37 =	vadd.f32 v52, v41  }
0x16c: {  	v44 =	vperm.xlane v36, v1;
	v34 =	vadd.f32 v50, v34;
	v51 =	vperm.xlane v30, v2  }
0x16d: {  	v29 =	vadd.f32 v29, v61;
	v28 =	vadd.f32 v28, v31;
	v56 =	vperm.xlane v32, v0  }
0x16e: {  	v57 =	vadd.f32 v37, v38;
	v58 =	vperm.xlane v40, v0;
	v36 =	vadd.f32 v44, v36  }
0x16f: {  	v30 =	vadd.f32 v51, v30;
	v53 =	vperm.xlane v34, v2;
	v47 =	vperm.xlane v29, v1  }
0x170: {  	v32 =	vadd.f32 v32, v56;
	v60 =	vperm.xlane v28, v0;
	v62 =	vadd.f32 v40, v58  }
0x171: {  	v42 =	vperm.xlane v57, v0;
	v50 =	vperm.xlane v36, v2;
	v31 =	vadd.f32 v53, v34  }
0x172: {  	v55 =	vperm.xlane v30, v3;
	v29 =	vadd.f32 v47, v29;
	v63 =	vperm.xlane v32, v1  }
0x173: {  	v28 =	vadd.f32 v28, v60;
	v33 =	vadd.f32 v57, v42;
	v45 =	vperm.xlane v62, v1  }
0x174: {  	v36 =	vadd.f32 v50, v36;
	v30 =	vadd.f32 v55, v30;
	v59 =	vperm.xlane v31, v3  }
0x175: {  	v55 =	vperm.xlane v29, v2;
	v32 =	vadd.f32 v63, v32;
	v46 =	vperm.xlane v28, v1  }
0x176: {  	v34 =	vadd.f32 v45, v62;
	v48 =	vperm.xlane v33, v1;
	v58 =	vperm.xlane v36, v3  }
0x177: {  	v31 =	vadd.f32 v59, v31;
	v30 =	vmul.f32 $1.562500000e-02, v30;
	v29 =	vadd.f32 v55, v29  }
0x178: {  	v28 =	vadd.f32 v46, v28;
	v49 =	vperm.xlane v32, v2;
	v33 =	vadd.f32 v48, v33  }
0x179: {  	v52 =	vperm.xlane v34, v2;
	v36 =	vadd.f32 v58, v36;
	v31 =	vmul.f32 $1.562500000e-02, v31  }
0x17a: {  	v43 =	vmul.f32 v30, v30;
	v61 =	vperm.xlane v29, v3;
	v32 =	vadd.f32 v49, v32  }
0x17b: {  	v53 =	vperm.xlane v28, v2;
	v34 =	vadd.f32 v52, v34;
	v56 =	vperm.xlane v33, v2  }
0x17c: {  	v36 =	vmul.f32 $1.562500000e-02, v36;
	v31 =	vsub.f32 v31, v43;
	v29 =	vadd.f32 v61, v29  }
0x17d: {  	v28 =	vadd.f32 v53, v28;
	v57 =	vperm.xlane v32, v3;
	v33 =	vadd.f32 v56, v33  }
0x17e: {  	v60 =	vperm.xlane v34, v3;
	v43 =	vmul.f32 v36, v36;
	v31 =	vadd.f32 $9.999999740e-06, v31  }
0x17f: {  	v29 =	vmul.f32 $1.562500000e-02, v29;
	v32 =	vadd.f32 v57, v32;
	v59 =	vperm.xlane v28, v3  }
0x180: {  	v62 =	vperm.xlane v33, v3;
	v51 =	vshra.s32 v31, $0x1;
	v31 =	vmul.f32 $5.000000000e-01, v31  }
0x181: {  	v34 =	vadd.f32 v60, v34;
	v38 =	vsub.s32 $0x5F3759DF, v51;
	v28 =	vadd.f32 v59, v28  }
0x182: {  	v32 =	vmul.f32 $1.562500000e-02, v32;
	v54 =	vmul.f32 v38, v31  }
0x183: {  	v33 =	vadd.f32 v62, v33;
	v34 =	vmul.f32 $1.562500000e-02, v34;
	v28 =	vmul.f32 $1.562500000e-02, v28  }
0x184: {  	v29 =	vsub.f32 v29, v43;
	v42 =	vmul.f32 v32, v32;
	v37 =	vmul.f32 v38, v54  }
0x185: {  	v33 =	vmul.f32 $1.562500000e-02, v33;
	v44 =	vmul.f32 v34, v34  }
0x186: {  	v29 =	vadd.f32 $9.999999740e-06, v29;
	v37 =	vsub.f32 $1.500000000e+00, v37  }
0x187: {  	v28 =	vsub.f32 v28, v42;
	v33 =	vsub.f32 v33, v44  }
0x188: {  	v63 =	vmul.f32 v38, v37  }
0x189: {  	v46 =	vshra.s32 v29, $0x1;
	v28 =	vadd.f32 $9.999999740e-06, v28;
	v33 =	vadd.f32 $9.999999740e-06, v33  }
0x18a: {  	v29 =	vmul.f32 $5.000000000e-01, v29;
	v38 =	vsub.s32 $0x5F3759DF, v46;
	v31 =	vmul.f32 v63, v31  }
0x18b: {  	v45 =	vshra.s32 v28, $0x1;
	v28 =	vmul.f32 $5.000000000e-01, v28;
	v47 =	vshra.s32 v33, $0x1  }
0x18c: {  	v33 =	vmul.f32 $5.000000000e-01, v33;
	v37 =	vsub.s32 $0x5F3759DF, v45;
	v31 =	vmul.f32 v31, v63  }
0x18d: {  	v49 =	vmul.f32 v38, v29;
	v39 =	vsub.s32 $0x5F3759DF, v47;
	v48 =	vmul.f32 v37, v28  }
0x18e: {  	v50 =	vmul.f32 v39, v33;
	v31 =	vsub.f32 $1.500000000e+00, v31  }
0x18f: {  	v51 =	vmul.f32 v38, v49;
	v40 =	vmul.f32 v37, v48  }
0x190: {  	v26 =	vsub.f32 v26, v30;
	v52 =	vmul.f32 v39, v50;
	v31 =	vmul.f32 v31, v63  }
0x191: {  	v35 =	vsub.f32 $1.500000000e+00, v51;
	v40 =	vsub.f32 $1.500000000e+00, v40  }
0x192: {  	v16 =	vsub.f32 v16, v30;
	v41 =	vsub.f32 $1.500000000e+00, v52;
	v26 =	vmul.f32 v31, v26  }
0x193: {  	v27 =	vsub.f32 v27, v32;
	v35 =	vmul.f32 v38, v35;
	v37 =	vmul.f32 v37, v40  }
0x194: {  	s26 =	simm.s32 $0xA700;
	v25 =	vsub.f32 v25, v32;
	v53 =	vmul.f32 v39, v41;
	v26 =	vmul.f32 v26, v7  }
0x195: {  	v24 =	vsub.f32 v24, v32;
	v41 =	vmul.f32 v31, v16;
	v16 =	vld [tilespmem:s26+$0xA0];
	v28 =	vmul.f32 v37, v28  }
0x196: {  	v32 =	vsub.f32 v12, v32;
	v12 =	vadd.f32 v26, v11;
	v26 =	vmul.f32 v35, v29  }
0x197: {  	v28 =	vmul.f32 v28, v37;
	v29 =	vmul.f32 v53, v33  }
0x198: {  	v54 =	vsub.f32 v22, v36;
	v41 =	vmul.f32 v41, v4;
	v22 =	vmul.f32 v26, v35  }
0x199: {  	v28 =	vsub.f32 $1.500000000e+00, v28;
	v26 =	vsub.f32 v14, v30;
	v29 =	vmul.f32 v29, v53  }
0x19a: {  	v46 =	vmul.f32 v16, v16;
	v14 =	vld [tilespmem:s26+$0x80];
	v30 =	vsub.f32 v15, v30;
	v22 =	vsub.f32 $1.500000000e+00, v22  }
0x19b: {  	v15 =	vld [tilespmem:s26+$0x90];
	v42 =	vmul.f32 v31, v26;
	v26 =	vsub.f32 $1.500000000e+00, v29;
	v29 =	vmul.f32 v28, v37  }
0x19c: {  	v55 =	vsub.f32 v17, v36;
	v17 =	vmul.f32 v31, v30;
	v30 =	vmul.f32 v22, v35  }
0x19d: {  	v23 =	vsub.f32 v23, v36;
	v35 =	vmul.f32 v26, v53;
	v38 =	vmul.f32 v29, v27  }
0x19e: {  	v21 =	vsub.f32 v21, v34;
	v52 =	vld [tilespmem:s26+$0xFFFFFF00];
	v43 =	vmul.f32 v29, v25;
	v44 =	vmul.f32 v29, v24  }
0x19f: {  	v18 =	vsub.f32 v18, v34;
	v28 =	vld [tilespmem:s26+$0xFFFFFF10];
	v45 =	vmul.f32 v29, v32;
	v42 =	vmul.f32 v42, v5  }
0x1a0: {  	v31 =	vsub.f32 v19, v36;
	v19 =	vld [tilespmem:s26+$0xFFFFFF80];
	v56 =	vmul.f32 v14, v14;
	v57 =	vmul.f32 v15, v15  }
0x1a1: {  	v22 =	vld [tilespmem:s26+$0xB0];
	v26 =	vsub.f32 v20, v34;
	v40 =	vmul.f32 v30, v23;
	v39 =	vmul.f32 v30, v54  }
0x1a2: {  	v29 =	vld [tilespmem:s26+$0xFFFFFF20];
	v34 =	vsub.f32 v13, v34;
	v36 =	vmul.f32 v30, v55;
	v32 =	vmul.f32 v30, v31  }
0x1a3: {  	v27 =	vld [tilespmem:s26+$0xFFFFFF30];
	v31 =	vmul.f32 v35, v26;
	v30 =	vmul.f32 v35, v21  }
0x1a4: {  	v20 =	vld [tilespmem:s26+$0xFFFFFF90];
	v23 =	vadd.f32 v15, v14;
	v13 =	vmul.f32 v35, v18;
	v34 =	vmul.f32 v35, v34  }
0x1a5: {  	v24 =	vld [tilespmem:s26+$0xFFFFFFA0];
	v38 =	vmul.f32 v38, v4;
	v35 =	vadd.f32 v42, v9;
	v44 =	vmul.f32 v44, v6  }
0x1a6: {  	v21 =	vld [tilespmem:s26+$0x0];
	v37 =	vmul.f32 v28, v28;
	v50 =	vmul.f32 v19, v19;
	v25 =	vadd.f32 v22, v16  }
0x1a7: {  	v18 =	vld [tilespmem:s26+$0x10];
	v38 =	vadd.f32 v38, v8;
	v47 =	vmul.f32 v22, v22;
	v59 =	vmul.f32 v29, v29  }
0x1a8: {  	v48 =	vmul.f32 v27, v27;
	v49 =	vadd.f32 v27, v29;
	v26 =	vadd.f32 v25, v23;
	v25 =	vld [tilespmem:s26+$0xFFFFFFB0]  }
0x1a9: {  	v61 =	vmul.f32 v20, v20;
	v23 =	vadd.f32 v57, v56;
	v58 =	vadd.f32 v47, v46  }
0x1aa: {  	v40 =	vmul.f32 v40, v4;
	v51 =	vadd.f32 v20, v19;
	v46 =	vadd.f32 v48, v59  }
0x1ab: {  	v48 =	vadd.f32 v61, v50;
	v33 =	vadd.f32 v58, v23;
	v60 =	vperm.xlane v26, v0  }
0x1ac: {  	v54 =	vmul.f32 v24, v24;
	v56 =	vadd.f32 v18, v21;
	v23 =	vld [tilespmem:s26+$0x20];
	v58 =	vadd.f32 v28, v52  }
0x1ad: {  	v47 =	vadd.f32 v26, v60;
	v53 =	vperm.xlane v33, v0;
	v26 =	vld [tilespmem:s26+$0x30];
	v55 =	vadd.f32 v25, v24  }
0x1ae: {  	v59 =	vmul.f32 v52, v52;
	v49 =	vadd.f32 v49, v58;
	v63 =	vmul.f32 v25, v25  }
0x1af: {  	v33 =	vadd.f32 v33, v53;
	v62 =	vperm.xlane v47, v1;
	v51 =	vadd.f32 v55, v51  }
0x1b0: {  	v50 =	vadd.f32 v63, v54;
	v54 =	vadd.f32 v37, v59;
	v63 =	vmul.f32 v18, v18  }
0x1b1: {  	v37 =	vadd.f32 v41, v8;
	v41 =	vmul.f32 v43, v5;
	v47 =	vadd.f32 v62, v47  }
0x1b2: {  	v57 =	vperm.xlane v33, v1;
	v62 =	vmul.f32 v21, v21;
	v60 =	vadd.f32 v26, v23  }
0x1b3: {  	v58 =	vperm.xlane v51, v0;
	v48 =	vadd.f32 v50, v48;
	v41 =	vadd.f32 v41, v9  }
0x1b4: {  	v53 =	vadd.f32 v57, v33;
	v61 =	vperm.xlane v47, v2;
	v57 =	vadd.f32 v63, v62  }
0x1b5: {  	v33 =	vmul.f32 v45, v7;
	v55 =	vadd.f32 v60, v56;
	v60 =	vmul.f32 v23, v23  }
0x1b6: {  	v56 =	vperm.xlane v49, v0;
	v47 =	vadd.f32 v61, v47;
	v61 =	vmul.f32 v26, v26  }
0x1b7: {  	v45 =	vadd.f32 v46, v54;
	v51 =	vadd.f32 v51, v58;
	v63 =	vperm.xlane v53, v2  }
0x1b8: {  	v39 =	vmul.f32 v39, v5;
	v46 =	vadd.f32 v49, v56;
	v62 =	vadd.f32 v61, v60  }
0x1b9: {  	v56 =	vmul.f32 v36, v6;
	v43 =	vadd.f32 v63, v53;
	v59 =	vperm.xlane v47, v3  }
0x1ba: {  	v61 =	vperm.xlane v55, v0;
	v63 =	vperm.xlane v48, v0;
	v42 =	vadd.f32 v62, v57  }
0x1bb: {  	v60 =	vperm.xlane v43, v3;
	v47 =	vadd.f32 v59, v47;
	v62 =	vperm.xlane v45, v0  }
0x1bc: {  	v49 =	vadd.f32 v55, v61;
	v57 =	vperm.xlane v46, v1;
	v48 =	vadd.f32 v48, v63  }
0x1bd: {  	v43 =	vadd.f32 v60, v43;
	v47 =	vmul.f32 $1.562500000e-02, v47;
	v58 =	vperm.xlane v42, v0  }
0x1be: {  	v45 =	vadd.f32 v45, v62;
	v60 =	vperm.xlane v51, v1;
	v61 =	vperm.xlane v49, v1  }
0x1bf: {  	v46 =	vadd.f32 v57, v46;
	v63 =	vperm.xlane v48, v1;
	v42 =	vadd.f32 v42, v58  }
0x1c0: {  	v43 =	vmul.f32 $1.562500000e-02, v43;
	v51 =	vadd.f32 v60, v51;
	v49 =	vadd.f32 v61, v49  }
0x1c1: {  	v59 =	vmul.f32 v47, v47;
	v48 =	vadd.f32 v63, v48;
	v22 =	vsub.f32 v22, v47  }
0x1c2: {  	v62 =	vperm.xlane v45, v1;
	v14 =	vsub.f32 v14, v47;
	v15 =	vsub.f32 v15, v47  }
0x1c3: {  	v58 =	vperm.xlane v46, v2;
	v16 =	vsub.f32 v16, v47;
	v43 =	vsub.f32 v43, v59  }
0x1c4: {  	v57 =	vperm.xlane v42, v1;
	v45 =	vadd.f32 v62, v45;
	v59 =	vperm.xlane v51, v2  }
0x1c5: {  	v61 =	vperm.xlane v49, v2;
	v46 =	vadd.f32 v58, v46;
	v43 =	vadd.f32 $9.999999740e-06, v43  }
0x1c6: {  	v63 =	vperm.xlane v48, v2;
	v42 =	vadd.f32 v57, v42;
	v62 =	vperm.xlane v45, v2  }
0x1c7: {  	v51 =	vadd.f32 v59, v51;
	v60 =	vshra.s32 v43, $0x1;
	v43 =	vmul.f32 $5.000000000e-01, v43  }
0x1c8: {  	v49 =	vadd.f32 v61, v49;
	v59 =	vperm.xlane v46, v3;
	v50 =	vsub.s32 $0x5F3759DF, v60  }
0x1c9: {  	v48 =	vadd.f32 v63, v48;
	v58 =	vperm.xlane v42, v2;
	v57 =	vmul.f32 v50, v43  }
0x1ca: {  	v45 =	vadd.f32 v62, v45;
	v46 =	vadd.f32 v59, v46;
	v61 =	vperm.xlane v49, v3  }
0x1cb: {  	v60 =	vperm.xlane v51, v3;
	v42 =	vadd.f32 v58, v42;
	v55 =	vmul.f32 v50, v57  }
0x1cc: {  	v63 =	vperm.xlane v45, v3;
	v49 =	vadd.f32 v61, v49;
	v46 =	vmul.f32 $1.562500000e-02, v46  }
0x1cd: {  	v51 =	vadd.f32 v60, v51;
	v57 =	vperm.xlane v48, v3;
	v62 =	vsub.f32 $1.500000000e+00, v55  }
0x1ce: {  	v58 =	vperm.xlane v42, v3;
	v45 =	vadd.f32 v63, v45;
	v49 =	vmul.f32 $1.562500000e-02, v49  }
0x1cf: {  	v59 =	vmul.f32 v46, v46;
	v53 =	vsub.f32 v28, v46;
	v36 =	vmul.f32 v50, v62  }
0x1d0: {  	v51 =	vmul.f32 $1.562500000e-02, v51;
	v42 =	vadd.f32 v58, v42;
	v45 =	vmul.f32 $1.562500000e-02, v45  }
0x1d1: {  	v48 =	vadd.f32 v57, v48;
	v61 =	vmul.f32 v49, v49;
	v43 =	vmul.f32 v36, v43  }
0x1d2: {  	v60 =	vmul.f32 v51, v51;
	v50 =	vsub.f32 v52, v46;
	v42 =	vmul.f32 $1.562500000e-02, v42  }
0x1d3: {  	v28 =	vmul.f32 v43, v36;
	v43 =	vsub.f32 v29, v46;
	v29 =	vmul.f32 $1.562500000e-02, v48  }
0x1d4: {  	v62 =	vsub.f32 v45, v59;
	v45 =	vmul.f32 v31, v4;
	v31 =	vsub.f32 v42, v61  }
0x1d5: {  	v13 =	vmul.f32 v13, v6;
	v28 =	vsub.f32 $1.500000000e+00, v28;
	v29 =	vsub.f32 v29, v60  }
0x1d6: {  	v55 =	vmul.f32 v32, v7;
	v46 =	vsub.f32 v27, v46;
	v27 =	vadd.f32 $9.999999740e-06, v31  }
0x1d7: {  	v42 =	vmul.f32 v28, v36;
	v28 =	vadd.f32 $9.999999740e-06, v62;
	v29 =	vadd.f32 $9.999999740e-06, v29  }
0x1d8: {  	v26 =	vsub.f32 v26, v49;
	v48 =	vmul.f32 v30, v5;
	v60 =	vmul.f32 $5.000000000e-01, v27  }
0x1d9: {  	v30 =	vshra.s32 v28, $0x1;
	v31 =	vmul.f32 $5.000000000e-01, v28;
	v28 =	vshra.s32 v29, $0x1  }
0x1da: {  	v32 =	vmul.f32 $5.000000000e-01, v29;
	v29 =	vshra.s32 v27, $0x1;
	v30 =	vsub.s32 $0x5F3759DF, v30  }
0x1db: {  	v63 =	vsub.s32 $0x5F3759DF, v28;
	v61 =	vsub.s32 $0x5F3759DF, v29;
	v28 =	vmul.f32 v30, v31  }
0x1dc: {  	v58 =	vsub.f32 v19, v51;
	v29 =	vmul.f32 v63, v32;
	v19 =	vmul.f32 v61, v60  }
0x1dd: {  	v24 =	vsub.f32 v24, v51;
	v36 =	vmul.f32 v17, v6;
	v28 =	vmul.f32 v30, v28  }
0x1de: {  	v59 =	vsub.f32 v20, v51;
	v29 =	vmul.f32 v63, v29;
	v19 =	vmul.f32 v61, v19  }
0x1df: {  	v22 =	vmul.f32 v42, v22;
	v27 =	vsub.f32 v25, v51;
	v62 =	vsub.f32 $1.500000000e+00, v28  }
0x1e0: {  	v25 =	vmul.f32 v34, v7;
	v17 =	vsub.f32 $1.500000000e+00, v29;
	v19 =	vsub.f32 $1.500000000e+00, v19  }
0x1e1: {  	s25 =	simm.s32 $0x1A500;
	v22 =	vmul.f32 v22, v7;
	v28 =	vsub.f32 v21, v49;
	v21 =	vmul.f32 v30, v62  }
0x1e2: {  	[tilespmem:s25+$0xB0] =	vst v12;
	v30 =	vsub.f32 v18, v49;
	v17 =	vmul.f32 v63, v17;
	v18 =	vmul.f32 v61, v19  }
0x1e3: {  	[tilespmem:s25+$0x90] =	vst v35;
	v15 =	vmul.f32 v42, v15;
	v22 =	vadd.f32 v22, v11;
	v12 =	vmul.f32 v21, v31  }
0x1e4: {  	s24 =	simm.s32 $0x1A700;
	[tilespmem:s25+$0xFFFFFF00] =	vst v38;
	v29 =	vsub.f32 v23, v49;
	v19 =	vmul.f32 v17, v32;
	v23 =	vmul.f32 v18, v60  }
0x1e5: {  	v20 =	vadd.f32 v44, v10;
	[tilespmem:s24+$0xB0] =	vst v22;
	v22 =	vmul.f32 v15, v5;
	v12 =	vmul.f32 v12, v21  }
0x1e6: {  	[tilespmem:s25+$0x80] =	vst v37;
	v15 =	vadd.f32 v39, v9;
	v19 =	vmul.f32 v19, v17;
	v23 =	vmul.f32 v23, v18  }
0x1e7: {  	[tilespmem:s25+$0xFFFFFF20] =	vst v20;
	v14 =	vmul.f32 v42, v14;
	v63 =	vadd.f32 v40, v8;
	v20 =	vsub.f32 $1.500000000e+00, v12  }
0x1e8: {  	[tilespmem:s25+$0xFFFFFF10] =	vst v41;
	v12 =	vmul.f32 v42, v16;
	v16 =	vsub.f32 $1.500000000e+00, v19;
	v19 =	vsub.f32 $1.500000000e+00, v23  }
0x1e9: {  	[tilespmem:s25+$0xFFFFFF90] =	vst v15;
	v15 =	vadd.f32 v55, v11;
	v23 =	vmul.f32 v14, v4;
	v14 =	vmul.f32 v20, v21  }
0x1ea: {  	v31 =	vadd.f32 v33, v11;
	[tilespmem:s25+$0xFFFFFF80] =	vst v63;
	v17 =	vmul.f32 v16, v17;
	v20 =	vmul.f32 v19, v18  }
0x1eb: {  	[tilespmem:s25+$0xFFFFFFB0] =	vst v15;
	v16 =	vadd.f32 v56, v10;
	v33 =	vmul.f32 v14, v50;
	v32 =	vmul.f32 v14, v53  }
0x1ec: {  	[tilespmem:s25+$0xFFFFFF30] =	vst v31;
	v19 =	vadd.f32 v45, v8;
	v31 =	vmul.f32 v14, v43;
	v21 =	vmul.f32 v14, v46  }
0x1ed: {  	s28 =	simm.s32 $0xA900;
	s26 =	simm.s32 $0x4;
	v15 =	vadd.f32 v48, v9;
	[tilespmem:s25+$0xFFFFFFA0] =	vst v16;
	v18 =	vmul.f32 v17, v58;
	v16 =	vmul.f32 v17, v59  }
.LBB2_9:
0x1ee: {  	v14 =	vld [tilespmem:s28+$0x80];
	v24 =	vmul.f32 v17, v24;
	v27 =	vmul.f32 v17, v27;
	[tilespmem:s25+$0x0] =	vst v19;
	v13 =	vadd.f32 v13, v10  }
0x1ef: {  	v28 =	vmul.f32 v20, v28;
	v30 =	vmul.f32 v20, v30;
	v17 =	vld [tilespmem:s28+$0x90];
	[tilespmem:s25+$0x10] =	vst v15;
	v15 =	vadd.f32 v25, v11  }
0x1f0: {  	v34 =	vmul.f32 v20, v29;
	v25 =	vmul.f32 v20, v26;
	v20 =	vadd.f32 v23, v8;
	v19 =	vld [tilespmem:s28+$0xA0];
	[tilespmem:s25+$0x20] =	vst v13  }
0x1f1: {  	v29 =	vmul.f32 v32, v5;
	v32 =	vadd.f32 v22, v9;
	v13 =	vmul.f32 v33, v4;
	v26 =	vld [tilespmem:s28+$0xB0];
	[tilespmem:s25+$0x30] =	vst v15  }
0x1f2: {  	s26 =	sadd.s32 $0x4, s26;
	v31 =	vmul.f32 v31, v6;
	v22 =	vmul.f32 v21, v7;
	v15 =	vadd.f32 v36, v10;
	v35 =	vld [tilespmem:s28+$0xFFFFFF10];
	[tilespmem:s24+$0x80] =	vst v20  }
0x1f3: {  	p0 =	slt.u32 s26, $0x7C;
	v23 =	vmul.f32 v18, v4;
	v13 =	vadd.f32 v13, v8;
	v20 =	vmul.f32 v16, v5;
	v36 =	vld [tilespmem:s28+$0xFFFFFF20];
	[tilespmem:s24+$0x90] =	vst v32  }
0x1f4: {  	v29 =	vadd.f32 v29, v9;
	v21 =	vmul.f32 v24, v6;
	v16 =	vmul.f32 v27, v7;
	v33 =	vld [tilespmem:s28+$0xFFFFFF30];
	[tilespmem:s25+$0xA0] =	vst v15;
	s25 =	smov.u32 s24  }
0x1f5: {  	v18 =	vmul.f32 v28, v4;
	v32 =	vadd.f32 v17, v14;
	v15 =	vmul.f32 v30, v5;
	v24 =	vld [tilespmem:s28+$0xFFFFFF80];
	[tilespmem:s24+$0xFFFFFF00] =	vst v13  }
0x1f6: {  	v37 =	vmul.f32 v14, v14;
	v38 =	vmul.f32 v17, v17;
	v27 =	vld [tilespmem:s28+$0xFFFFFF90];
	v13 =	vadd.f32 v26, v19;
	[tilespmem:s24+$0xFFFFFF10] =	vst v29  }
0x1f7: {  	v31 =	vadd.f32 v31, v10;
	v39 =	vmul.f32 v19, v19;
	v40 =	vmul.f32 v26, v26;
	v28 =	vld [tilespmem:s28+$0xFFFFFFA0]  }
0x1f8: {  	v41 =	vmul.f32 v35, v35;
	v42 =	vmul.f32 v36, v36;
	v29 =	vld [tilespmem:s28+$0xFFFFFFB0];
	v43 =	vadd.f32 v13, v32  }
0x1f9: {  	v37 =	vadd.f32 v38, v37;
	v38 =	vadd.f32 v40, v39;
	v44 =	vmul.f32 v33, v33;
	v30 =	vld [tilespmem:s28+$0x0];
	[tilespmem:s24+$0xFFFFFF20] =	vst v31  }
0x1fa: {  	v13 =	vmul.f32 v34, v6;
	v39 =	vadd.f32 v33, v36;
	v40 =	vmul.f32 v24, v24;
	v31 =	vld [tilespmem:s28+$0x10]  }
0x1fb: {  	v37 =	vadd.f32 v38, v37;
	v46 =	vperm.xlane v43, v0;
	v45 =	vadd.f32 v27, v24;
	v32 =	vld [tilespmem:s28+$0x20]  }
0x1fc: {  	v42 =	vadd.f32 v44, v42;
	v44 =	vmul.f32 v27, v27;
	v47 =	vmul.f32 v28, v28;
	v34 =	vld [tilespmem:s28+$0x30]  }
0x1fd: {  	v43 =	vadd.f32 v43, v46;
	v46 =	vperm.xlane v37, v0;
	v38 =	vld [tilespmem:s28+$0xFFFFFF00];
	v48 =	vadd.f32 v29, v28  }
0x1fe: {  	v40 =	vadd.f32 v44, v40;
	v44 =	vmul.f32 v29, v29;
	v49 =	vmul.f32 v30, v30  }
0x1ff: {  	v37 =	vadd.f32 v37, v46;
	v46 =	vperm.xlane v43, v1;
	v50 =	vadd.f32 v31, v30  }
0x200: {  	v45 =	vadd.f32 v48, v45;
	v48 =	vmul.f32 v31, v31;
	v51 =	vmul.f32 v32, v32  }
0x201: {  	v43 =	vadd.f32 v46, v43;
	v46 =	vperm.xlane v37, v1;
	v52 =	vadd.f32 v34, v32  }
0x202: {  	v55 =	vmul.f32 v34, v34;
	v53 =	vadd.f32 v35, v38;
	v54 =	vmul.f32 v38, v38  }
0x203: {  	v44 =	vadd.f32 v44, v47;
	v37 =	vadd.f32 v46, v37;
	v46 =	vperm.xlane v43, v2  }
0x204: {  	v47 =	vperm.xlane v45, v0;
	v39 =	vadd.f32 v39, v53;
	v41 =	vadd.f32 v41, v54  }
0x205: {  	v50 =	vadd.f32 v52, v50;
	v43 =	vadd.f32 v46, v43;
	v46 =	vperm.xlane v37, v2  }
0x206: {  	v48 =	vadd.f32 v48, v49;
	v49 =	vadd.f32 v55, v51;
	v52 =	vperm.xlane v39, v0  }
0x207: {  	v41 =	vadd.f32 v42, v41;
	v37 =	vadd.f32 v46, v37;
	v42 =	vperm.xlane v43, v3  }
0x208: {  	v40 =	vadd.f32 v44, v40;
	v44 =	vadd.f32 v49, v48;
	v46 =	vperm.xlane v50, v0  }
0x209: {  	v39 =	vadd.f32 v39, v52;
	v42 =	vadd.f32 v42, v43;
	v43 =	vperm.xlane v37, v3  }
0x20a: {  	v45 =	vadd.f32 v45, v47;
	v47 =	vperm.xlane v40, v0;
	v48 =	vperm.xlane v41, v0  }
0x20b: {  	v46 =	vadd.f32 v50, v46;
	v43 =	vadd.f32 v43, v37;
	v37 =	vmul.f32 $1.562500000e-02, v42  }
0x20c: {  	v41 =	vadd.f32 v41, v48;
	v42 =	vperm.xlane v39, v1;
	v48 =	vperm.xlane v44, v0  }
0x20d: {  	v40 =	vadd.f32 v40, v47;
	v43 =	vmul.f32 $1.562500000e-02, v43;
	v47 =	vmul.f32 v37, v37  }
0x20e: {  	v49 =	vperm.xlane v45, v1;
	v44 =	vadd.f32 v44, v48;
	v48 =	vperm.xlane v46, v1  }
0x20f: {  	v39 =	vadd.f32 v42, v39;
	v42 =	vperm.xlane v41, v1;
	v43 =	vsub.f32 v43, v47  }
0x210: {  	v45 =	vadd.f32 v49, v45;
	v47 =	vperm.xlane v40, v1;
	v46 =	vadd.f32 v48, v46  }
0x211: {  	v41 =	vadd.f32 v42, v41;
	v42 =	vperm.xlane v44, v1;
	v43 =	vadd.f32 $9.999999740e-06, v43  }
0x212: {  	v48 =	vperm.xlane v39, v2;
	v40 =	vadd.f32 v47, v40;
	v47 =	vperm.xlane v45, v2  }
0x213: {  	v42 =	vadd.f32 v42, v44;
	v44 =	vshra.s32 v43, $0x1;
	v43 =	vmul.f32 $5.000000000e-01, v43  }
0x214: {  	v39 =	vadd.f32 v48, v39;
	v48 =	vperm.xlane v46, v2;
	v44 =	vsub.s32 $0x5F3759DF, v44  }
0x215: {  	v49 =	vperm.xlane v41, v2;
	v45 =	vadd.f32 v47, v45;
	v47 =	vmul.f32 v44, v43  }
0x216: {  	v50 =	vperm.xlane v40, v2;
	v46 =	vadd.f32 v48, v46;
	v48 =	vperm.xlane v42, v2  }
0x217: {  	v41 =	vadd.f32 v49, v41;
	v49 =	vperm.xlane v39, v3;
	v47 =	vmul.f32 v44, v47  }
0x218: {  	v40 =	vadd.f32 v50, v40;
	v50 =	vperm.xlane v45, v3;
	v42 =	vadd.f32 v48, v42  }
0x219: {  	v39 =	vadd.f32 v49, v39;
	v48 =	vperm.xlane v46, v3;
	v47 =	vsub.f32 $1.500000000e+00, v47  }
0x21a: {  	v49 =	vperm.xlane v41, v3;
	v45 =	vadd.f32 v50, v45;
	v50 =	vperm.xlane v40, v3  }
0x21b: {  	v46 =	vadd.f32 v48, v46;
	v48 =	vperm.xlane v42, v3;
	v44 =	vmul.f32 v44, v47  }
0x21c: {  	v41 =	vadd.f32 v49, v41;
	v39 =	vmul.f32 $1.562500000e-02, v39;
	v40 =	vadd.f32 v50, v40  }
0x21d: {  	v45 =	vmul.f32 $1.562500000e-02, v45;
	v42 =	vadd.f32 v48, v42;
	v43 =	vmul.f32 v44, v43  }
0x21e: {  	v41 =	vmul.f32 $1.562500000e-02, v41;
	v38 =	vsub.f32 v38, v39;
	v46 =	vmul.f32 $1.562500000e-02, v46  }
0x21f: {  	v35 =	vsub.f32 v35, v39;
	v47 =	vmul.f32 v39, v39;
	v43 =	vmul.f32 v43, v44  }
0x220: {  	v48 =	vsub.f32 v36, v39;
	v36 =	vmul.f32 $1.562500000e-02, v40;
	v40 =	vmul.f32 v45, v45  }
0x221: {  	v42 =	vmul.f32 $1.562500000e-02, v42;
	v49 =	vmul.f32 v46, v46;
	v43 =	vsub.f32 $1.500000000e+00, v43  }
0x222: {  	v25 =	vmul.f32 v25, v7;
	v41 =	vsub.f32 v41, v47;
	v36 =	vsub.f32 v36, v40  }
0x223: {  	v26 =	vsub.f32 v26, v37;
	v40 =	vsub.f32 v42, v49;
	v42 =	vmul.f32 v43, v44  }
0x224: {  	v41 =	vadd.f32 $9.999999740e-06, v41;
	v43 =	vadd.f32 $9.999999740e-06, v36;
	v36 =	vmul.f32 v12, v6  }
0x225: {  	v39 =	vsub.f32 v33, v39;
	v12 =	vadd.f32 $9.999999740e-06, v40;
	v26 =	vmul.f32 v42, v26  }
0x226: {  	v33 =	vshra.s32 v41, $0x1;
	v40 =	vmul.f32 $5.000000000e-01, v41;
	v41 =	vshra.s32 v43, $0x1  }
0x227: {  	v43 =	vmul.f32 $5.000000000e-01, v43;
	v44 =	vshra.s32 v12, $0x1;
	v26 =	vmul.f32 v26, v7  }
0x228: {  	v33 =	vsub.s32 $0x5F3759DF, v33;
	v12 =	vmul.f32 $5.000000000e-01, v12;
	v41 =	vsub.s32 $0x5F3759DF, v41  }
0x229: {  	v47 =	vmul.f32 v33, v40;
	v44 =	vsub.s32 $0x5F3759DF, v44;
	v26 =	vadd.f32 v26, v11  }
0x22a: {  	s24 =	sadd.s32 $0x200, s24;
	v50 =	vsub.f32 v24, v45;
	v49 =	vmul.f32 v41, v43;
	v51 =	vmul.f32 v44, v12  }
0x22b: {  	v52 =	vsub.f32 v27, v45;
	v24 =	vsub.f32 v28, v45;
	v47 =	vmul.f32 v33, v47;
	[tilespmem:s24+$0xB0] =	vst v26  }
0x22c: {  	v27 =	vsub.f32 v29, v45;
	v29 =	vmul.f32 v44, v51;
	v26 =	vmul.f32 v41, v49  }
0x22d: {  	v28 =	vsub.f32 v30, v46;
	v45 =	vsub.f32 $1.500000000e+00, v47  }
0x22e: {  	v47 =	vsub.f32 $1.500000000e+00, v29;
	v26 =	vsub.f32 $1.500000000e+00, v26  }
0x22f: {  	v30 =	vsub.f32 v31, v46;
	v33 =	vmul.f32 v33, v45;
	v29 =	vsub.f32 v32, v46  }
0x230: {  	v32 =	vmul.f32 v44, v47;
	v31 =	vmul.f32 v41, v26;
	v26 =	vsub.f32 v34, v46  }
0x231: {  	v14 =	vsub.f32 v14, v37;
	v17 =	vsub.f32 v17, v37;
	v34 =	vmul.f32 v33, v40  }
0x232: {  	v19 =	vsub.f32 v19, v37;
	v12 =	vmul.f32 v32, v12;
	v40 =	vmul.f32 v31, v43  }
0x233: {  	v22 =	vadd.f32 v22, v11;
	v14 =	vmul.f32 v42, v14;
	v34 =	vmul.f32 v34, v33  }
0x234: {  	v41 =	vadd.f32 v23, v8;
	v37 =	vmul.f32 v40, v31;
	v40 =	vmul.f32 v12, v32  }
0x235: {  	v17 =	vmul.f32 v42, v17;
	v34 =	vsub.f32 $1.500000000e+00, v34;
	v12 =	vmul.f32 v42, v19;
	[tilespmem:s25+$0xFFFFFF30] =	vst v22  }
0x236: {  	v23 =	vmul.f32 v14, v4;
	v19 =	vsub.f32 $1.500000000e+00, v37;
	v37 =	vsub.f32 $1.500000000e+00, v40;
	[tilespmem:s25+$0xFFFFFF80] =	vst v41  }
.Ltmp6:
0x237: {  	v14 =	vmul.f32 v34, v33;
	v22 =	vmul.f32 v17, v5;
	v34 =	vadd.f32 v20, v9;
	(pc) =	sbr.rel @p0 .LBB2_9-.Ltmp6, $4  }
0x238: {  	v17 =	vmul.f32 v19, v31;
	v20 =	vmul.f32 v37, v32;
	v19 =	vadd.f32 v21, v10  }
0x239: {  	v33 =	vmul.f32 v14, v38;
	v32 =	vmul.f32 v14, v35;
	[tilespmem:s25+$0xFFFFFF90] =	vst v34;
	v34 =	vadd.f32 v16, v11  }
0x23a: {  	v31 =	vmul.f32 v14, v48;
	v21 =	vmul.f32 v14, v39;
	[tilespmem:s25+$0xFFFFFFA0] =	vst v19;
	v19 =	vadd.f32 v18, v8  }
0x23b: {  	v15 =	vadd.f32 v15, v9;
	s28 =	sadd.s32 $0x200, s28;
	v16 =	vmul.f32 v17, v52;
	v18 =	vmul.f32 v17, v50;
	[tilespmem:s25+$0xFFFFFFB0] =	vst v34  }
0x23c: {  	[tilespmem:s25+$0x0] =	vst v19;
	v13 =	vadd.f32 v13, v10  }
0x23d: {  	v14 =	vadd.f32 v25, v11;
	[tilespmem:s25+$0x10] =	vst v15  }
0x23e: {  	v19 =	vadd.f32 v22, v9;
	v12 =	vmul.f32 v12, v6;
	[tilespmem:s25+$0x20] =	vst v13  }
0x23f: {  	v15 =	vadd.f32 v23, v8;
	[tilespmem:s25+$0x30] =	vst v14  }
0x240: {  	v13 =	vmul.f32 v33, v4;
	[tilespmem:s24+$0x90] =	vst v19;
	v12 =	vadd.f32 v12, v10  }
0x241: {  	v14 =	vmul.f32 v32, v5;
	[tilespmem:s24+$0x80] =	vst v15;
	v15 =	vadd.f32 v36, v10  }
0x242: {  	v22 =	vmul.f32 v31, v6;
	v13 =	vadd.f32 v13, v8;
	[tilespmem:s24+$0xA0] =	vst v12  }
0x243: {  	v19 =	vmul.f32 v21, v7;
	v14 =	vadd.f32 v14, v9;
	[tilespmem:s25+$0xA0] =	vst v15  }
0x244: {  	v18 =	vmul.f32 v18, v4;
	v15 =	vmul.f32 v17, v24;
	[tilespmem:s24+$0xFFFFFF00] =	vst v13;
	v13 =	vadd.f32 v22, v10  }
0x245: {  	v16 =	vmul.f32 v16, v5;
	v17 =	vmul.f32 v17, v27;
	[tilespmem:s24+$0xFFFFFF10] =	vst v14;
	v14 =	vadd.f32 v19, v11  }
0x246: {  	v19 =	vmul.f32 v20, v28;
	v15 =	vmul.f32 v15, v6;
	[tilespmem:s24+$0xFFFFFF20] =	vst v13;
	v13 =	vadd.f32 v18, v8  }
0x247: {  	v17 =	vmul.f32 v17, v7;
	v18 =	vmul.f32 v20, v30;
	[tilespmem:s24+$0xFFFFFF30] =	vst v14;
	v14 =	vadd.f32 v16, v9  }
0x248: {  	v16 =	vmul.f32 v20, v29;
	v19 =	vmul.f32 v19, v4;
	[tilespmem:s24+$0xFFFFFF80] =	vst v13;
	v13 =	vadd.f32 v15, v10  }
0x249: {  	v15 =	vmul.f32 v20, v26;
	v18 =	vmul.f32 v18, v5;
	[tilespmem:s24+$0xFFFFFF90] =	vst v14;
	v14 =	vadd.f32 v17, v11  }
0x24a: {  	v16 =	vmul.f32 v16, v6;
	[tilespmem:s24+$0xFFFFFFA0] =	vst v13;
	v13 =	vadd.f32 v19, v8  }
0x24b: {  	v15 =	vmul.f32 v15, v7;
	[tilespmem:s24+$0xFFFFFFB0] =	vst v14;
	v14 =	vadd.f32 v18, v9  }
0x24c: {  	[tilespmem:s24+$0x0] =	vst v13;
	v13 =	vadd.f32 v16, v10  }
0x24d: {  	s26 =	sadd.s32 s23, s9;
	[tilespmem:s24+$0x10] =	vst v14;
	v14 =	vadd.f32 v15, v11  }
0x24e: {  	s25 =	sshll.u32 s26, $0x4;
	[tilespmem:s24+$0x20] =	vst v13  }
0x24f: {  	p0 =	seq.s32 s22, $0x31;
	s26 =	sadd.s32 s6, s25;
	[tilespmem:s24+$0x30] =	vst v14  }
0x250: {  	[hbm4b:s26+s4] =	stream.linear.scatter [tilespmem:s14], [sflag:$0x6], $0x4000, $0x38;
	[tilespmem:$0x1E500] =	vst v63  }
0x251: {  	s25 =	simm.s32 @!p0 $0x40;
	s24 =	sadd.s32 @!p0 $0x280, s23;
	s26 =	simm.s32 @!p0 $0xA400  }
0x252: {  	[tilespmem:s26], [sflag:$0x2] =	stream.indirect.gather @!p0 [hbm4b:s5+s25], $0x80, s24, s25, $0xb8;
	[tilespmem:$0x1E500] =	vst v63  }
0x253: {  	s24 =	sadd.s32 @!p0 $0x2C0, s23;
	s26 =	simm.s32 @!p0 $0xC400  }
0x254: {  	[tilespmem:s26], [sflag:$0x2] =	stream.indirect.gather @!p0 [hbm4b:s5+s25], $0x80, s24, s25, $0xb8;
	[tilespmem:$0x1E500] =	vst v63  }
0x255: {  	_ =	swait.ge [sflag:s15], $0x4000  }
0x256: {  	[sflag:s15] =	ssyncset.done $0x0  }
0x257: {  	[sflag:s15] =	ssyncadd.s32 $0xFFFFC000  }
0x258: {  	_ =	swait.ge [sflag:s19], $0x4000  }
0x259: {  	[sflag:s19] =	ssyncset.done $0x0  }
0x25a: {  	s25 =	simm.s32 $0xE500;
	[sflag:s19] =	ssyncadd.s32 $0xFFFFC000  }
0x25b: {  	v16 =	vld [tilespmem:s25+$0x80]  }
0x25c: {  	v14 =	vld [tilespmem:s25+$0x90]  }
0x25d: {  	v15 =	vld [tilespmem:s25+$0xA0]  }
0x25e: {  	v26 =	vld [tilespmem:s25+$0xB0]  }
0x25f: {  	v25 =	vld [tilespmem:s25+$0xFFFFFF10]  }
0x260: {  	v24 =	vld [tilespmem:s25+$0xFFFFFF20]  }
0x261: {  	v12 =	vld [tilespmem:s25+$0xFFFFFF30]  }
0x262: {  	v23 =	vld [tilespmem:s25+$0xFFFFFF80]  }
0x263: {  	v22 =	vld [tilespmem:s25+$0xFFFFFF90]  }
0x264: {  	v17 =	vld [tilespmem:s25+$0xFFFFFFA0]  }
0x265: {  	v19 =	vld [tilespmem:s25+$0xFFFFFFB0];
	_ =	sdelay $0x1  }
0x266: {  	v13 =	vadd.f32 v14, v16;
	v21 =	vmul.f32 v16, v16;
	v27 =	vmul.f32 v14, v14  }
0x267: {  	v18 =	vadd.f32 v26, v15;
	v28 =	vmul.f32 v15, v15;
	v29 =	vmul.f32 v26, v26  }
0x268: {  	v31 =	vmul.f32 v25, v25;
	v59 =	vadd.f32 v12, v24;
	v61 =	vadd.f32 v22, v23  }
0x269: {  	v20 =	vld [tilespmem:s25+$0x0];
	v60 =	vmul.f32 v23, v23;
	v38 =	vadd.f32 v19, v17;
	v30 =	vadd.f32 v18, v13  }
0x26a: {  	v37 =	vmul.f32 v17, v17;
	v13 =	vadd.f32 v27, v21;
	v27 =	vadd.f32 v29, v28;
	v21 =	vld [tilespmem:s25+$0x10]  }
0x26b: {  	v28 =	vmul.f32 v24, v24;
	v29 =	vmul.f32 v12, v12;
	v18 =	vld [tilespmem:s25+$0x20];
	v36 =	vadd.f32 v38, v61  }
0x26c: {  	v63 =	vmul.f32 v19, v19;
	v34 =	vadd.f32 v27, v13;
	v35 =	vperm.xlane v30, v0;
	v13 =	vld [tilespmem:s25+$0x30]  }
0x26d: {  	v28 =	vadd.f32 v29, v28;
	v29 =	vmul.f32 v22, v22;
	v27 =	vld [tilespmem:s25+$0xFFFFFF00];
	v54 =	vperm.xlane v36, v0  }
0x26e: {  	v39 =	vmul.f32 v20, v20;
	v33 =	vadd.f32 v63, v37;
	v30 =	vadd.f32 v30, v35  }
0x26f: {  	v62 =	vperm.xlane v34, v0;
	v29 =	vadd.f32 v29, v60;
	v36 =	vadd.f32 v36, v54  }
0x270: {  	v40 =	vadd.f32 v21, v20;
	v49 =	vmul.f32 v21, v21;
	v41 =	vmul.f32 v18, v18  }
0x271: {  	v34 =	vadd.f32 v34, v62;
	v48 =	vperm.xlane v30, v1;
	v29 =	vadd.f32 v33, v29  }
0x272: {  	v42 =	vadd.f32 v13, v18;
	v43 =	vadd.f32 v25, v27;
	v44 =	vmul.f32 v27, v27  }
0x273: {  	v52 =	vmul.f32 v13, v13;
	v38 =	vadd.f32 v49, v39;
	v30 =	vadd.f32 v48, v30  }
0x274: {  	v50 =	vperm.xlane v34, v1;
	v32 =	vadd.f32 v59, v43;
	v31 =	vadd.f32 v31, v44  }
0x275: {  	v61 =	vperm.xlane v29, v0;
	v40 =	vadd.f32 v42, v40;
	v37 =	vadd.f32 v52, v41  }
0x276: {  	v44 =	vperm.xlane v36, v1;
	v34 =	vadd.f32 v50, v34;
	v51 =	vperm.xlane v30, v2  }
0x277: {  	v29 =	vadd.f32 v29, v61;
	v28 =	vadd.f32 v28, v31;
	v56 =	vperm.xlane v32, v0  }
0x278: {  	v57 =	vadd.f32 v37, v38;
	v58 =	vperm.xlane v40, v0;
	v36 =	vadd.f32 v44, v36  }
0x279: {  	v30 =	vadd.f32 v51, v30;
	v53 =	vperm.xlane v34, v2;
	v47 =	vperm.xlane v29, v1  }
0x27a: {  	v32 =	vadd.f32 v32, v56;
	v60 =	vperm.xlane v28, v0;
	v62 =	vadd.f32 v40, v58  }
0x27b: {  	v42 =	vperm.xlane v57, v0;
	v50 =	vperm.xlane v36, v2;
	v31 =	vadd.f32 v53, v34  }
0x27c: {  	v55 =	vperm.xlane v30, v3;
	v29 =	vadd.f32 v47, v29;
	v63 =	vperm.xlane v32, v1  }
0x27d: {  	v28 =	vadd.f32 v28, v60;
	v33 =	vadd.f32 v57, v42;
	v45 =	vperm.xlane v62, v1  }
0x27e: {  	v36 =	vadd.f32 v50, v36;
	v30 =	vadd.f32 v55, v30;
	v59 =	vperm.xlane v31, v3  }
0x27f: {  	v55 =	vperm.xlane v29, v2;
	v32 =	vadd.f32 v63, v32;
	v46 =	vperm.xlane v28, v1  }
0x280: {  	v34 =	vadd.f32 v45, v62;
	v48 =	vperm.xlane v33, v1;
	v58 =	vperm.xlane v36, v3  }
0x281: {  	v31 =	vadd.f32 v59, v31;
	v30 =	vmul.f32 $1.562500000e-02, v30;
	v29 =	vadd.f32 v55, v29  }
0x282: {  	v28 =	vadd.f32 v46, v28;
	v49 =	vperm.xlane v32, v2;
	v33 =	vadd.f32 v48, v33  }
0x283: {  	v52 =	vperm.xlane v34, v2;
	v36 =	vadd.f32 v58, v36;
	v31 =	vmul.f32 $1.562500000e-02, v31  }
0x284: {  	v43 =	vmul.f32 v30, v30;
	v61 =	vperm.xlane v29, v3;
	v32 =	vadd.f32 v49, v32  }
0x285: {  	v53 =	vperm.xlane v28, v2;
	v34 =	vadd.f32 v52, v34;
	v56 =	vperm.xlane v33, v2  }
0x286: {  	v36 =	vmul.f32 $1.562500000e-02, v36;
	v31 =	vsub.f32 v31, v43;
	v29 =	vadd.f32 v61, v29  }
0x287: {  	v28 =	vadd.f32 v53, v28;
	v57 =	vperm.xlane v32, v3;
	v33 =	vadd.f32 v56, v33  }
0x288: {  	v60 =	vperm.xlane v34, v3;
	v43 =	vmul.f32 v36, v36;
	v31 =	vadd.f32 $9.999999740e-06, v31  }
0x289: {  	v29 =	vmul.f32 $1.562500000e-02, v29;
	v32 =	vadd.f32 v57, v32;
	v59 =	vperm.xlane v28, v3  }
0x28a: {  	v62 =	vperm.xlane v33, v3;
	v51 =	vshra.s32 v31, $0x1;
	v31 =	vmul.f32 $5.000000000e-01, v31  }
0x28b: {  	v34 =	vadd.f32 v60, v34;
	v38 =	vsub.s32 $0x5F3759DF, v51;
	v28 =	vadd.f32 v59, v28  }
0x28c: {  	v32 =	vmul.f32 $1.562500000e-02, v32;
	v54 =	vmul.f32 v38, v31  }
0x28d: {  	v33 =	vadd.f32 v62, v33;
	v34 =	vmul.f32 $1.562500000e-02, v34;
	v28 =	vmul.f32 $1.562500000e-02, v28  }
0x28e: {  	v29 =	vsub.f32 v29, v43;
	v42 =	vmul.f32 v32, v32;
	v37 =	vmul.f32 v38, v54  }
0x28f: {  	v33 =	vmul.f32 $1.562500000e-02, v33;
	v44 =	vmul.f32 v34, v34  }
0x290: {  	v29 =	vadd.f32 $9.999999740e-06, v29;
	v37 =	vsub.f32 $1.500000000e+00, v37  }
0x291: {  	v28 =	vsub.f32 v28, v42;
	v33 =	vsub.f32 v33, v44  }
0x292: {  	v63 =	vmul.f32 v38, v37  }
0x293: {  	v46 =	vshra.s32 v29, $0x1;
	v28 =	vadd.f32 $9.999999740e-06, v28;
	v33 =	vadd.f32 $9.999999740e-06, v33  }
0x294: {  	v29 =	vmul.f32 $5.000000000e-01, v29;
	v38 =	vsub.s32 $0x5F3759DF, v46;
	v31 =	vmul.f32 v63, v31  }
0x295: {  	v45 =	vshra.s32 v28, $0x1;
	v28 =	vmul.f32 $5.000000000e-01, v28;
	v47 =	vshra.s32 v33, $0x1  }
0x296: {  	v33 =	vmul.f32 $5.000000000e-01, v33;
	v37 =	vsub.s32 $0x5F3759DF, v45;
	v31 =	vmul.f32 v31, v63  }
0x297: {  	v49 =	vmul.f32 v38, v29;
	v39 =	vsub.s32 $0x5F3759DF, v47;
	v48 =	vmul.f32 v37, v28  }
0x298: {  	v50 =	vmul.f32 v39, v33;
	v31 =	vsub.f32 $1.500000000e+00, v31  }
0x299: {  	v51 =	vmul.f32 v38, v49;
	v40 =	vmul.f32 v37, v48  }
0x29a: {  	v26 =	vsub.f32 v26, v30;
	v52 =	vmul.f32 v39, v50;
	v31 =	vmul.f32 v31, v63  }
0x29b: {  	v35 =	vsub.f32 $1.500000000e+00, v51;
	v40 =	vsub.f32 $1.500000000e+00, v40  }
0x29c: {  	v16 =	vsub.f32 v16, v30;
	v41 =	vsub.f32 $1.500000000e+00, v52;
	v26 =	vmul.f32 v31, v26  }
0x29d: {  	v27 =	vsub.f32 v27, v32;
	v35 =	vmul.f32 v38, v35;
	v37 =	vmul.f32 v37, v40  }
0x29e: {  	s26 =	simm.s32 $0xE700;
	v25 =	vsub.f32 v25, v32;
	v53 =	vmul.f32 v39, v41;
	v26 =	vmul.f32 v26, v7  }
0x29f: {  	v24 =	vsub.f32 v24, v32;
	v41 =	vmul.f32 v31, v16;
	v16 =	vld [tilespmem:s26+$0xA0];
	v28 =	vmul.f32 v37, v28  }
0x2a0: {  	v32 =	vsub.f32 v12, v32;
	v12 =	vadd.f32 v26, v11;
	v26 =	vmul.f32 v35, v29  }
0x2a1: {  	v28 =	vmul.f32 v28, v37;
	v29 =	vmul.f32 v53, v33  }
0x2a2: {  	v54 =	vsub.f32 v22, v36;
	v41 =	vmul.f32 v41, v4;
	v22 =	vmul.f32 v26, v35  }
0x2a3: {  	v28 =	vsub.f32 $1.500000000e+00, v28;
	v26 =	vsub.f32 v14, v30;
	v29 =	vmul.f32 v29, v53  }
0x2a4: {  	v46 =	vmul.f32 v16, v16;
	v14 =	vld [tilespmem:s26+$0x80];
	v30 =	vsub.f32 v15, v30;
	v22 =	vsub.f32 $1.500000000e+00, v22  }
0x2a5: {  	v15 =	vld [tilespmem:s26+$0x90];
	v42 =	vmul.f32 v31, v26;
	v26 =	vsub.f32 $1.500000000e+00, v29;
	v29 =	vmul.f32 v28, v37  }
0x2a6: {  	v55 =	vsub.f32 v17, v36;
	v17 =	vmul.f32 v31, v30;
	v30 =	vmul.f32 v22, v35  }
0x2a7: {  	v23 =	vsub.f32 v23, v36;
	v35 =	vmul.f32 v26, v53;
	v38 =	vmul.f32 v29, v27  }
0x2a8: {  	v21 =	vsub.f32 v21, v34;
	v52 =	vld [tilespmem:s26+$0xFFFFFF00];
	v43 =	vmul.f32 v29, v25;
	v44 =	vmul.f32 v29, v24  }
0x2a9: {  	v18 =	vsub.f32 v18, v34;
	v28 =	vld [tilespmem:s26+$0xFFFFFF10];
	v45 =	vmul.f32 v29, v32;
	v42 =	vmul.f32 v42, v5  }
0x2aa: {  	v31 =	vsub.f32 v19, v36;
	v19 =	vld [tilespmem:s26+$0xFFFFFF80];
	v56 =	vmul.f32 v14, v14;
	v57 =	vmul.f32 v15, v15  }
0x2ab: {  	v22 =	vld [tilespmem:s26+$0xB0];
	v26 =	vsub.f32 v20, v34;
	v40 =	vmul.f32 v30, v23;
	v39 =	vmul.f32 v30, v54  }
0x2ac: {  	v29 =	vld [tilespmem:s26+$0xFFFFFF20];
	v34 =	vsub.f32 v13, v34;
	v36 =	vmul.f32 v30, v55;
	v32 =	vmul.f32 v30, v31  }
0x2ad: {  	v27 =	vld [tilespmem:s26+$0xFFFFFF30];
	v31 =	vmul.f32 v35, v26;
	v30 =	vmul.f32 v35, v21  }
0x2ae: {  	v20 =	vld [tilespmem:s26+$0xFFFFFF90];
	v23 =	vadd.f32 v15, v14;
	v13 =	vmul.f32 v35, v18;
	v34 =	vmul.f32 v35, v34  }
0x2af: {  	v24 =	vld [tilespmem:s26+$0xFFFFFFA0];
	v38 =	vmul.f32 v38, v4;
	v35 =	vadd.f32 v42, v9;
	v44 =	vmul.f32 v44, v6  }
0x2b0: {  	v21 =	vld [tilespmem:s26+$0x0];
	v37 =	vmul.f32 v28, v28;
	v50 =	vmul.f32 v19, v19;
	v25 =	vadd.f32 v22, v16  }
0x2b1: {  	v18 =	vld [tilespmem:s26+$0x10];
	v38 =	vadd.f32 v38, v8;
	v47 =	vmul.f32 v22, v22;
	v59 =	vmul.f32 v29, v29  }
0x2b2: {  	v48 =	vmul.f32 v27, v27;
	v49 =	vadd.f32 v27, v29;
	v26 =	vadd.f32 v25, v23;
	v25 =	vld [tilespmem:s26+$0xFFFFFFB0]  }
0x2b3: {  	v61 =	vmul.f32 v20, v20;
	v23 =	vadd.f32 v57, v56;
	v58 =	vadd.f32 v47, v46  }
0x2b4: {  	v40 =	vmul.f32 v40, v4;
	v51 =	vadd.f32 v20, v19;
	v46 =	vadd.f32 v48, v59  }
0x2b5: {  	v48 =	vadd.f32 v61, v50;
	v33 =	vadd.f32 v58, v23;
	v60 =	vperm.xlane v26, v0  }
0x2b6: {  	v54 =	vmul.f32 v24, v24;
	v56 =	vadd.f32 v18, v21;
	v23 =	vld [tilespmem:s26+$0x20];
	v58 =	vadd.f32 v28, v52  }
0x2b7: {  	v47 =	vadd.f32 v26, v60;
	v53 =	vperm.xlane v33, v0;
	v26 =	vld [tilespmem:s26+$0x30];
	v55 =	vadd.f32 v25, v24  }
0x2b8: {  	v59 =	vmul.f32 v52, v52;
	v49 =	vadd.f32 v49, v58;
	v63 =	vmul.f32 v25, v25  }
0x2b9: {  	v33 =	vadd.f32 v33, v53;
	v62 =	vperm.xlane v47, v1;
	v51 =	vadd.f32 v55, v51  }
0x2ba: {  	v50 =	vadd.f32 v63, v54;
	v54 =	vadd.f32 v37, v59;
	v63 =	vmul.f32 v18, v18  }
0x2bb: {  	v37 =	vadd.f32 v41, v8;
	v41 =	vmul.f32 v43, v5;
	v47 =	vadd.f32 v62, v47  }
0x2bc: {  	v57 =	vperm.xlane v33, v1;
	v62 =	vmul.f32 v21, v21;
	v60 =	vadd.f32 v26, v23  }
0x2bd: {  	v58 =	vperm.xlane v51, v0;
	v48 =	vadd.f32 v50, v48;
	v41 =	vadd.f32 v41, v9  }
0x2be: {  	v53 =	vadd.f32 v57, v33;
	v61 =	vperm.xlane v47, v2;
	v57 =	vadd.f32 v63, v62  }
0x2bf: {  	v33 =	vmul.f32 v45, v7;
	v55 =	vadd.f32 v60, v56;
	v60 =	vmul.f32 v23, v23  }
0x2c0: {  	v56 =	vperm.xlane v49, v0;
	v47 =	vadd.f32 v61, v47;
	v61 =	vmul.f32 v26, v26  }
0x2c1: {  	v45 =	vadd.f32 v46, v54;
	v51 =	vadd.f32 v51, v58;
	v63 =	vperm.xlane v53, v2  }
0x2c2: {  	v39 =	vmul.f32 v39, v5;
	v46 =	vadd.f32 v49, v56;
	v62 =	vadd.f32 v61, v60  }
0x2c3: {  	v56 =	vmul.f32 v36, v6;
	v43 =	vadd.f32 v63, v53;
	v59 =	vperm.xlane v47, v3  }
0x2c4: {  	v61 =	vperm.xlane v55, v0;
	v63 =	vperm.xlane v48, v0;
	v42 =	vadd.f32 v62, v57  }
0x2c5: {  	v60 =	vperm.xlane v43, v3;
	v47 =	vadd.f32 v59, v47;
	v62 =	vperm.xlane v45, v0  }
0x2c6: {  	v49 =	vadd.f32 v55, v61;
	v57 =	vperm.xlane v46, v1;
	v48 =	vadd.f32 v48, v63  }
0x2c7: {  	v43 =	vadd.f32 v60, v43;
	v47 =	vmul.f32 $1.562500000e-02, v47;
	v58 =	vperm.xlane v42, v0  }
0x2c8: {  	v45 =	vadd.f32 v45, v62;
	v60 =	vperm.xlane v51, v1;
	v61 =	vperm.xlane v49, v1  }
0x2c9: {  	v46 =	vadd.f32 v57, v46;
	v63 =	vperm.xlane v48, v1;
	v42 =	vadd.f32 v42, v58  }
0x2ca: {  	v43 =	vmul.f32 $1.562500000e-02, v43;
	v51 =	vadd.f32 v60, v51;
	v49 =	vadd.f32 v61, v49  }
0x2cb: {  	v59 =	vmul.f32 v47, v47;
	v48 =	vadd.f32 v63, v48;
	v22 =	vsub.f32 v22, v47  }
0x2cc: {  	v62 =	vperm.xlane v45, v1;
	v14 =	vsub.f32 v14, v47;
	v15 =	vsub.f32 v15, v47  }
0x2cd: {  	v58 =	vperm.xlane v46, v2;
	v16 =	vsub.f32 v16, v47;
	v43 =	vsub.f32 v43, v59  }
0x2ce: {  	v57 =	vperm.xlane v42, v1;
	v45 =	vadd.f32 v62, v45;
	v59 =	vperm.xlane v51, v2  }
0x2cf: {  	v61 =	vperm.xlane v49, v2;
	v46 =	vadd.f32 v58, v46;
	v43 =	vadd.f32 $9.999999740e-06, v43  }
0x2d0: {  	v63 =	vperm.xlane v48, v2;
	v42 =	vadd.f32 v57, v42;
	v62 =	vperm.xlane v45, v2  }
0x2d1: {  	v51 =	vadd.f32 v59, v51;
	v60 =	vshra.s32 v43, $0x1;
	v43 =	vmul.f32 $5.000000000e-01, v43  }
0x2d2: {  	v49 =	vadd.f32 v61, v49;
	v59 =	vperm.xlane v46, v3;
	v50 =	vsub.s32 $0x5F3759DF, v60  }
0x2d3: {  	v48 =	vadd.f32 v63, v48;
	v58 =	vperm.xlane v42, v2;
	v57 =	vmul.f32 v50, v43  }
0x2d4: {  	v45 =	vadd.f32 v62, v45;
	v46 =	vadd.f32 v59, v46;
	v61 =	vperm.xlane v49, v3  }
0x2d5: {  	v60 =	vperm.xlane v51, v3;
	v42 =	vadd.f32 v58, v42;
	v55 =	vmul.f32 v50, v57  }
0x2d6: {  	v63 =	vperm.xlane v45, v3;
	v49 =	vadd.f32 v61, v49;
	v46 =	vmul.f32 $1.562500000e-02, v46  }
0x2d7: {  	v51 =	vadd.f32 v60, v51;
	v57 =	vperm.xlane v48, v3;
	v62 =	vsub.f32 $1.500000000e+00, v55  }
0x2d8: {  	v58 =	vperm.xlane v42, v3;
	v45 =	vadd.f32 v63, v45;
	v49 =	vmul.f32 $1.562500000e-02, v49  }
0x2d9: {  	v59 =	vmul.f32 v46, v46;
	v53 =	vsub.f32 v28, v46;
	v36 =	vmul.f32 v50, v62  }
0x2da: {  	v51 =	vmul.f32 $1.562500000e-02, v51;
	v42 =	vadd.f32 v58, v42;
	v45 =	vmul.f32 $1.562500000e-02, v45  }
0x2db: {  	v48 =	vadd.f32 v57, v48;
	v61 =	vmul.f32 v49, v49;
	v43 =	vmul.f32 v36, v43  }
0x2dc: {  	v60 =	vmul.f32 v51, v51;
	v50 =	vsub.f32 v52, v46;
	v42 =	vmul.f32 $1.562500000e-02, v42  }
0x2dd: {  	v28 =	vmul.f32 v43, v36;
	v43 =	vsub.f32 v29, v46;
	v29 =	vmul.f32 $1.562500000e-02, v48  }
0x2de: {  	v62 =	vsub.f32 v45, v59;
	v45 =	vmul.f32 v31, v4;
	v31 =	vsub.f32 v42, v61  }
0x2df: {  	v13 =	vmul.f32 v13, v6;
	v28 =	vsub.f32 $1.500000000e+00, v28;
	v29 =	vsub.f32 v29, v60  }
0x2e0: {  	v55 =	vmul.f32 v32, v7;
	v46 =	vsub.f32 v27, v46;
	v27 =	vadd.f32 $9.999999740e-06, v31  }
0x2e1: {  	v42 =	vmul.f32 v28, v36;
	v28 =	vadd.f32 $9.999999740e-06, v62;
	v29 =	vadd.f32 $9.999999740e-06, v29  }
0x2e2: {  	v26 =	vsub.f32 v26, v49;
	v48 =	vmul.f32 v30, v5;
	v60 =	vmul.f32 $5.000000000e-01, v27  }
0x2e3: {  	v30 =	vshra.s32 v28, $0x1;
	v31 =	vmul.f32 $5.000000000e-01, v28;
	v28 =	vshra.s32 v29, $0x1  }
0x2e4: {  	v32 =	vmul.f32 $5.000000000e-01, v29;
	v29 =	vshra.s32 v27, $0x1;
	v30 =	vsub.s32 $0x5F3759DF, v30  }
0x2e5: {  	v63 =	vsub.s32 $0x5F3759DF, v28;
	v61 =	vsub.s32 $0x5F3759DF, v29;
	v28 =	vmul.f32 v30, v31  }
0x2e6: {  	v58 =	vsub.f32 v19, v51;
	v29 =	vmul.f32 v63, v32;
	v19 =	vmul.f32 v61, v60  }
0x2e7: {  	v24 =	vsub.f32 v24, v51;
	v36 =	vmul.f32 v17, v6;
	v28 =	vmul.f32 v30, v28  }
0x2e8: {  	v59 =	vsub.f32 v20, v51;
	v29 =	vmul.f32 v63, v29;
	v19 =	vmul.f32 v61, v19  }
0x2e9: {  	v22 =	vmul.f32 v42, v22;
	v27 =	vsub.f32 v25, v51;
	v62 =	vsub.f32 $1.500000000e+00, v28  }
0x2ea: {  	v25 =	vmul.f32 v34, v7;
	v17 =	vsub.f32 $1.500000000e+00, v29;
	v19 =	vsub.f32 $1.500000000e+00, v19  }
0x2eb: {  	s25 =	simm.s32 $0x16500;
	v22 =	vmul.f32 v22, v7;
	v28 =	vsub.f32 v21, v49;
	v21 =	vmul.f32 v30, v62  }
0x2ec: {  	[tilespmem:s25+$0xB0] =	vst v12;
	v30 =	vsub.f32 v18, v49;
	v17 =	vmul.f32 v63, v17;
	v18 =	vmul.f32 v61, v19  }
0x2ed: {  	[tilespmem:s25+$0x90] =	vst v35;
	v15 =	vmul.f32 v42, v15;
	v22 =	vadd.f32 v22, v11;
	v12 =	vmul.f32 v21, v31  }
0x2ee: {  	s24 =	simm.s32 $0x16700;
	[tilespmem:s25+$0xFFFFFF00] =	vst v38;
	v29 =	vsub.f32 v23, v49;
	v19 =	vmul.f32 v17, v32;
	v23 =	vmul.f32 v18, v60  }
0x2ef: {  	v20 =	vadd.f32 v44, v10;
	[tilespmem:s24+$0xB0] =	vst v22;
	v22 =	vmul.f32 v15, v5;
	v12 =	vmul.f32 v12, v21  }
0x2f0: {  	[tilespmem:s25+$0x80] =	vst v37;
	v15 =	vadd.f32 v39, v9;
	v19 =	vmul.f32 v19, v17;
	v23 =	vmul.f32 v23, v18  }
0x2f1: {  	[tilespmem:s25+$0xFFFFFF20] =	vst v20;
	v14 =	vmul.f32 v42, v14;
	v63 =	vadd.f32 v40, v8;
	v20 =	vsub.f32 $1.500000000e+00, v12  }
0x2f2: {  	[tilespmem:s25+$0xFFFFFF10] =	vst v41;
	v12 =	vmul.f32 v42, v16;
	v16 =	vsub.f32 $1.500000000e+00, v19;
	v19 =	vsub.f32 $1.500000000e+00, v23  }
0x2f3: {  	[tilespmem:s25+$0xFFFFFF90] =	vst v15;
	v15 =	vadd.f32 v55, v11;
	v23 =	vmul.f32 v14, v4;
	v14 =	vmul.f32 v20, v21  }
0x2f4: {  	v31 =	vadd.f32 v33, v11;
	[tilespmem:s25+$0xFFFFFF80] =	vst v63;
	v17 =	vmul.f32 v16, v17;
	v20 =	vmul.f32 v19, v18  }
0x2f5: {  	[tilespmem:s25+$0xFFFFFFB0] =	vst v15;
	v16 =	vadd.f32 v56, v10;
	v33 =	vmul.f32 v14, v50;
	v32 =	vmul.f32 v14, v53  }
0x2f6: {  	[tilespmem:s25+$0xFFFFFF30] =	vst v31;
	v19 =	vadd.f32 v45, v8;
	v31 =	vmul.f32 v14, v43;
	v21 =	vmul.f32 v14, v46  }
0x2f7: {  	s28 =	simm.s32 $0xE900;
	s26 =	simm.s32 $0x4;
	v15 =	vadd.f32 v48, v9;
	[tilespmem:s25+$0xFFFFFFA0] =	vst v16;
	v18 =	vmul.f32 v17, v58;
	v16 =	vmul.f32 v17, v59  }
.LBB2_11:
0x2f8: {  	v14 =	vld [tilespmem:s28+$0x80];
	v24 =	vmul.f32 v17, v24;
	v27 =	vmul.f32 v17, v27;
	[tilespmem:s25+$0x0] =	vst v19;
	v13 =	vadd.f32 v13, v10  }
0x2f9: {  	v28 =	vmul.f32 v20, v28;
	v30 =	vmul.f32 v20, v30;
	v17 =	vld [tilespmem:s28+$0x90];
	[tilespmem:s25+$0x10] =	vst v15;
	v15 =	vadd.f32 v25, v11  }
0x2fa: {  	v34 =	vmul.f32 v20, v29;
	v25 =	vmul.f32 v20, v26;
	v20 =	vadd.f32 v23, v8;
	v19 =	vld [tilespmem:s28+$0xA0];
	[tilespmem:s25+$0x20] =	vst v13  }
0x2fb: {  	v29 =	vmul.f32 v32, v5;
	v32 =	vadd.f32 v22, v9;
	v13 =	vmul.f32 v33, v4;
	v26 =	vld [tilespmem:s28+$0xB0];
	[tilespmem:s25+$0x30] =	vst v15  }
0x2fc: {  	s26 =	sadd.s32 $0x4, s26;
	v31 =	vmul.f32 v31, v6;
	v22 =	vmul.f32 v21, v7;
	v15 =	vadd.f32 v36, v10;
	v35 =	vld [tilespmem:s28+$0xFFFFFF10];
	[tilespmem:s24+$0x80] =	vst v20  }
0x2fd: {  	p1 =	slt.u32 s26, $0x7C;
	v23 =	vmul.f32 v18, v4;
	v13 =	vadd.f32 v13, v8;
	v20 =	vmul.f32 v16, v5;
	v36 =	vld [tilespmem:s28+$0xFFFFFF20];
	[tilespmem:s24+$0x90] =	vst v32  }
0x2fe: {  	v29 =	vadd.f32 v29, v9;
	v21 =	vmul.f32 v24, v6;
	v16 =	vmul.f32 v27, v7;
	v33 =	vld [tilespmem:s28+$0xFFFFFF30];
	[tilespmem:s25+$0xA0] =	vst v15;
	s25 =	smov.u32 s24  }
0x2ff: {  	v18 =	vmul.f32 v28, v4;
	v32 =	vadd.f32 v17, v14;
	v15 =	vmul.f32 v30, v5;
	v24 =	vld [tilespmem:s28+$0xFFFFFF80];
	[tilespmem:s24+$0xFFFFFF00] =	vst v13  }
0x300: {  	v37 =	vmul.f32 v14, v14;
	v38 =	vmul.f32 v17, v17;
	v27 =	vld [tilespmem:s28+$0xFFFFFF90];
	v13 =	vadd.f32 v26, v19;
	[tilespmem:s24+$0xFFFFFF10] =	vst v29  }
0x301: {  	v31 =	vadd.f32 v31, v10;
	v39 =	vmul.f32 v19, v19;
	v40 =	vmul.f32 v26, v26;
	v28 =	vld [tilespmem:s28+$0xFFFFFFA0]  }
0x302: {  	v41 =	vmul.f32 v35, v35;
	v42 =	vmul.f32 v36, v36;
	v29 =	vld [tilespmem:s28+$0xFFFFFFB0];
	v43 =	vadd.f32 v13, v32  }
0x303: {  	v37 =	vadd.f32 v38, v37;
	v38 =	vadd.f32 v40, v39;
	v44 =	vmul.f32 v33, v33;
	v30 =	vld [tilespmem:s28+$0x0];
	[tilespmem:s24+$0xFFFFFF20] =	vst v31  }
0x304: {  	v13 =	vmul.f32 v34, v6;
	v39 =	vadd.f32 v33, v36;
	v40 =	vmul.f32 v24, v24;
	v31 =	vld [tilespmem:s28+$0x10]  }
0x305: {  	v37 =	vadd.f32 v38, v37;
	v46 =	vperm.xlane v43, v0;
	v45 =	vadd.f32 v27, v24;
	v32 =	vld [tilespmem:s28+$0x20]  }
0x306: {  	v42 =	vadd.f32 v44, v42;
	v44 =	vmul.f32 v27, v27;
	v47 =	vmul.f32 v28, v28;
	v34 =	vld [tilespmem:s28+$0x30]  }
0x307: {  	v43 =	vadd.f32 v43, v46;
	v46 =	vperm.xlane v37, v0;
	v38 =	vld [tilespmem:s28+$0xFFFFFF00];
	v48 =	vadd.f32 v29, v28  }
0x308: {  	v40 =	vadd.f32 v44, v40;
	v44 =	vmul.f32 v29, v29;
	v49 =	vmul.f32 v30, v30  }
0x309: {  	v37 =	vadd.f32 v37, v46;
	v46 =	vperm.xlane v43, v1;
	v50 =	vadd.f32 v31, v30  }
0x30a: {  	v45 =	vadd.f32 v48, v45;
	v48 =	vmul.f32 v31, v31;
	v51 =	vmul.f32 v32, v32  }
0x30b: {  	v43 =	vadd.f32 v46, v43;
	v46 =	vperm.xlane v37, v1;
	v52 =	vadd.f32 v34, v32  }
0x30c: {  	v55 =	vmul.f32 v34, v34;
	v53 =	vadd.f32 v35, v38;
	v54 =	vmul.f32 v38, v38  }
0x30d: {  	v44 =	vadd.f32 v44, v47;
	v37 =	vadd.f32 v46, v37;
	v46 =	vperm.xlane v43, v2  }
0x30e: {  	v47 =	vperm.xlane v45, v0;
	v39 =	vadd.f32 v39, v53;
	v41 =	vadd.f32 v41, v54  }
0x30f: {  	v50 =	vadd.f32 v52, v50;
	v43 =	vadd.f32 v46, v43;
	v46 =	vperm.xlane v37, v2  }
0x310: {  	v48 =	vadd.f32 v48, v49;
	v49 =	vadd.f32 v55, v51;
	v52 =	vperm.xlane v39, v0  }
0x311: {  	v41 =	vadd.f32 v42, v41;
	v37 =	vadd.f32 v46, v37;
	v42 =	vperm.xlane v43, v3  }
0x312: {  	v40 =	vadd.f32 v44, v40;
	v44 =	vadd.f32 v49, v48;
	v46 =	vperm.xlane v50, v0  }
0x313: {  	v39 =	vadd.f32 v39, v52;
	v42 =	vadd.f32 v42, v43;
	v43 =	vperm.xlane v37, v3  }
0x314: {  	v45 =	vadd.f32 v45, v47;
	v47 =	vperm.xlane v40, v0;
	v48 =	vperm.xlane v41, v0  }
0x315: {  	v46 =	vadd.f32 v50, v46;
	v43 =	vadd.f32 v43, v37;
	v37 =	vmul.f32 $1.562500000e-02, v42  }
0x316: {  	v41 =	vadd.f32 v41, v48;
	v42 =	vperm.xlane v39, v1;
	v48 =	vperm.xlane v44, v0  }
0x317: {  	v40 =	vadd.f32 v40, v47;
	v43 =	vmul.f32 $1.562500000e-02, v43;
	v47 =	vmul.f32 v37, v37  }
0x318: {  	v49 =	vperm.xlane v45, v1;
	v44 =	vadd.f32 v44, v48;
	v48 =	vperm.xlane v46, v1  }
0x319: {  	v39 =	vadd.f32 v42, v39;
	v42 =	vperm.xlane v41, v1;
	v43 =	vsub.f32 v43, v47  }
0x31a: {  	v45 =	vadd.f32 v49, v45;
	v47 =	vperm.xlane v40, v1;
	v46 =	vadd.f32 v48, v46  }
0x31b: {  	v41 =	vadd.f32 v42, v41;
	v42 =	vperm.xlane v44, v1;
	v43 =	vadd.f32 $9.999999740e-06, v43  }
0x31c: {  	v48 =	vperm.xlane v39, v2;
	v40 =	vadd.f32 v47, v40;
	v47 =	vperm.xlane v45, v2  }
0x31d: {  	v42 =	vadd.f32 v42, v44;
	v44 =	vshra.s32 v43, $0x1;
	v43 =	vmul.f32 $5.000000000e-01, v43  }
0x31e: {  	v39 =	vadd.f32 v48, v39;
	v48 =	vperm.xlane v46, v2;
	v44 =	vsub.s32 $0x5F3759DF, v44  }
0x31f: {  	v49 =	vperm.xlane v41, v2;
	v45 =	vadd.f32 v47, v45;
	v47 =	vmul.f32 v44, v43  }
0x320: {  	v50 =	vperm.xlane v40, v2;
	v46 =	vadd.f32 v48, v46;
	v48 =	vperm.xlane v42, v2  }
0x321: {  	v41 =	vadd.f32 v49, v41;
	v49 =	vperm.xlane v39, v3;
	v47 =	vmul.f32 v44, v47  }
0x322: {  	v40 =	vadd.f32 v50, v40;
	v50 =	vperm.xlane v45, v3;
	v42 =	vadd.f32 v48, v42  }
0x323: {  	v39 =	vadd.f32 v49, v39;
	v48 =	vperm.xlane v46, v3;
	v47 =	vsub.f32 $1.500000000e+00, v47  }
0x324: {  	v49 =	vperm.xlane v41, v3;
	v45 =	vadd.f32 v50, v45;
	v50 =	vperm.xlane v40, v3  }
0x325: {  	v46 =	vadd.f32 v48, v46;
	v48 =	vperm.xlane v42, v3;
	v44 =	vmul.f32 v44, v47  }
0x326: {  	v41 =	vadd.f32 v49, v41;
	v39 =	vmul.f32 $1.562500000e-02, v39;
	v40 =	vadd.f32 v50, v40  }
0x327: {  	v45 =	vmul.f32 $1.562500000e-02, v45;
	v42 =	vadd.f32 v48, v42;
	v43 =	vmul.f32 v44, v43  }
0x328: {  	v41 =	vmul.f32 $1.562500000e-02, v41;
	v38 =	vsub.f32 v38, v39;
	v46 =	vmul.f32 $1.562500000e-02, v46  }
0x329: {  	v35 =	vsub.f32 v35, v39;
	v47 =	vmul.f32 v39, v39;
	v43 =	vmul.f32 v43, v44  }
0x32a: {  	v48 =	vsub.f32 v36, v39;
	v36 =	vmul.f32 $1.562500000e-02, v40;
	v40 =	vmul.f32 v45, v45  }
0x32b: {  	v42 =	vmul.f32 $1.562500000e-02, v42;
	v49 =	vmul.f32 v46, v46;
	v43 =	vsub.f32 $1.500000000e+00, v43  }
0x32c: {  	v25 =	vmul.f32 v25, v7;
	v41 =	vsub.f32 v41, v47;
	v36 =	vsub.f32 v36, v40  }
0x32d: {  	v26 =	vsub.f32 v26, v37;
	v40 =	vsub.f32 v42, v49;
	v42 =	vmul.f32 v43, v44  }
0x32e: {  	v41 =	vadd.f32 $9.999999740e-06, v41;
	v43 =	vadd.f32 $9.999999740e-06, v36;
	v36 =	vmul.f32 v12, v6  }
0x32f: {  	v39 =	vsub.f32 v33, v39;
	v12 =	vadd.f32 $9.999999740e-06, v40;
	v26 =	vmul.f32 v42, v26  }
0x330: {  	v33 =	vshra.s32 v41, $0x1;
	v40 =	vmul.f32 $5.000000000e-01, v41;
	v41 =	vshra.s32 v43, $0x1  }
0x331: {  	v43 =	vmul.f32 $5.000000000e-01, v43;
	v44 =	vshra.s32 v12, $0x1;
	v26 =	vmul.f32 v26, v7  }
0x332: {  	v33 =	vsub.s32 $0x5F3759DF, v33;
	v12 =	vmul.f32 $5.000000000e-01, v12;
	v41 =	vsub.s32 $0x5F3759DF, v41  }
0x333: {  	v47 =	vmul.f32 v33, v40;
	v44 =	vsub.s32 $0x5F3759DF, v44;
	v26 =	vadd.f32 v26, v11  }
0x334: {  	s24 =	sadd.s32 $0x200, s24;
	v50 =	vsub.f32 v24, v45;
	v49 =	vmul.f32 v41, v43;
	v51 =	vmul.f32 v44, v12  }
0x335: {  	v52 =	vsub.f32 v27, v45;
	v24 =	vsub.f32 v28, v45;
	v47 =	vmul.f32 v33, v47;
	[tilespmem:s24+$0xB0] =	vst v26  }
0x336: {  	v27 =	vsub.f32 v29, v45;
	v29 =	vmul.f32 v44, v51;
	v26 =	vmul.f32 v41, v49  }
0x337: {  	v28 =	vsub.f32 v30, v46;
	v45 =	vsub.f32 $1.500000000e+00, v47  }
0x338: {  	v47 =	vsub.f32 $1.500000000e+00, v29;
	v26 =	vsub.f32 $1.500000000e+00, v26  }
0x339: {  	v30 =	vsub.f32 v31, v46;
	v33 =	vmul.f32 v33, v45;
	v29 =	vsub.f32 v32, v46  }
0x33a: {  	v32 =	vmul.f32 v44, v47;
	v31 =	vmul.f32 v41, v26;
	v26 =	vsub.f32 v34, v46  }
0x33b: {  	v14 =	vsub.f32 v14, v37;
	v17 =	vsub.f32 v17, v37;
	v34 =	vmul.f32 v33, v40  }
0x33c: {  	v19 =	vsub.f32 v19, v37;
	v12 =	vmul.f32 v32, v12;
	v40 =	vmul.f32 v31, v43  }
0x33d: {  	v22 =	vadd.f32 v22, v11;
	v14 =	vmul.f32 v42, v14;
	v34 =	vmul.f32 v34, v33  }
0x33e: {  	v41 =	vadd.f32 v23, v8;
	v37 =	vmul.f32 v40, v31;
	v40 =	vmul.f32 v12, v32  }
0x33f: {  	v17 =	vmul.f32 v42, v17;
	v34 =	vsub.f32 $1.500000000e+00, v34;
	v12 =	vmul.f32 v42, v19;
	[tilespmem:s25+$0xFFFFFF30] =	vst v22  }
0x340: {  	v23 =	vmul.f32 v14, v4;
	v19 =	vsub.f32 $1.500000000e+00, v37;
	v37 =	vsub.f32 $1.500000000e+00, v40;
	[tilespmem:s25+$0xFFFFFF80] =	vst v41  }
.Ltmp7:
0x341: {  	v14 =	vmul.f32 v34, v33;
	v22 =	vmul.f32 v17, v5;
	v34 =	vadd.f32 v20, v9;
	(pc) =	sbr.rel @p1 .LBB2_11-.Ltmp7, $4  }
0x342: {  	v17 =	vmul.f32 v19, v31;
	v20 =	vmul.f32 v37, v32;
	v19 =	vadd.f32 v21, v10  }
0x343: {  	v33 =	vmul.f32 v14, v38;
	v32 =	vmul.f32 v14, v35;
	[tilespmem:s25+$0xFFFFFF90] =	vst v34;
	v34 =	vadd.f32 v16, v11  }
0x344: {  	v31 =	vmul.f32 v14, v48;
	v21 =	vmul.f32 v14, v39;
	[tilespmem:s25+$0xFFFFFFA0] =	vst v19;
	v19 =	vadd.f32 v18, v8  }
0x345: {  	v15 =	vadd.f32 v15, v9;
	s28 =	sadd.s32 $0x200, s28;
	v16 =	vmul.f32 v17, v52;
	v18 =	vmul.f32 v17, v50;
	[tilespmem:s25+$0xFFFFFFB0] =	vst v34  }
0x346: {  	[tilespmem:s25+$0x0] =	vst v19;
	v13 =	vadd.f32 v13, v10  }
0x347: {  	v14 =	vadd.f32 v25, v11;
	[tilespmem:s25+$0x10] =	vst v15  }
0x348: {  	v19 =	vadd.f32 v22, v9;
	v12 =	vmul.f32 v12, v6;
	[tilespmem:s25+$0x20] =	vst v13  }
0x349: {  	v15 =	vadd.f32 v23, v8;
	[tilespmem:s25+$0x30] =	vst v14  }
0x34a: {  	v13 =	vmul.f32 v33, v4;
	[tilespmem:s24+$0x90] =	vst v19;
	v12 =	vadd.f32 v12, v10  }
0x34b: {  	v14 =	vmul.f32 v32, v5;
	[tilespmem:s24+$0x80] =	vst v15;
	v15 =	vadd.f32 v36, v10  }
0x34c: {  	v22 =	vmul.f32 v31, v6;
	v13 =	vadd.f32 v13, v8;
	[tilespmem:s24+$0xA0] =	vst v12  }
0x34d: {  	v19 =	vmul.f32 v21, v7;
	v14 =	vadd.f32 v14, v9;
	[tilespmem:s25+$0xA0] =	vst v15  }
0x34e: {  	v18 =	vmul.f32 v18, v4;
	v15 =	vmul.f32 v17, v24;
	[tilespmem:s24+$0xFFFFFF00] =	vst v13;
	v13 =	vadd.f32 v22, v10  }
0x34f: {  	v16 =	vmul.f32 v16, v5;
	v17 =	vmul.f32 v17, v27;
	[tilespmem:s24+$0xFFFFFF10] =	vst v14;
	v14 =	vadd.f32 v19, v11  }
0x350: {  	v19 =	vmul.f32 v20, v28;
	v15 =	vmul.f32 v15, v6;
	[tilespmem:s24+$0xFFFFFF20] =	vst v13;
	v13 =	vadd.f32 v18, v8  }
0x351: {  	v17 =	vmul.f32 v17, v7;
	v18 =	vmul.f32 v20, v30;
	[tilespmem:s24+$0xFFFFFF30] =	vst v14;
	v14 =	vadd.f32 v16, v9  }
0x352: {  	v16 =	vmul.f32 v20, v29;
	v19 =	vmul.f32 v19, v4;
	[tilespmem:s24+$0xFFFFFF80] =	vst v13;
	v13 =	vadd.f32 v15, v10  }
0x353: {  	v15 =	vmul.f32 v20, v26;
	v18 =	vmul.f32 v18, v5;
	[tilespmem:s24+$0xFFFFFF90] =	vst v14;
	v14 =	vadd.f32 v17, v11  }
0x354: {  	v16 =	vmul.f32 v16, v6;
	[tilespmem:s24+$0xFFFFFFA0] =	vst v13;
	v13 =	vadd.f32 v19, v8  }
0x355: {  	v15 =	vmul.f32 v15, v7;
	[tilespmem:s24+$0xFFFFFFB0] =	vst v14;
	v14 =	vadd.f32 v18, v9  }
0x356: {  	[tilespmem:s24+$0x0] =	vst v13;
	v13 =	vadd.f32 v16, v10  }
0x357: {  	s26 =	sadd.s32 s23, s10;
	[tilespmem:s24+$0x10] =	vst v14;
	v14 =	vadd.f32 v15, v11  }
0x358: {  	s25 =	sshll.u32 s26, $0x4;
	[tilespmem:s24+$0x20] =	vst v13  }
0x359: {  	s26 =	sadd.s32 s6, s25;
	[tilespmem:s24+$0x30] =	vst v14  }
0x35a: {  	[hbm4b:s26+s4] =	stream.linear.scatter [tilespmem:s0], [sflag:$0x5], $0x4000, $0x38;
	[tilespmem:$0x1E500] =	vst v63  }
0x35b: {  	s25 =	simm.s32 @!p0 $0x40;
	s24 =	sadd.s32 @!p0 $0x300, s23;
	s26 =	simm.s32 @!p0 $0xE400  }
0x35c: {  	[tilespmem:s26], [sflag:$0x3] =	stream.indirect.gather @!p0 [hbm4b:s5+s25], $0x80, s24, s25, $0xb8;
	[tilespmem:$0x1E500] =	vst v63  }
0x35d: {  	s24 =	sadd.s32 @!p0 $0x340, s23;
	s26 =	simm.s32 @!p0 $0x10400  }
0x35e: {  	[tilespmem:s26], [sflag:$0x3] =	stream.indirect.gather @!p0 [hbm4b:s5+s25], $0x80, s24, s25, $0xb8;
	[tilespmem:$0x1E500] =	vst v63  }
0x35f: {  	_ =	swait.ge [sflag:s20], $0x4000  }
0x360: {  	[sflag:s20] =	ssyncset.done $0x0  }
0x361: {  	[sflag:s20] =	ssyncadd.s32 $0xFFFFC000  }
0x362: {  	_ =	swait.ge [sflag:s3], $0x4000  }
0x363: {  	[sflag:s3] =	ssyncset.done $0x0  }
0x364: {  	s25 =	simm.s32 $0x12500;
	[sflag:s3] =	ssyncadd.s32 $0xFFFFC000  }
0x365: {  	v16 =	vld [tilespmem:s25+$0x80]  }
0x366: {  	v14 =	vld [tilespmem:s25+$0x90]  }
0x367: {  	v15 =	vld [tilespmem:s25+$0xA0]  }
0x368: {  	v26 =	vld [tilespmem:s25+$0xB0]  }
0x369: {  	v25 =	vld [tilespmem:s25+$0xFFFFFF10]  }
0x36a: {  	v24 =	vld [tilespmem:s25+$0xFFFFFF20]  }
0x36b: {  	v12 =	vld [tilespmem:s25+$0xFFFFFF30]  }
0x36c: {  	v23 =	vld [tilespmem:s25+$0xFFFFFF80]  }
0x36d: {  	v22 =	vld [tilespmem:s25+$0xFFFFFF90]  }
0x36e: {  	v17 =	vld [tilespmem:s25+$0xFFFFFFA0]  }
0x36f: {  	v19 =	vld [tilespmem:s25+$0xFFFFFFB0];
	_ =	sdelay $0x1  }
0x370: {  	v13 =	vadd.f32 v14, v16;
	v21 =	vmul.f32 v16, v16;
	v27 =	vmul.f32 v14, v14  }
0x371: {  	v18 =	vadd.f32 v26, v15;
	v28 =	vmul.f32 v15, v15;
	v29 =	vmul.f32 v26, v26  }
0x372: {  	v31 =	vmul.f32 v25, v25;
	v59 =	vadd.f32 v12, v24;
	v61 =	vadd.f32 v22, v23  }
0x373: {  	v20 =	vld [tilespmem:s25+$0x0];
	v60 =	vmul.f32 v23, v23;
	v38 =	vadd.f32 v19, v17;
	v30 =	vadd.f32 v18, v13  }
0x374: {  	v37 =	vmul.f32 v17, v17;
	v13 =	vadd.f32 v27, v21;
	v27 =	vadd.f32 v29, v28;
	v21 =	vld [tilespmem:s25+$0x10]  }
0x375: {  	v28 =	vmul.f32 v24, v24;
	v29 =	vmul.f32 v12, v12;
	v18 =	vld [tilespmem:s25+$0x20];
	v36 =	vadd.f32 v38, v61  }
0x376: {  	v63 =	vmul.f32 v19, v19;
	v34 =	vadd.f32 v27, v13;
	v35 =	vperm.xlane v30, v0;
	v13 =	vld [tilespmem:s25+$0x30]  }
0x377: {  	v28 =	vadd.f32 v29, v28;
	v29 =	vmul.f32 v22, v22;
	v27 =	vld [tilespmem:s25+$0xFFFFFF00];
	v54 =	vperm.xlane v36, v0  }
0x378: {  	v39 =	vmul.f32 v20, v20;
	v33 =	vadd.f32 v63, v37;
	v30 =	vadd.f32 v30, v35  }
0x379: {  	v62 =	vperm.xlane v34, v0;
	v29 =	vadd.f32 v29, v60;
	v36 =	vadd.f32 v36, v54  }
0x37a: {  	v40 =	vadd.f32 v21, v20;
	v49 =	vmul.f32 v21, v21;
	v41 =	vmul.f32 v18, v18  }
0x37b: {  	v34 =	vadd.f32 v34, v62;
	v48 =	vperm.xlane v30, v1;
	v29 =	vadd.f32 v33, v29  }
0x37c: {  	v42 =	vadd.f32 v13, v18;
	v43 =	vadd.f32 v25, v27;
	v44 =	vmul.f32 v27, v27  }
0x37d: {  	v52 =	vmul.f32 v13, v13;
	v38 =	vadd.f32 v49, v39;
	v30 =	vadd.f32 v48, v30  }
0x37e: {  	v50 =	vperm.xlane v34, v1;
	v32 =	vadd.f32 v59, v43;
	v31 =	vadd.f32 v31, v44  }
0x37f: {  	v61 =	vperm.xlane v29, v0;
	v40 =	vadd.f32 v42, v40;
	v37 =	vadd.f32 v52, v41  }
0x380: {  	v44 =	vperm.xlane v36, v1;
	v34 =	vadd.f32 v50, v34;
	v51 =	vperm.xlane v30, v2  }
0x381: {  	v29 =	vadd.f32 v29, v61;
	v28 =	vadd.f32 v28, v31;
	v56 =	vperm.xlane v32, v0  }
0x382: {  	v57 =	vadd.f32 v37, v38;
	v58 =	vperm.xlane v40, v0;
	v36 =	vadd.f32 v44, v36  }
0x383: {  	v30 =	vadd.f32 v51, v30;
	v53 =	vperm.xlane v34, v2;
	v47 =	vperm.xlane v29, v1  }
0x384: {  	v32 =	vadd.f32 v32, v56;
	v60 =	vperm.xlane v28, v0;
	v62 =	vadd.f32 v40, v58  }
0x385: {  	v42 =	vperm.xlane v57, v0;
	v50 =	vperm.xlane v36, v2;
	v31 =	vadd.f32 v53, v34  }
0x386: {  	v55 =	vperm.xlane v30, v3;
	v29 =	vadd.f32 v47, v29;
	v63 =	vperm.xlane v32, v1  }
0x387: {  	v28 =	vadd.f32 v28, v60;
	v33 =	vadd.f32 v57, v42;
	v45 =	vperm.xlane v62, v1  }
0x388: {  	v36 =	vadd.f32 v50, v36;
	v30 =	vadd.f32 v55, v30;
	v59 =	vperm.xlane v31, v3  }
0x389: {  	v55 =	vperm.xlane v29, v2;
	v32 =	vadd.f32 v63, v32;
	v46 =	vperm.xlane v28, v1  }
0x38a: {  	v34 =	vadd.f32 v45, v62;
	v48 =	vperm.xlane v33, v1;
	v58 =	vperm.xlane v36, v3  }
0x38b: {  	v31 =	vadd.f32 v59, v31;
	v30 =	vmul.f32 $1.562500000e-02, v30;
	v29 =	vadd.f32 v55, v29  }
0x38c: {  	v28 =	vadd.f32 v46, v28;
	v49 =	vperm.xlane v32, v2;
	v33 =	vadd.f32 v48, v33  }
0x38d: {  	v52 =	vperm.xlane v34, v2;
	v36 =	vadd.f32 v58, v36;
	v31 =	vmul.f32 $1.562500000e-02, v31  }
0x38e: {  	v43 =	vmul.f32 v30, v30;
	v61 =	vperm.xlane v29, v3;
	v32 =	vadd.f32 v49, v32  }
0x38f: {  	v53 =	vperm.xlane v28, v2;
	v34 =	vadd.f32 v52, v34;
	v56 =	vperm.xlane v33, v2  }
0x390: {  	v36 =	vmul.f32 $1.562500000e-02, v36;
	v31 =	vsub.f32 v31, v43;
	v29 =	vadd.f32 v61, v29  }
0x391: {  	v28 =	vadd.f32 v53, v28;
	v57 =	vperm.xlane v32, v3;
	v33 =	vadd.f32 v56, v33  }
0x392: {  	v60 =	vperm.xlane v34, v3;
	v43 =	vmul.f32 v36, v36;
	v31 =	vadd.f32 $9.999999740e-06, v31  }
0x393: {  	v29 =	vmul.f32 $1.562500000e-02, v29;
	v32 =	vadd.f32 v57, v32;
	v59 =	vperm.xlane v28, v3  }
0x394: {  	v62 =	vperm.xlane v33, v3;
	v51 =	vshra.s32 v31, $0x1;
	v31 =	vmul.f32 $5.000000000e-01, v31  }
0x395: {  	v34 =	vadd.f32 v60, v34;
	v38 =	vsub.s32 $0x5F3759DF, v51;
	v28 =	vadd.f32 v59, v28  }
0x396: {  	v32 =	vmul.f32 $1.562500000e-02, v32;
	v54 =	vmul.f32 v38, v31  }
0x397: {  	v33 =	vadd.f32 v62, v33;
	v34 =	vmul.f32 $1.562500000e-02, v34;
	v28 =	vmul.f32 $1.562500000e-02, v28  }
0x398: {  	v29 =	vsub.f32 v29, v43;
	v42 =	vmul.f32 v32, v32;
	v37 =	vmul.f32 v38, v54  }
0x399: {  	v33 =	vmul.f32 $1.562500000e-02, v33;
	v44 =	vmul.f32 v34, v34  }
0x39a: {  	v29 =	vadd.f32 $9.999999740e-06, v29;
	v37 =	vsub.f32 $1.500000000e+00, v37  }
0x39b: {  	v28 =	vsub.f32 v28, v42;
	v33 =	vsub.f32 v33, v44  }
0x39c: {  	v63 =	vmul.f32 v38, v37  }
0x39d: {  	v46 =	vshra.s32 v29, $0x1;
	v28 =	vadd.f32 $9.999999740e-06, v28;
	v33 =	vadd.f32 $9.999999740e-06, v33  }
0x39e: {  	v29 =	vmul.f32 $5.000000000e-01, v29;
	v38 =	vsub.s32 $0x5F3759DF, v46;
	v31 =	vmul.f32 v63, v31  }
0x39f: {  	v45 =	vshra.s32 v28, $0x1;
	v28 =	vmul.f32 $5.000000000e-01, v28;
	v47 =	vshra.s32 v33, $0x1  }
0x3a0: {  	v33 =	vmul.f32 $5.000000000e-01, v33;
	v37 =	vsub.s32 $0x5F3759DF, v45;
	v31 =	vmul.f32 v31, v63  }
0x3a1: {  	v49 =	vmul.f32 v38, v29;
	v39 =	vsub.s32 $0x5F3759DF, v47;
	v48 =	vmul.f32 v37, v28  }
0x3a2: {  	v50 =	vmul.f32 v39, v33;
	v31 =	vsub.f32 $1.500000000e+00, v31  }
0x3a3: {  	v51 =	vmul.f32 v38, v49;
	v40 =	vmul.f32 v37, v48  }
0x3a4: {  	v26 =	vsub.f32 v26, v30;
	v52 =	vmul.f32 v39, v50;
	v31 =	vmul.f32 v31, v63  }
0x3a5: {  	v35 =	vsub.f32 $1.500000000e+00, v51;
	v40 =	vsub.f32 $1.500000000e+00, v40  }
0x3a6: {  	v16 =	vsub.f32 v16, v30;
	v41 =	vsub.f32 $1.500000000e+00, v52;
	v26 =	vmul.f32 v31, v26  }
0x3a7: {  	v27 =	vsub.f32 v27, v32;
	v35 =	vmul.f32 v38, v35;
	v37 =	vmul.f32 v37, v40  }
0x3a8: {  	s26 =	simm.s32 $0x12700;
	v25 =	vsub.f32 v25, v32;
	v53 =	vmul.f32 v39, v41;
	v26 =	vmul.f32 v26, v7  }
0x3a9: {  	v24 =	vsub.f32 v24, v32;
	v41 =	vmul.f32 v31, v16;
	v16 =	vld [tilespmem:s26+$0xA0];
	v28 =	vmul.f32 v37, v28  }
0x3aa: {  	v32 =	vsub.f32 v12, v32;
	v12 =	vadd.f32 v26, v11;
	v26 =	vmul.f32 v35, v29  }
0x3ab: {  	v28 =	vmul.f32 v28, v37;
	v29 =	vmul.f32 v53, v33  }
0x3ac: {  	v54 =	vsub.f32 v22, v36;
	v41 =	vmul.f32 v41, v4;
	v22 =	vmul.f32 v26, v35  }
0x3ad: {  	v28 =	vsub.f32 $1.500000000e+00, v28;
	v26 =	vsub.f32 v14, v30;
	v29 =	vmul.f32 v29, v53  }
0x3ae: {  	v46 =	vmul.f32 v16, v16;
	v14 =	vld [tilespmem:s26+$0x80];
	v30 =	vsub.f32 v15, v30;
	v22 =	vsub.f32 $1.500000000e+00, v22  }
0x3af: {  	v15 =	vld [tilespmem:s26+$0x90];
	v42 =	vmul.f32 v31, v26;
	v26 =	vsub.f32 $1.500000000e+00, v29;
	v29 =	vmul.f32 v28, v37  }
0x3b0: {  	v55 =	vsub.f32 v17, v36;
	v17 =	vmul.f32 v31, v30;
	v30 =	vmul.f32 v22, v35  }
0x3b1: {  	v23 =	vsub.f32 v23, v36;
	v35 =	vmul.f32 v26, v53;
	v38 =	vmul.f32 v29, v27  }
0x3b2: {  	v21 =	vsub.f32 v21, v34;
	v52 =	vld [tilespmem:s26+$0xFFFFFF00];
	v43 =	vmul.f32 v29, v25;
	v44 =	vmul.f32 v29, v24  }
0x3b3: {  	v18 =	vsub.f32 v18, v34;
	v28 =	vld [tilespmem:s26+$0xFFFFFF10];
	v45 =	vmul.f32 v29, v32;
	v42 =	vmul.f32 v42, v5  }
0x3b4: {  	v31 =	vsub.f32 v19, v36;
	v19 =	vld [tilespmem:s26+$0xFFFFFF80];
	v56 =	vmul.f32 v14, v14;
	v57 =	vmul.f32 v15, v15  }
0x3b5: {  	v22 =	vld [tilespmem:s26+$0xB0];
	v26 =	vsub.f32 v20, v34;
	v40 =	vmul.f32 v30, v23;
	v39 =	vmul.f32 v30, v54  }
0x3b6: {  	v29 =	vld [tilespmem:s26+$0xFFFFFF20];
	v34 =	vsub.f32 v13, v34;
	v36 =	vmul.f32 v30, v55;
	v32 =	vmul.f32 v30, v31  }
0x3b7: {  	v27 =	vld [tilespmem:s26+$0xFFFFFF30];
	v31 =	vmul.f32 v35, v26;
	v30 =	vmul.f32 v35, v21  }
0x3b8: {  	v20 =	vld [tilespmem:s26+$0xFFFFFF90];
	v23 =	vadd.f32 v15, v14;
	v13 =	vmul.f32 v35, v18;
	v34 =	vmul.f32 v35, v34  }
0x3b9: {  	v24 =	vld [tilespmem:s26+$0xFFFFFFA0];
	v38 =	vmul.f32 v38, v4;
	v35 =	vadd.f32 v42, v9;
	v44 =	vmul.f32 v44, v6  }
0x3ba: {  	v21 =	vld [tilespmem:s26+$0x0];
	v37 =	vmul.f32 v28, v28;
	v50 =	vmul.f32 v19, v19;
	v25 =	vadd.f32 v22, v16  }
0x3bb: {  	v18 =	vld [tilespmem:s26+$0x10];
	v38 =	vadd.f32 v38, v8;
	v47 =	vmul.f32 v22, v22;
	v59 =	vmul.f32 v29, v29  }
0x3bc: {  	v48 =	vmul.f32 v27, v27;
	v49 =	vadd.f32 v27, v29;
	v26 =	vadd.f32 v25, v23;
	v25 =	vld [tilespmem:s26+$0xFFFFFFB0]  }
0x3bd: {  	v61 =	vmul.f32 v20, v20;
	v23 =	vadd.f32 v57, v56;
	v58 =	vadd.f32 v47, v46  }
0x3be: {  	v40 =	vmul.f32 v40, v4;
	v51 =	vadd.f32 v20, v19;
	v46 =	vadd.f32 v48, v59  }
0x3bf: {  	v48 =	vadd.f32 v61, v50;
	v33 =	vadd.f32 v58, v23;
	v60 =	vperm.xlane v26, v0  }
0x3c0: {  	v54 =	vmul.f32 v24, v24;
	v56 =	vadd.f32 v18, v21;
	v23 =	vld [tilespmem:s26+$0x20];
	v58 =	vadd.f32 v28, v52  }
0x3c1: {  	v47 =	vadd.f32 v26, v60;
	v53 =	vperm.xlane v33, v0;
	v26 =	vld [tilespmem:s26+$0x30];
	v55 =	vadd.f32 v25, v24  }
0x3c2: {  	v59 =	vmul.f32 v52, v52;
	v49 =	vadd.f32 v49, v58;
	v63 =	vmul.f32 v25, v25  }
0x3c3: {  	v33 =	vadd.f32 v33, v53;
	v62 =	vperm.xlane v47, v1;
	v51 =	vadd.f32 v55, v51  }
0x3c4: {  	v50 =	vadd.f32 v63, v54;
	v54 =	vadd.f32 v37, v59;
	v63 =	vmul.f32 v18, v18  }
0x3c5: {  	v37 =	vadd.f32 v41, v8;
	v41 =	vmul.f32 v43, v5;
	v47 =	vadd.f32 v62, v47  }
0x3c6: {  	v57 =	vperm.xlane v33, v1;
	v62 =	vmul.f32 v21, v21;
	v60 =	vadd.f32 v26, v23  }
0x3c7: {  	v58 =	vperm.xlane v51, v0;
	v48 =	vadd.f32 v50, v48;
	v41 =	vadd.f32 v41, v9  }
0x3c8: {  	v53 =	vadd.f32 v57, v33;
	v61 =	vperm.xlane v47, v2;
	v57 =	vadd.f32 v63, v62  }
0x3c9: {  	v33 =	vmul.f32 v45, v7;
	v55 =	vadd.f32 v60, v56;
	v60 =	vmul.f32 v23, v23  }
0x3ca: {  	v56 =	vperm.xlane v49, v0;
	v47 =	vadd.f32 v61, v47;
	v61 =	vmul.f32 v26, v26  }
0x3cb: {  	v45 =	vadd.f32 v46, v54;
	v51 =	vadd.f32 v51, v58;
	v63 =	vperm.xlane v53, v2  }
0x3cc: {  	v39 =	vmul.f32 v39, v5;
	v46 =	vadd.f32 v49, v56;
	v62 =	vadd.f32 v61, v60  }
0x3cd: {  	v56 =	vmul.f32 v36, v6;
	v43 =	vadd.f32 v63, v53;
	v59 =	vperm.xlane v47, v3  }
0x3ce: {  	v61 =	vperm.xlane v55, v0;
	v63 =	vperm.xlane v48, v0;
	v42 =	vadd.f32 v62, v57  }
0x3cf: {  	v60 =	vperm.xlane v43, v3;
	v47 =	vadd.f32 v59, v47;
	v62 =	vperm.xlane v45, v0  }
0x3d0: {  	v49 =	vadd.f32 v55, v61;
	v57 =	vperm.xlane v46, v1;
	v48 =	vadd.f32 v48, v63  }
0x3d1: {  	v43 =	vadd.f32 v60, v43;
	v47 =	vmul.f32 $1.562500000e-02, v47;
	v58 =	vperm.xlane v42, v0  }
0x3d2: {  	v45 =	vadd.f32 v45, v62;
	v60 =	vperm.xlane v51, v1;
	v61 =	vperm.xlane v49, v1  }
0x3d3: {  	v46 =	vadd.f32 v57, v46;
	v63 =	vperm.xlane v48, v1;
	v42 =	vadd.f32 v42, v58  }
0x3d4: {  	v43 =	vmul.f32 $1.562500000e-02, v43;
	v51 =	vadd.f32 v60, v51;
	v49 =	vadd.f32 v61, v49  }
0x3d5: {  	v59 =	vmul.f32 v47, v47;
	v48 =	vadd.f32 v63, v48;
	v22 =	vsub.f32 v22, v47  }
0x3d6: {  	v62 =	vperm.xlane v45, v1;
	v14 =	vsub.f32 v14, v47;
	v15 =	vsub.f32 v15, v47  }
0x3d7: {  	v58 =	vperm.xlane v46, v2;
	v16 =	vsub.f32 v16, v47;
	v43 =	vsub.f32 v43, v59  }
0x3d8: {  	v57 =	vperm.xlane v42, v1;
	v45 =	vadd.f32 v62, v45;
	v59 =	vperm.xlane v51, v2  }
0x3d9: {  	v61 =	vperm.xlane v49, v2;
	v46 =	vadd.f32 v58, v46;
	v43 =	vadd.f32 $9.999999740e-06, v43  }
0x3da: {  	v63 =	vperm.xlane v48, v2;
	v42 =	vadd.f32 v57, v42;
	v62 =	vperm.xlane v45, v2  }
0x3db: {  	v51 =	vadd.f32 v59, v51;
	v60 =	vshra.s32 v43, $0x1;
	v43 =	vmul.f32 $5.000000000e-01, v43  }
0x3dc: {  	v49 =	vadd.f32 v61, v49;
	v59 =	vperm.xlane v46, v3;
	v50 =	vsub.s32 $0x5F3759DF, v60  }
0x3dd: {  	v48 =	vadd.f32 v63, v48;
	v58 =	vperm.xlane v42, v2;
	v57 =	vmul.f32 v50, v43  }
0x3de: {  	v45 =	vadd.f32 v62, v45;
	v46 =	vadd.f32 v59, v46;
	v61 =	vperm.xlane v49, v3  }
0x3df: {  	v60 =	vperm.xlane v51, v3;
	v42 =	vadd.f32 v58, v42;
	v55 =	vmul.f32 v50, v57  }
0x3e0: {  	v63 =	vperm.xlane v45, v3;
	v49 =	vadd.f32 v61, v49;
	v46 =	vmul.f32 $1.562500000e-02, v46  }
0x3e1: {  	v51 =	vadd.f32 v60, v51;
	v57 =	vperm.xlane v48, v3;
	v62 =	vsub.f32 $1.500000000e+00, v55  }
0x3e2: {  	v58 =	vperm.xlane v42, v3;
	v45 =	vadd.f32 v63, v45;
	v49 =	vmul.f32 $1.562500000e-02, v49  }
0x3e3: {  	v59 =	vmul.f32 v46, v46;
	v53 =	vsub.f32 v28, v46;
	v36 =	vmul.f32 v50, v62  }
0x3e4: {  	v51 =	vmul.f32 $1.562500000e-02, v51;
	v42 =	vadd.f32 v58, v42;
	v45 =	vmul.f32 $1.562500000e-02, v45  }
0x3e5: {  	v48 =	vadd.f32 v57, v48;
	v61 =	vmul.f32 v49, v49;
	v43 =	vmul.f32 v36, v43  }
0x3e6: {  	v60 =	vmul.f32 v51, v51;
	v50 =	vsub.f32 v52, v46;
	v42 =	vmul.f32 $1.562500000e-02, v42  }
0x3e7: {  	v28 =	vmul.f32 v43, v36;
	v43 =	vsub.f32 v29, v46;
	v29 =	vmul.f32 $1.562500000e-02, v48  }
0x3e8: {  	v62 =	vsub.f32 v45, v59;
	v45 =	vmul.f32 v31, v4;
	v31 =	vsub.f32 v42, v61  }
0x3e9: {  	v13 =	vmul.f32 v13, v6;
	v28 =	vsub.f32 $1.500000000e+00, v28;
	v29 =	vsub.f32 v29, v60  }
0x3ea: {  	v55 =	vmul.f32 v32, v7;
	v46 =	vsub.f32 v27, v46;
	v27 =	vadd.f32 $9.999999740e-06, v31  }
0x3eb: {  	v42 =	vmul.f32 v28, v36;
	v28 =	vadd.f32 $9.999999740e-06, v62;
	v29 =	vadd.f32 $9.999999740e-06, v29  }
0x3ec: {  	v26 =	vsub.f32 v26, v49;
	v48 =	vmul.f32 v30, v5;
	v60 =	vmul.f32 $5.000000000e-01, v27  }
0x3ed: {  	v30 =	vshra.s32 v28, $0x1;
	v31 =	vmul.f32 $5.000000000e-01, v28;
	v28 =	vshra.s32 v29, $0x1  }
0x3ee: {  	v32 =	vmul.f32 $5.000000000e-01, v29;
	v29 =	vshra.s32 v27, $0x1;
	v30 =	vsub.s32 $0x5F3759DF, v30  }
0x3ef: {  	v63 =	vsub.s32 $0x5F3759DF, v28;
	v61 =	vsub.s32 $0x5F3759DF, v29;
	v28 =	vmul.f32 v30, v31  }
0x3f0: {  	v58 =	vsub.f32 v19, v51;
	v29 =	vmul.f32 v63, v32;
	v19 =	vmul.f32 v61, v60  }
0x3f1: {  	v24 =	vsub.f32 v24, v51;
	v36 =	vmul.f32 v17, v6;
	v28 =	vmul.f32 v30, v28  }
0x3f2: {  	v59 =	vsub.f32 v20, v51;
	v29 =	vmul.f32 v63, v29;
	v19 =	vmul.f32 v61, v19  }
0x3f3: {  	v22 =	vmul.f32 v42, v22;
	v27 =	vsub.f32 v25, v51;
	v62 =	vsub.f32 $1.500000000e+00, v28  }
0x3f4: {  	v25 =	vmul.f32 v34, v7;
	v17 =	vsub.f32 $1.500000000e+00, v29;
	v19 =	vsub.f32 $1.500000000e+00, v19  }
0x3f5: {  	s25 =	simm.s32 $0x1A500;
	v22 =	vmul.f32 v22, v7;
	v28 =	vsub.f32 v21, v49;
	v21 =	vmul.f32 v30, v62  }
0x3f6: {  	[tilespmem:s25+$0xB0] =	vst v12;
	v30 =	vsub.f32 v18, v49;
	v17 =	vmul.f32 v63, v17;
	v18 =	vmul.f32 v61, v19  }
0x3f7: {  	[tilespmem:s25+$0x90] =	vst v35;
	v15 =	vmul.f32 v42, v15;
	v22 =	vadd.f32 v22, v11;
	v12 =	vmul.f32 v21, v31  }
0x3f8: {  	s24 =	simm.s32 $0x1A700;
	[tilespmem:s25+$0xFFFFFF00] =	vst v38;
	v29 =	vsub.f32 v23, v49;
	v19 =	vmul.f32 v17, v32;
	v23 =	vmul.f32 v18, v60  }
0x3f9: {  	v20 =	vadd.f32 v44, v10;
	[tilespmem:s24+$0xB0] =	vst v22;
	v22 =	vmul.f32 v15, v5;
	v12 =	vmul.f32 v12, v21  }
0x3fa: {  	[tilespmem:s25+$0x80] =	vst v37;
	v15 =	vadd.f32 v39, v9;
	v19 =	vmul.f32 v19, v17;
	v23 =	vmul.f32 v23, v18  }
0x3fb: {  	[tilespmem:s25+$0xFFFFFF20] =	vst v20;
	v14 =	vmul.f32 v42, v14;
	v63 =	vadd.f32 v40, v8;
	v20 =	vsub.f32 $1.500000000e+00, v12  }
0x3fc: {  	[tilespmem:s25+$0xFFFFFF10] =	vst v41;
	v12 =	vmul.f32 v42, v16;
	v16 =	vsub.f32 $1.500000000e+00, v19;
	v19 =	vsub.f32 $1.500000000e+00, v23  }
0x3fd: {  	[tilespmem:s25+$0xFFFFFF90] =	vst v15;
	v15 =	vadd.f32 v55, v11;
	v23 =	vmul.f32 v14, v4;
	v14 =	vmul.f32 v20, v21  }
0x3fe: {  	v31 =	vadd.f32 v33, v11;
	[tilespmem:s25+$0xFFFFFF80] =	vst v63;
	v17 =	vmul.f32 v16, v17;
	v20 =	vmul.f32 v19, v18  }
0x3ff: {  	[tilespmem:s25+$0xFFFFFFB0] =	vst v15;
	v16 =	vadd.f32 v56, v10;
	v33 =	vmul.f32 v14, v50;
	v32 =	vmul.f32 v14, v53  }
0x400: {  	[tilespmem:s25+$0xFFFFFF30] =	vst v31;
	v19 =	vadd.f32 v45, v8;
	v31 =	vmul.f32 v14, v43;
	v21 =	vmul.f32 v14, v46  }
0x401: {  	s28 =	simm.s32 $0x12900;
	s26 =	simm.s32 $0x4;
	v15 =	vadd.f32 v48, v9;
	[tilespmem:s25+$0xFFFFFFA0] =	vst v16;
	v18 =	vmul.f32 v17, v58;
	v16 =	vmul.f32 v17, v59  }
.LBB2_13:
0x402: {  	v14 =	vld [tilespmem:s28+$0x80];
	v24 =	vmul.f32 v17, v24;
	v27 =	vmul.f32 v17, v27;
	[tilespmem:s25+$0x0] =	vst v19;
	v13 =	vadd.f32 v13, v10  }
0x403: {  	v28 =	vmul.f32 v20, v28;
	v30 =	vmul.f32 v20, v30;
	v17 =	vld [tilespmem:s28+$0x90];
	[tilespmem:s25+$0x10] =	vst v15;
	v15 =	vadd.f32 v25, v11  }
0x404: {  	v34 =	vmul.f32 v20, v29;
	v25 =	vmul.f32 v20, v26;
	v20 =	vadd.f32 v23, v8;
	v19 =	vld [tilespmem:s28+$0xA0];
	[tilespmem:s25+$0x20] =	vst v13  }
0x405: {  	v29 =	vmul.f32 v32, v5;
	v32 =	vadd.f32 v22, v9;
	v13 =	vmul.f32 v33, v4;
	v26 =	vld [tilespmem:s28+$0xB0];
	[tilespmem:s25+$0x30] =	vst v15  }
0x406: {  	s26 =	sadd.s32 $0x4, s26;
	v31 =	vmul.f32 v31, v6;
	v22 =	vmul.f32 v21, v7;
	v15 =	vadd.f32 v36, v10;
	v35 =	vld [tilespmem:s28+$0xFFFFFF10];
	[tilespmem:s24+$0x80] =	vst v20  }
0x407: {  	p1 =	slt.u32 s26, $0x7C;
	v23 =	vmul.f32 v18, v4;
	v13 =	vadd.f32 v13, v8;
	v20 =	vmul.f32 v16, v5;
	v36 =	vld [tilespmem:s28+$0xFFFFFF20];
	[tilespmem:s24+$0x90] =	vst v32  }
0x408: {  	v29 =	vadd.f32 v29, v9;
	v21 =	vmul.f32 v24, v6;
	v16 =	vmul.f32 v27, v7;
	v33 =	vld [tilespmem:s28+$0xFFFFFF30];
	[tilespmem:s25+$0xA0] =	vst v15;
	s25 =	smov.u32 s24  }
0x409: {  	v18 =	vmul.f32 v28, v4;
	v32 =	vadd.f32 v17, v14;
	v15 =	vmul.f32 v30, v5;
	v24 =	vld [tilespmem:s28+$0xFFFFFF80];
	[tilespmem:s24+$0xFFFFFF00] =	vst v13  }
0x40a: {  	v37 =	vmul.f32 v14, v14;
	v38 =	vmul.f32 v17, v17;
	v27 =	vld [tilespmem:s28+$0xFFFFFF90];
	v13 =	vadd.f32 v26, v19;
	[tilespmem:s24+$0xFFFFFF10] =	vst v29  }
0x40b: {  	v31 =	vadd.f32 v31, v10;
	v39 =	vmul.f32 v19, v19;
	v40 =	vmul.f32 v26, v26;
	v28 =	vld [tilespmem:s28+$0xFFFFFFA0]  }
0x40c: {  	v41 =	vmul.f32 v35, v35;
	v42 =	vmul.f32 v36, v36;
	v29 =	vld [tilespmem:s28+$0xFFFFFFB0];
	v43 =	vadd.f32 v13, v32  }
0x40d: {  	v37 =	vadd.f32 v38, v37;
	v38 =	vadd.f32 v40, v39;
	v44 =	vmul.f32 v33, v33;
	v30 =	vld [tilespmem:s28+$0x0];
	[tilespmem:s24+$0xFFFFFF20] =	vst v31  }
0x40e: {  	v13 =	vmul.f32 v34, v6;
	v39 =	vadd.f32 v33, v36;
	v40 =	vmul.f32 v24, v24;
	v31 =	vld [tilespmem:s28+$0x10]  }
0x40f: {  	v37 =	vadd.f32 v38, v37;
	v46 =	vperm.xlane v43, v0;
	v45 =	vadd.f32 v27, v24;
	v32 =	vld [tilespmem:s28+$0x20]  }
0x410: {  	v42 =	vadd.f32 v44, v42;
	v44 =	vmul.f32 v27, v27;
	v47 =	vmul.f32 v28, v28;
	v34 =	vld [tilespmem:s28+$0x30]  }
0x411: {  	v43 =	vadd.f32 v43, v46;
	v46 =	vperm.xlane v37, v0;
	v38 =	vld [tilespmem:s28+$0xFFFFFF00];
	v48 =	vadd.f32 v29, v28  }
0x412: {  	v40 =	vadd.f32 v44, v40;
	v44 =	vmul.f32 v29, v29;
	v49 =	vmul.f32 v30, v30  }
0x413: {  	v37 =	vadd.f32 v37, v46;
	v46 =	vperm.xlane v43, v1;
	v50 =	vadd.f32 v31, v30  }
0x414: {  	v45 =	vadd.f32 v48, v45;
	v48 =	vmul.f32 v31, v31;
	v51 =	vmul.f32 v32, v32  }
0x415: {  	v43 =	vadd.f32 v46, v43;
	v46 =	vperm.xlane v37, v1;
	v52 =	vadd.f32 v34, v32  }
0x416: {  	v55 =	vmul.f32 v34, v34;
	v53 =	vadd.f32 v35, v38;
	v54 =	vmul.f32 v38, v38  }
0x417: {  	v44 =	vadd.f32 v44, v47;
	v37 =	vadd.f32 v46, v37;
	v46 =	vperm.xlane v43, v2  }
0x418: {  	v47 =	vperm.xlane v45, v0;
	v39 =	vadd.f32 v39, v53;
	v41 =	vadd.f32 v41, v54  }
0x419: {  	v50 =	vadd.f32 v52, v50;
	v43 =	vadd.f32 v46, v43;
	v46 =	vperm.xlane v37, v2  }
0x41a: {  	v48 =	vadd.f32 v48, v49;
	v49 =	vadd.f32 v55, v51;
	v52 =	vperm.xlane v39, v0  }
0x41b: {  	v41 =	vadd.f32 v42, v41;
	v37 =	vadd.f32 v46, v37;
	v42 =	vperm.xlane v43, v3  }
0x41c: {  	v40 =	vadd.f32 v44, v40;
	v44 =	vadd.f32 v49, v48;
	v46 =	vperm.xlane v50, v0  }
0x41d: {  	v39 =	vadd.f32 v39, v52;
	v42 =	vadd.f32 v42, v43;
	v43 =	vperm.xlane v37, v3  }
0x41e: {  	v45 =	vadd.f32 v45, v47;
	v47 =	vperm.xlane v40, v0;
	v48 =	vperm.xlane v41, v0  }
0x41f: {  	v46 =	vadd.f32 v50, v46;
	v43 =	vadd.f32 v43, v37;
	v37 =	vmul.f32 $1.562500000e-02, v42  }
0x420: {  	v41 =	vadd.f32 v41, v48;
	v42 =	vperm.xlane v39, v1;
	v48 =	vperm.xlane v44, v0  }
0x421: {  	v40 =	vadd.f32 v40, v47;
	v43 =	vmul.f32 $1.562500000e-02, v43;
	v47 =	vmul.f32 v37, v37  }
0x422: {  	v49 =	vperm.xlane v45, v1;
	v44 =	vadd.f32 v44, v48;
	v48 =	vperm.xlane v46, v1  }
0x423: {  	v39 =	vadd.f32 v42, v39;
	v42 =	vperm.xlane v41, v1;
	v43 =	vsub.f32 v43, v47  }
0x424: {  	v45 =	vadd.f32 v49, v45;
	v47 =	vperm.xlane v40, v1;
	v46 =	vadd.f32 v48, v46  }
0x425: {  	v41 =	vadd.f32 v42, v41;
	v42 =	vperm.xlane v44, v1;
	v43 =	vadd.f32 $9.999999740e-06, v43  }
0x426: {  	v48 =	vperm.xlane v39, v2;
	v40 =	vadd.f32 v47, v40;
	v47 =	vperm.xlane v45, v2  }
0x427: {  	v42 =	vadd.f32 v42, v44;
	v44 =	vshra.s32 v43, $0x1;
	v43 =	vmul.f32 $5.000000000e-01, v43  }
0x428: {  	v39 =	vadd.f32 v48, v39;
	v48 =	vperm.xlane v46, v2;
	v44 =	vsub.s32 $0x5F3759DF, v44  }
0x429: {  	v49 =	vperm.xlane v41, v2;
	v45 =	vadd.f32 v47, v45;
	v47 =	vmul.f32 v44, v43  }
0x42a: {  	v50 =	vperm.xlane v40, v2;
	v46 =	vadd.f32 v48, v46;
	v48 =	vperm.xlane v42, v2  }
0x42b: {  	v41 =	vadd.f32 v49, v41;
	v49 =	vperm.xlane v39, v3;
	v47 =	vmul.f32 v44, v47  }
0x42c: {  	v40 =	vadd.f32 v50, v40;
	v50 =	vperm.xlane v45, v3;
	v42 =	vadd.f32 v48, v42  }
0x42d: {  	v39 =	vadd.f32 v49, v39;
	v48 =	vperm.xlane v46, v3;
	v47 =	vsub.f32 $1.500000000e+00, v47  }
0x42e: {  	v49 =	vperm.xlane v41, v3;
	v45 =	vadd.f32 v50, v45;
	v50 =	vperm.xlane v40, v3  }
0x42f: {  	v46 =	vadd.f32 v48, v46;
	v48 =	vperm.xlane v42, v3;
	v44 =	vmul.f32 v44, v47  }
0x430: {  	v41 =	vadd.f32 v49, v41;
	v39 =	vmul.f32 $1.562500000e-02, v39;
	v40 =	vadd.f32 v50, v40  }
0x431: {  	v45 =	vmul.f32 $1.562500000e-02, v45;
	v42 =	vadd.f32 v48, v42;
	v43 =	vmul.f32 v44, v43  }
0x432: {  	v41 =	vmul.f32 $1.562500000e-02, v41;
	v38 =	vsub.f32 v38, v39;
	v46 =	vmul.f32 $1.562500000e-02, v46  }
0x433: {  	v35 =	vsub.f32 v35, v39;
	v47 =	vmul.f32 v39, v39;
	v43 =	vmul.f32 v43, v44  }
0x434: {  	v48 =	vsub.f32 v36, v39;
	v36 =	vmul.f32 $1.562500000e-02, v40;
	v40 =	vmul.f32 v45, v45  }
0x435: {  	v42 =	vmul.f32 $1.562500000e-02, v42;
	v49 =	vmul.f32 v46, v46;
	v43 =	vsub.f32 $1.500000000e+00, v43  }
0x436: {  	v25 =	vmul.f32 v25, v7;
	v41 =	vsub.f32 v41, v47;
	v36 =	vsub.f32 v36, v40  }
0x437: {  	v26 =	vsub.f32 v26, v37;
	v40 =	vsub.f32 v42, v49;
	v42 =	vmul.f32 v43, v44  }
0x438: {  	v41 =	vadd.f32 $9.999999740e-06, v41;
	v43 =	vadd.f32 $9.999999740e-06, v36;
	v36 =	vmul.f32 v12, v6  }
0x439: {  	v39 =	vsub.f32 v33, v39;
	v12 =	vadd.f32 $9.999999740e-06, v40;
	v26 =	vmul.f32 v42, v26  }
0x43a: {  	v33 =	vshra.s32 v41, $0x1;
	v40 =	vmul.f32 $5.000000000e-01, v41;
	v41 =	vshra.s32 v43, $0x1  }
0x43b: {  	v43 =	vmul.f32 $5.000000000e-01, v43;
	v44 =	vshra.s32 v12, $0x1;
	v26 =	vmul.f32 v26, v7  }
0x43c: {  	v33 =	vsub.s32 $0x5F3759DF, v33;
	v12 =	vmul.f32 $5.000000000e-01, v12;
	v41 =	vsub.s32 $0x5F3759DF, v41  }
0x43d: {  	v47 =	vmul.f32 v33, v40;
	v44 =	vsub.s32 $0x5F3759DF, v44;
	v26 =	vadd.f32 v26, v11  }
0x43e: {  	s24 =	sadd.s32 $0x200, s24;
	v50 =	vsub.f32 v24, v45;
	v49 =	vmul.f32 v41, v43;
	v51 =	vmul.f32 v44, v12  }
0x43f: {  	v52 =	vsub.f32 v27, v45;
	v24 =	vsub.f32 v28, v45;
	v47 =	vmul.f32 v33, v47;
	[tilespmem:s24+$0xB0] =	vst v26  }
0x440: {  	v27 =	vsub.f32 v29, v45;
	v29 =	vmul.f32 v44, v51;
	v26 =	vmul.f32 v41, v49  }
0x441: {  	v28 =	vsub.f32 v30, v46;
	v45 =	vsub.f32 $1.500000000e+00, v47  }
0x442: {  	v47 =	vsub.f32 $1.500000000e+00, v29;
	v26 =	vsub.f32 $1.500000000e+00, v26  }
0x443: {  	v30 =	vsub.f32 v31, v46;
	v33 =	vmul.f32 v33, v45;
	v29 =	vsub.f32 v32, v46  }
0x444: {  	v32 =	vmul.f32 v44, v47;
	v31 =	vmul.f32 v41, v26;
	v26 =	vsub.f32 v34, v46  }
0x445: {  	v14 =	vsub.f32 v14, v37;
	v17 =	vsub.f32 v17, v37;
	v34 =	vmul.f32 v33, v40  }
0x446: {  	v19 =	vsub.f32 v19, v37;
	v12 =	vmul.f32 v32, v12;
	v40 =	vmul.f32 v31, v43  }
0x447: {  	v22 =	vadd.f32 v22, v11;
	v14 =	vmul.f32 v42, v14;
	v34 =	vmul.f32 v34, v33  }
0x448: {  	v41 =	vadd.f32 v23, v8;
	v37 =	vmul.f32 v40, v31;
	v40 =	vmul.f32 v12, v32  }
0x449: {  	v17 =	vmul.f32 v42, v17;
	v34 =	vsub.f32 $1.500000000e+00, v34;
	v12 =	vmul.f32 v42, v19;
	[tilespmem:s25+$0xFFFFFF30] =	vst v22  }
0x44a: {  	v23 =	vmul.f32 v14, v4;
	v19 =	vsub.f32 $1.500000000e+00, v37;
	v37 =	vsub.f32 $1.500000000e+00, v40;
	[tilespmem:s25+$0xFFFFFF80] =	vst v41  }
.Ltmp8:
0x44b: {  	v14 =	vmul.f32 v34, v33;
	v22 =	vmul.f32 v17, v5;
	v34 =	vadd.f32 v20, v9;
	(pc) =	sbr.rel @p1 .LBB2_13-.Ltmp8, $4  }
0x44c: {  	v17 =	vmul.f32 v19, v31;
	v20 =	vmul.f32 v37, v32;
	v19 =	vadd.f32 v21, v10  }
0x44d: {  	v33 =	vmul.f32 v14, v38;
	v32 =	vmul.f32 v14, v35;
	[tilespmem:s25+$0xFFFFFF90] =	vst v34;
	v34 =	vadd.f32 v16, v11  }
0x44e: {  	v31 =	vmul.f32 v14, v48;
	v21 =	vmul.f32 v14, v39;
	[tilespmem:s25+$0xFFFFFFA0] =	vst v19;
	v19 =	vadd.f32 v18, v8  }
0x44f: {  	v15 =	vadd.f32 v15, v9;
	s28 =	sadd.s32 $0x200, s28;
	v16 =	vmul.f32 v17, v52;
	v18 =	vmul.f32 v17, v50;
	[tilespmem:s25+$0xFFFFFFB0] =	vst v34  }
0x450: {  	[tilespmem:s25+$0x0] =	vst v19;
	v13 =	vadd.f32 v13, v10  }
0x451: {  	v14 =	vadd.f32 v25, v11;
	[tilespmem:s25+$0x10] =	vst v15  }
0x452: {  	v41 =	vadd.f32 v23, v8;
	[tilespmem:s25+$0x20] =	vst v13  }
0x453: {  	v42 =	vmul.f32 v33, v4;
	v43 =	vadd.f32 v22, v9;
	[tilespmem:s25+$0x30] =	vst v14  }
0x454: {  	v44 =	vmul.f32 v32, v5;
	v45 =	vadd.f32 v36, v10;
	[tilespmem:s24+$0x80] =	vst v41  }
0x455: {  	v46 =	vmul.f32 v31, v6;
	v13 =	vadd.f32 v42, v8;
	[tilespmem:s24+$0x90] =	vst v43  }
0x456: {  	v47 =	vmul.f32 v21, v7;
	v14 =	vadd.f32 v44, v9;
	[tilespmem:s25+$0xA0] =	vst v45  }
0x457: {  	v12 =	vmul.f32 v12, v6;
	v49 =	vadd.f32 v46, v10;
	[tilespmem:s24+$0xFFFFFF00] =	vst v13  }
0x458: {  	v48 =	vmul.f32 v17, v24;
	v18 =	vmul.f32 v18, v4;
	v51 =	vadd.f32 v47, v11;
	[tilespmem:s24+$0xFFFFFF10] =	vst v14  }
0x459: {  	v50 =	vmul.f32 v17, v27;
	v16 =	vmul.f32 v16, v5;
	v12 =	vadd.f32 v12, v10;
	[tilespmem:s24+$0xFFFFFF20] =	vst v49  }
0x45a: {  	v52 =	vmul.f32 v20, v28;
	v15 =	vmul.f32 v48, v6;
	v53 =	vadd.f32 v18, v8;
	[tilespmem:s24+$0xFFFFFF30] =	vst v51  }
0x45b: {  	v54 =	vmul.f32 v20, v30;
	v17 =	vmul.f32 v50, v7;
	v55 =	vadd.f32 v16, v9;
	[tilespmem:s24+$0xA0] =	vst v12  }
0x45c: {  	v56 =	vmul.f32 v20, v29;
	v19 =	vmul.f32 v52, v4;
	v57 =	vadd.f32 v15, v10;
	[tilespmem:s24+$0xFFFFFF80] =	vst v53  }
0x45d: {  	v58 =	vmul.f32 v20, v26;
	v18 =	vmul.f32 v54, v5;
	v59 =	vadd.f32 v17, v11;
	[tilespmem:s24+$0xFFFFFF90] =	vst v55  }
0x45e: {  	v16 =	vmul.f32 v56, v6;
	v60 =	vadd.f32 v19, v8;
	[tilespmem:s24+$0xFFFFFFA0] =	vst v57  }
0x45f: {  	v15 =	vmul.f32 v58, v7;
	v61 =	vadd.f32 v18, v9;
	[tilespmem:s24+$0xFFFFFFB0] =	vst v59  }
.Ltmp9:
0x460: {  	v62 =	vadd.f32 v16, v10;
	[tilespmem:s24+$0x0] =	vst v60;
	(pc) =	sbr.rel @p0 .LBB2_16-.Ltmp9, $4  }
0x461: {  	s26 =	sadd.s32 s23, s11;
	v63 =	vadd.f32 v15, v11;
	[tilespmem:s24+$0x10] =	vst v61  }
0x462: {  	s25 =	sshll.u32 s26, $0x4;
	[tilespmem:s24+$0x20] =	vst v62  }
0x463: {  	s28 =	sadd.s32 s6, s25;
	[tilespmem:s24+$0x30] =	vst v63  }
0x464: {  	[hbm4b:s28+s4] =	stream.linear.scatter [tilespmem:s14], [sflag:$0x6], $0x4000, $0x38;
	[tilespmem:$0x1E500] =	vst v63  }
.Ltmp10:
0x465: {  	(pc) =	sbr.rel .LBB2_2-.Ltmp10, $4  }
0x466: {  	s24 =	sadd.s32 $0x380, s23  }
0x467: {  	[tilespmem:s29], [sflag:$0x4] =	stream.indirect.gather [hbm4b:s5+s16], $0x80, s24, s16, $0xb8;
	[tilespmem:$0x1E500] =	vst v63  }
0x468: {  	s28 =	sadd.s32 $0x3C0, s23;
	s22 =	sadd.s32 $0x1, s22  }
0x469: {  	[tilespmem:s31], [sflag:$0x4] =	stream.indirect.gather [hbm4b:s5+s16], $0x80, s28, s16, $0xb8;
	[tilespmem:$0x1E500] =	vst v63  }
.LBB2_17:
0x46a: {  	_ =	sfence.sel $0x180000  }
0x46b: {  	[bflag:$0x0] =	sbarrier.arrive $0xFFFF  }
0x46c: {  	_ =	strace $0x90000047  }
0x46d: {  	s0 =	stileid.u32;
	[bflag:$0x2] =	sbarrier.arrive $0xFFFF  }
0x46e: {  	p0 =	sne.s32 s0, $0x0;
	s0 =	rddreg [dreg:$0x4]  }
0x46f: {  	s0 =	sadd.s32 @!p0 $0x100000, s0  }
0x470: {  	[sflag:s0] =	ssyncadd.tile.s32 @!p0 $0x1;
	_ =	shalt  }
.Lfunc_end2:
_tile_overlayer_lowered:
.L_overlay_start_2:
0x471: {  	(tag) =	ssettag $0x2  }
0x472: {  	s0 =	rddreg [dreg:$0x0];
	s2 =	stileid.u32  }
0x473: {  	s1 =	rddreg [dreg:$0x1];
	p0 =	sne.s32 s2, $0x0  }
0x474: {  	s3 =	rddreg [dreg:$0x2];
	[bflag:$0x3] =	sbarrier.arrive $0xFFFF;
	s2 =	simm.s32 @!p0 $0x1C07  }
0x475: {  	[timem:s3], [sflag:s2] =	dma.local @!p0 [hbm:s0], s1  }
0x476: {  	s0 =	simm.s32 @!p0 $0x7  }
0x477: {  	_ =	swait.ge @!p0 [sflag:s0], s1  }
0x478: {  	s1 =	ssub.s32 @!p0 $0x0, s1;
	[sflag:s0] =	ssyncset.done @!p0 $0x0  }
0x479: {  	[sflag:s0] =	ssyncadd.s32 @!p0 s1  }
0x47a: {  	[bflag:$0x3] =	sbarrier.arrive $0xFFFF  }
0x47b: {  	_ =	shalt  }

// kernel: sparse-core-data-format-call.cloned.1.call-start
scs
called_computation_lowered:
.L_overlay_start_0:
0x0: {  	s2 =	sld [smem:$0x3FD9]  }
0x1: {  	s3 =	sld [smem:$0x3FFE];
	_ =	sdelay $0x1  }
0x2: {  	s1 =	srdreg.scid  }
0x3: {  	s0 =	sand.u32 $0x1, s1  }
0x4: {  	s18 =	sshll.u32 s0, $0xA;
	s2 =	sadd.s32 s3, s2  }
0x5: {  	s2 =	sadd.s32 s2, s18  }
0x6: {  	[smem:$0x3FC4] =	sst s2  }
0x7: {  	_ = 	snop  }
0x8: {  	s2 =	sld [smem:$0x3FD0];
	(tm) =	ssettm $0x1  }
0x9: {  	s19 =	sld [smem:$0x3FFB];
	_ =	sdelay $0x3  }
0xa: {  	_ =	strace s19  }
0xb: {  	s3 =	sld [smem:$0x3FFC];
	_ =	sdelay $0x3  }
0xc: {  	_ =	strace s3  }
0xd: {  	s3 =	sld [smem:$0x3FFD];
	_ =	sdelay $0x3  }
0xe: {  	_ =	strace s3  }
0xf: {  	_ =	strace $0x8FFFFFFF  }
0x10: {  	s20 =	sld [smem:$0x3FDB];
	_ =	sdelay $0x1  }
0x11: {  	s4 =	simm.s32 $_scs_section_size  }
0x12: {  	s5 =	simm.s32 $_size__tile_overlayer_lowered;
	s6 =	simm.s32 $_tile_overlayer_lowered  }
0x13: {  	s23 =	simm.s32 $0x1BFF;
	s22 =	sshll.u32 s6, $0x1;
	s3 =	sadd.s32 s4, s20  }
0x14: {  	s7 =	simm.s32 $0x0;
	s21 =	sshll.u32 s5, $0x1;
	s5 =	sadd.s32 s22, s3  }
0x15: {  	[timem:s7], [sflag:s23] =	dma.local [hbm:s5], s21  }
0x16: {  	_ =	swait.ge [sflag:s23], s21  }
0x17: {  	s4 =	ssub.s32 $0x0, s21;
	[sflag:s23] =	ssyncset.done $0x0  }
0x18: {  	[sflag:s23] =	ssyncadd.s32 s4;
	_ =	sdelay $0x1  }
0x19: {  	s24 =	simm.s32 $0x1B8B  }
0x1a: {  	_ =	swait.ge [sflag:s24], $0x1  }
0x1b: {  	[sflag:s24] =	ssyncset.done $0x0  }
0x1c: {  	s26 =	simm.s32 $0x1B8E;
	s25 =	sld [smem:$0x3FFE];
	[sflag:s24] =	ssyncadd.s32 $0xFFFFFFFF  }
0x1d: {  	s27 =	simm.s32 $execute0_lowered;
	[smem:$0x3FD2] =	sst s26  }
0x1e: {  	s5 =	sshll.u32 s27, $0x1;
	_ =	strace $0x80000049;
	[dreg:$0x1] =	wrdreg $0xFFFFFFFF  }
0x1f: {  	s28 =	simm.s32 $_size_execute0_lowered;
	s3 =	sadd.s32 s3, s5;
	[dreg:$0x0] =	wrdreg $0x0  }
0x20: {  	s5 =	sshll.u32 s28, $0x1;
	[dreg:$0x2] =	wrdreg s3  }
0x21: {  	[dreg:$0x3] =	wrdreg s5  }
0x22: {  	[dreg:$0x4] =	wrdreg $0xC0  }
0x23: {  	_ =	task [dreg:s7], $0x5FFFF  }
0x24: {  	[dreg:$0x1] =	wrdreg $0xFFFFFFFF  }
0x25: {  	[dreg:$0x0] =	wrdreg $0x60  }
0x26: {  	[dreg:$0x2] =	wrdreg s25  }
0x27: {  	[dreg:$0x3] =	wrdreg s2  }
0x28: {  	[dreg:$0x4] =	wrdreg $0x9  }
0x29: {  	_ =	task.clear_ibuf [dreg:s7], $0x5FFFF;
	_ =	strace $0x90000049  }
0x2a: {  	s29 =	simm.s32 $0x9;
	_ =	strace $0x8000004B  }
0x2b: {  	_ =	swait.ge [sflag:s29], $0x1  }
0x2c: {  	[sflag:s29] =	ssyncadd.s32 $0xFFFFFFFF  }
0x2d: {  	_ =	strace $0x9000004B  }
0x2e: {  	_ =	sfence  }
0x2f: {  	s30 =	sld [smem:$0x0];
	_ =	sdelay $0x2  }
0x30: {  	s31 =	sshll.u32 s1, $0xD;
	s1 =	sshrl.u32 s1, $0x2  }
0x31: {  	s3 =	sand.u32 $0x4000, s31;
	s1 =	sadd.s32 s1, s30  }
0x32: {  	s0 =	sor.u32 s3, s0;
	s1 =	sshll.u32 s1, $0x11  }
0x33: {  	s0 =	sor.u32 s1, s0  }
0x34: {  	s0 =	sadd.s32 $0x8F2B, s0  }
0x35: {  	[sflag:s0] =	ssyncadd.remote.s32 $0x1  }
0x36: {  	_ =	sfence.sel $0xFFFF  }
0x37: {  	[dreg:$0x0] =	wrdreg $0xFFFFFFFF;
	(pc) =	sbr.abs _section_cstart, $3  }
0x38: {  	[dreg:$0x1] =	wrdreg $0xFFFFFFFF  }
0x39: {  	_ =	task.clear_ibuf [dreg:s7], $0x2FFFF;
	_ =	strace $0x9FFFFFFF  }
0x3a: {  	(tm) =	ssettm $0x7FFFFFFF  }
0x3b: {  	_ =	shalt  }
tec
execute0_lowered:
.L_overlay_start_1:
0x0: {  	(tag) =	ssettag $0x1  }
0x1: {  	s0 =	srdreg.scid  }
0x2: {  	s1 =	sshll.u32 s0, $0x4  }
0x3: {  	s0 =	stileid.u32;
	s1 =	sand.u32 $0x10, s1  }
0x4: {  	s1 =	sor.u32 s0, s1  }
0x5: {  	s6 =	rddreg [dreg:$0x0];
	s4 =	simm.s32 $0x1;
	s2 =	sshll.u32 s1, $0x7  }
0x6: {  	s7 =	simm.s32 $0x2;
	s12 =	simm.s32 $0x0;
	s1 =	ssub.s32 $0x1000, s2  }
0x7: {  	s8 =	simm.s32 $0x8000;
	s13 =	simm.s32 $0x0;
	s3 =	sand.u32 $0xF80, s1  }
0x8: {  	s9 =	simm.s32 $0x0;
	s5 =	sshrl.u32 s1, $0xC;
	p0 =	sne.s32 s3, $0x0  }
.Ltmp0:
0x9: {  	s1 =	rddreg [dreg:$0x2];
	s4 =	simm.s32 @!p0 $0x0;
	(pc) =	sbr.rel .LBB1_1-.Ltmp0, $4  }
0xa: {  	s11 =	simm.s32 $0x0;
	s3 =	rddreg [dreg:$0x1];
	s5 =	sadd.s32 s4, s5  }
0xb: {  	_ =	strace $0x8000004A;
	s4 =	simm.s32 $0x1;
	s5 =	smul.u32 $0xC8, s5  }
0xc: {  	s6 =	sadd.s32 $0xA00, s6;
	s10 =	smov.u32 s2;
	[sflag:s4] =	ssyncpa.u1 $0x0  }
0xd: {  	p0 =	por $0x0, $0x0;
	[sflag:s7] =	ssyncpa.u1 $0x0;
	s7 =	sor.u32 $0x1, s5  }
.LBB1_4:
0xe: {  	s16 =	sshll.u32 s13, $0x3;
	s17 =	sand.u32 $0x78, s13  }
0xf: {  	s30 =	sand.u32 $0x7E00, s13;
	s12 =	sshll.u32 s12, $0xF;
	s16 =	sand.u32 $0xC00, s16  }
0x10: {  	[tilespmem:s15+$0x810 ss:$0x81] =	vst.msk $0xffff, v2;
	s31 =	sand.u32 $0x7, s13;
	s16 =	sor.u32 s17, s16;
	s17 =	sadd.s32 s3, s30  }
0x11: {  	[tilespmem:s15+$0x1020 ss:$0x81] =	vst.msk $0xffff, v0;
	s13 =	sshll.u32 s31, $0x12;
	s12 =	sadd.s32 s12, s17;
	s16 =	sshrl.u32 s16, $0x3  }
0x12: {  	[tilespmem:s15+$0x0 ss:$0x81] =	vst.msk $0xffff, v1;
	s13 =	sor.u32 $0x400, s13;
	s12 =	sadd.s32 s16, s12  }
0x13: {  	[hbm4b:s12+s13] =	stream.strided.scatter [tilespmem:s14], [sflag:$0x2], $0x2000, s8, s13, $0x20;
	[tilespmem:$0x8080] =	vst v63  }
.LBB1_5:
0x14: {  	s14 =	sadd.s32 $0x1, s9  }
0x15: {  	s12 =	sadd.s32 $0x1000, s10;
	s16 =	smov.u32 s10;
	p2 =	sgt.s32 s14, $0xC7  }
0x16: {  	s16 =	smov.u32 @p2 s12  }
0x17: {  	s14 =	simm.s32 @p2 $0x0;
	p2 =	sgt.s32 s16, $0xFFF  }
0x18: {  	s16 =	smov.u32 @p2 s2;
	p2 =	sne.s32 s11, s7  }
.Ltmp1:
0x19: {  	p1 =	slt.u32 s11, $0x2;
	(pc) =	sbr.rel @!p2 .LBB1_6-.Ltmp1, $4  }
0x1a: {  	s15 =	simm.s32 @!p1 $0x2  }
0x1b: {  	s13 =	smov.u32 s10;
	p0 =	por !p0, !p0;
	_ =	swait.ge @!p1 [sflag:s15], $0x2000  }
0x1c: {  	s12 =	smov.u32 s9;
	[sflag:s15] =	ssyncset.done @!p1 $0x0;
	s9 =	smov.u32 s14  }
0x1d: {  	s11 =	sadd.s32 $0x1, s11;
	[sflag:s15] =	ssyncadd.s32 @!p1 $0xFFFFE000;
	s10 =	smov.u32 s16  }
.LBB1_1:
0x1e: {  	p1 =	sge.u32 s11, s5  }
0x1f: {  	s14 =	sand.u32 @!p1 $0x1FFFFFF, s9  }
0x20: {  	s15 =	smulhi.u32 @!p1 $0x147AE15, s14;
	_ =	sdelay $0x1  }
0x21: {  	s15 =	smul.u32 @!p1 $0xC8, s15  }
0x22: {  	s16 =	sxor.u32 @!p1 $0xFFFFFFFF, s11;
	s17 =	smul.u32 @!p1 $0xC80, s10  }
0x23: {  	s31 =	sadd.s32 $0xFFFFFFFF, s11;
	s16 =	sshll.u32 @!p1 s16, $0xD;
	s14 =	ssub.s32 @!p1 s14, s15  }
0x24: {  	s15 =	sand.u32 @!p1 $0x2000, s16;
	s16 =	sadd.s32 @!p1 s6, s17;
	s14 =	sshll.u32 @!p1 s14, $0x4  }
0x25: {  	s17 =	simm.s32 @!p1 $0x6400;
	s14 =	sadd.s32 @!p1 s14, s16;
	s16 =	simm.s32 @!p1 $0x40  }
0x26: {  	[tilespmem:s15], [sflag:$0x1] =	stream.strided.gather @!p1 [hbm4b:s14+s16], $0x2000, s17, s16, $0x38;
	[tilespmem:$0x8080] =	vst v63  }
0x27: {  	p1 =	sge.u32 s31, s5  }
.Ltmp2:
0x28: {  	_ = 	snop;
	(pc) =	sbr.rel @p1 .LBB1_5-.Ltmp2, $1  }
0x29: {  	_ =	sdelay $0x3  }
0x2a: {  	s14 =	simm.s32 $0x1  }
0x2b: {  	_ =	swait.ge [sflag:s4], $0x2000;
	s14 =	simm.s32 @!p0 $0x0  }
0x2c: {  	[sflag:s4] =	ssyncset.done $0x0;
	s15 =	sshll.u32 s14, $0xD  }
0x2d: {  	[sflag:s4] =	ssyncadd.s32 $0xFFFFE000;
	s18 =	sor.u32 $0x20, s15  }
0x2e: {  	s14 =	smul.u32 $0x8100, s14;
	v3 =	vld [tilespmem:s18+$0x10]  }
0x2f: {  	s30 =	sand.u32 $0x1, s11;
	v2 =	vld [tilespmem:s18+$0xFFFFFFF0]  }
0x30: {  	s15 =	smul.u32 $0x8100, s30;
	s14 =	sshrl.u32 s14, $0x2;
	v0 =	vld [tilespmem:s18+$0x0]  }
0x31: {  	v1 =	vld [tilespmem:s18+$0xFFFFFFE0];
	s16 =	sor.u32 $0x4000, s14  }
0x32: {  	s31 =	sshrl.u32 s15, $0x2;
	s15 =	sadd.s32 $0x0, s16  }
0x33: {  	s17 =	simm.s32 $0x4;
	s18 =	sadd.s32 $0x40, s18;
	s14 =	sor.u32 $0x4000, s31;
	[tilespmem:s15+$0x1830 ss:$0x81] =	vst.msk $0xffff, v3  }
.LBB1_3:
0x34: {  	v3 =	vld [tilespmem:s18+$0x10];
	p1 =	sne.s32 s17, $0x1FC;
	[tilespmem:s15+$0x810 ss:$0x81] =	vst.msk $0xffff, v2;
	s19 =	smov.u32 s17;
	s17 =	sadd.s32 $0x4, s17  }
.Ltmp3:
0x35: {  	v2 =	vld [tilespmem:s18+$0xFFFFFFF0];
	[tilespmem:s15+$0x1020 ss:$0x81] =	vst.msk $0xffff, v0;
	(pc) =	sbr.rel @p1 .LBB1_3-.Ltmp3, $4  }
0x36: {  	v0 =	vld [tilespmem:s18+$0x0];
	[tilespmem:s15+$0x0 ss:$0x81] =	vst.msk $0xffff, v1  }
0x37: {  	s15 =	sshra.s32 s19, $0x2;
	v1 =	vld [tilespmem:s18+$0xFFFFFFE0]  }
0x38: {  	s15 =	sadd.s32 s15, s16  }
0x39: {  	s18 =	sadd.s32 $0x40, s18;
	[tilespmem:s15+$0x1830 ss:$0x81] =	vst.msk $0xffff, v3  }
.Ltmp4:
0x3a: {  	_ = 	snop;
	(pc) =	sbr.rel .LBB1_4-.Ltmp4, $1  }
0x3b: {  	_ =	sdelay $0x3  }
.LBB1_6:
0x3c: {  	_ =	sfence.sel $0x180000  }
0x3d: {  	s2 =	simm.s32 $0x1;
	[bflag:$0x0] =	sbarrier.arrive $0xFFFF  }
0x3e: {  	s31 =	simm.s32 $0x2;
	[sflag:s2] =	ssyncpa.u1 $0x1  }
0x3f: {  	[sflag:s31] =	ssyncpa.u1 $0x1  }
0x40: {  	p0 =	sne.s32 s0, $0x0;
	_ =	strace $0x9000004A  }
0x41: {  	s0 =	sadd.s32 @!p0 $0x100000, s1;
	[bflag:$0x2] =	sbarrier.arrive $0xFFFF  }
0x42: {  	[sflag:s0] =	ssyncadd.tile.s32 @!p0 $0x1;
	_ =	shalt  }
.Lfunc_end1:
_tile_overlayer_lowered:
.L_overlay_start_2:
0x43: {  	(tag) =	ssettag $0x2  }
0x44: {  	s0 =	rddreg [dreg:$0x0];
	s2 =	stileid.u32  }
0x45: {  	s1 =	rddreg [dreg:$0x1];
	p0 =	sne.s32 s2, $0x0  }
0x46: {  	s3 =	rddreg [dreg:$0x2];
	[bflag:$0x3] =	sbarrier.arrive $0xFFFF;
	s2 =	simm.s32 @!p0 $0x1C01  }
0x47: {  	[timem:s3], [sflag:s2] =	dma.local @!p0 [hbm:s0], s1  }
0x48: {  	s0 =	simm.s32 @!p0 $0x1  }
0x49: {  	_ =	swait.ge @!p0 [sflag:s0], s1  }
0x4a: {  	s1 =	ssub.s32 @!p0 $0x0, s1;
	[sflag:s0] =	ssyncset.done @!p0 $0x0  }
0x4b: {  	[sflag:s0] =	ssyncadd.s32 @!p0 s1  }
0x4c: {  	[bflag:$0x3] =	sbarrier.arrive $0xFFFF  }
0x4d: {  	_ =	shalt  }

</sc_bundles>
